<compile_context>
chip_gen: v7x
topology: tpu7x:2x2x1
jax: 0.10.2.dev20260603
libtpu: 0.0.44.dev20260713+nightly
codegen_flags: <defaults>
</compile_context>

<pallas_src>
import functools
import math

import jax
import jax.numpy as jnp
from jax import lax
from jax.experimental import pallas as pl
from jax.experimental.pallas import tpu as pltpu
from jax.experimental.pallas import tpu_sc as plsc

_B, _C, _H, _W = 4, 4, 64, 64
_ROWS = _H // 2
_L = 16
_R1 = 4
_R05 = 2
_TRMAX = _ROWS + 2 * _R1

_W1 = [math.exp(-(d - _R1) ** 2 / 2.0) for d in range(2 * _R1 + 1)]
_W05 = [math.exp(-2.0 * (d - _R05) ** 2) for d in range(2 * _R05 + 1)]


def _sc_body(x_hbm, out_hbm, xv, mp, tbuf, obuf, o2buf, pub, pbuf, pbuf2,
             stat_sh, dma_sem):
    core = lax.axis_index("c")
    s = lax.axis_index("s")
    iota = lax.broadcasted_iota(jnp.int32, (_L,), 0)

    is_blur = jnp.logical_or(core == 0, s < 8)
    is_copy = jnp.logical_and(core == 1, jnp.logical_and(s >= 8, s < 12))

    g0 = (s // 8) * 8
    sg = s - g0
    b = sg // 2
    half = sg % 2
    h0 = half * _ROWS
    c_img = jnp.where(core == 1, 3, jnp.where(s < 8, 2, 1))
    oc_out = jnp.where(core == 1, 3, jnp.where(s < 8, 1, 2))

    @pl.when(is_copy)
    def _():
        bc = s - 8
        pltpu.sync_copy(x_hbm.at[bc, 0], xv)
        pltpu.sync_copy(xv, out_hbm.at[bc, 0])

    def blur_and_stats(radius, wts):
        nt = 2 * radius + 1
        tr = _ROWS + 2 * radius
        pw = _W + 2 * radius
        cp = pltpu.async_copy(x_hbm.at[b, c_img], xv, dma_sem)

        def zero_body(i, _):
            mp[pl.ds(i * _L, _L)] = jnp.zeros((_L,), jnp.float32)
            return 0
        lax.fori_loop(0, (tr * pw + _L - 1) // _L, zero_body, 0)
        cp.wait()

        def fill_body(hl, carry):
            hg = h0 - radius + hl
            validf = jnp.where(
                jnp.logical_and(hg >= 0, hg < _H), 1.0, 0.0)
            ownf = jnp.where(
                jnp.logical_and(hg >= h0, hg < h0 + _ROWS), 1.0, 0.0)
            hgc = jnp.clip(hg, 0, _H - 1)
            new = []
            for k in range(_W // _L):
                v = xv[hgc, pl.ds(k * _L, _L)]
                m = jnp.where(v > 0, 1.0, 0.0) * validf
                plsc.store_scatter(
                    mp, [hl * pw + radius + k * _L + iota], m)
                new.append(jnp.maximum(carry[k], v * ownf + (ownf - 1.0) * 1e30))
            return tuple(new)
        xmax4 = lax.fori_loop(
            0, tr, fill_body,
            tuple(jnp.full((_L,), -1e30, jnp.float32) for _ in range(4)))
        xmaxp = jnp.maximum(jnp.maximum(xmax4[0], xmax4[1]),
                            jnp.maximum(xmax4[2], xmax4[3]))

        def hpass_body(hl, _):
            base = hl * pw
            for k in range(_W // _L):
                acc = jnp.zeros((_L,), jnp.float32)
                for d in range(nt):
                    g = plsc.load_gather(mp, [base + k * _L + d + iota])
                    acc = acc + wts[d] * g
                tbuf[hl, pl.ds(k * _L, _L)] = acc
            return 0
        lax.fori_loop(0, tr, hpass_body, 0)

        def vpass_body(h, omax):
            for k in range(_W // _L):
                acc = jnp.zeros((_L,), jnp.float32)
                for d in range(nt):
                    acc = acc + wts[d] * tbuf[h + d, pl.ds(k * _L, _L)]
                obuf[h, pl.ds(k * _L, _L)] = acc
                omax = jnp.maximum(omax, acc)
            return omax
        omaxp = lax.fori_loop(0, _ROWS, vpass_body,
                              jnp.zeros((_L,), jnp.float32))

        pub[pl.ds(0, _L)] = xmaxp
        pub[pl.ds(_L, _L)] = omaxp
        pltpu.sync_copy(pub, stat_sh.at[pl.ds(s * (2 * _L), 2 * _L)])

    @pl.when(core == 0)
    def _():
        blur_and_stats(_R1, _W1)
        @pl.when(s >= 8)
        def _():
            pltpu.sync_copy(obuf, out_hbm.at[b, 4, pl.ds(h0, _ROWS)])

        @pl.when(s < 8)
        def _():
            pltpu.sync_copy(x_hbm.at[b, 1, pl.ds(h0, _ROWS)], o2buf)

    @pl.when(jnp.logical_and(core == 1, s < 8))
    def _():
        blur_and_stats(_R05, _W05)

    plsc.subcore_barrier()

    @pl.when(is_blur)
    def _():
        pltpu.sync_copy(stat_sh.at[pl.ds(g0 * (2 * _L), 16 * _L)], pbuf)

        @pl.when(jnp.logical_and(core == 0, s < 8))
        def _():
            pltpu.sync_copy(stat_sh.at[pl.ds(16 * _L, 16 * _L)], pbuf2)

        xm = pbuf[pl.ds(0, _L)]
        for i in range(1, 8):
            xm = jnp.maximum(xm, pbuf[pl.ds(i * 2 * _L, _L)])
        has_pos = lax.reduce_max(xm, axes=(0,)) > 0
        hposf = jnp.where(has_pos, 1.0, 0.0)
        om = jnp.full((_L,), -1e30, jnp.float32)
        for i in range(8):
            self_b = jnp.where(b == i // 2, 1.0, 0.0)
            om = jnp.maximum(om, pbuf[pl.ds(i * 2 * _L + _L, _L)] * self_b +
                             (self_b - 1.0) * 1e30)
        maxv = lax.reduce_max(om, axes=(0,))
        mden = jnp.where(maxv == 0, 1.0, maxv)
        ones = jnp.ones((_L,), jnp.float32)
        inv = (ones * hposf) / (ones * mden)

        def norm_body(h, _):
            for k in range(_W // _L):
                o = obuf[h, pl.ds(k * _L, _L)]
                raw = xv[h0 + h, pl.ds(k * _L, _L)]
                obuf[h, pl.ds(k * _L, _L)] = o * inv + raw * (1.0 - hposf)
            return 0
        lax.fori_loop(0, _ROWS, norm_body, 0)
        pltpu.sync_copy(obuf, out_hbm.at[b, oc_out, pl.ds(h0, _ROWS)])

        @pl.when(jnp.logical_and(core == 0, s < 8))
        def _():
            pltpu.sync_copy(out_hbm.at[b, 4, pl.ds(h0, _ROWS)],
                            tbuf.at[pl.ds(0, _ROWS)])
            xm2 = pbuf2[pl.ds(0, _L)]
            for i in range(1, 8):
                xm2 = jnp.maximum(xm2, pbuf2[pl.ds(i * 2 * _L, _L)])
            hposf2 = jnp.where(lax.reduce_max(xm2, axes=(0,)) > 0, 1.0, 0.0)
            om2 = jnp.full((_L,), -1e30, jnp.float32)
            for i in range(8):
                self_b = jnp.where(b == i // 2, 1.0, 0.0)
                om2 = jnp.maximum(
                    om2, pbuf2[pl.ds(i * 2 * _L + _L, _L)] * self_b +
                    (self_b - 1.0) * 1e30)
            maxv2 = lax.reduce_max(om2, axes=(0,))
            mden2 = jnp.where(maxv2 == 0, 1.0, maxv2)
            inv2 = (ones * hposf2) / (ones * mden2)

            def prod_body(h, _):
                for k in range(_W // _L):
                    o2n = (tbuf[h, pl.ds(k * _L, _L)] * inv2 +
                           o2buf[h, pl.ds(k * _L, _L)] * (1.0 - hposf2))
                    o2buf[h, pl.ds(k * _L, _L)] = (
                        obuf[h, pl.ds(k * _L, _L)] * o2n)
                return 0
            lax.fori_loop(0, _ROWS, prod_body, 0)
            pltpu.sync_copy(o2buf, out_hbm.at[b, 4, pl.ds(h0, _ROWS)])


@jax.jit
def kernel(x):
    mesh = plsc.VectorSubcoreMesh(
        core_axis_name="c", subcore_axis_name="s", num_cores=2,
        num_subcores=16)
    f = functools.partial(
        pl.kernel,
        mesh=mesh,
        compiler_params=pltpu.CompilerParams(needs_layout_passes=False),
        out_type=jax.ShapeDtypeStruct((_B, 5, _H, _W), jnp.float32),
        scratch_types=[
            pltpu.VMEM((_H, _W), jnp.float32),
            pltpu.VMEM((_TRMAX * (_W + 2 * _R1),), jnp.float32),
            pltpu.VMEM((_TRMAX, _W), jnp.float32),
            pltpu.VMEM((_ROWS, _W), jnp.float32),
            pltpu.VMEM((_ROWS, _W), jnp.float32),
            pltpu.VMEM((2 * _L,), jnp.float32),
            pltpu.VMEM((16 * _L,), jnp.float32),
            pltpu.VMEM((16 * _L,), jnp.float32),
            pltpu.VMEM_SHARED((32 * _L,), jnp.float32),
            pltpu.SemaphoreType.DMA,
        ],
    )(_sc_body)
    return f(x)

# --- scband reference (transcript-rebuilt; emitter-appended) ---
"""Pipeline reference for scband-preprocessor-231928234184 (READ-ONLY COPY).

The authoritative reference and input builder live on the scoring server;
editing this copy changes nothing except your own understanding.
"""

import jax, jax.numpy as jnp
import numpy as np

HISTORY = True
MUL = True


def _gauss_map(bool_matrix, sigma_x=1.0, sigma_y=1.0):
    B, H, W = bool_matrix.shape
    mask = (bool_matrix > 0).astype(jnp.float32)
    x_coor = jnp.arange(H, dtype=jnp.float32)
    y_coor = jnp.arange(W, dtype=jnp.float32)
    dist_x = x_coor.reshape(H, 1) - x_coor.reshape(1, H)
    dist_y = y_coor.reshape(W, 1) - y_coor.reshape(1, W)
    g = jnp.exp(-(dist_x.reshape(H, 1, H, 1) ** 2 / (2.0 * sigma_x ** 2) + dist_y.reshape(1, W, 1, W) ** 2 / (2.0 * sigma_y ** 2)))
    batched = jnp.einsum('bij,hwij->bhw', mask, g)
    maxv = batched.reshape(B, -1).max(axis=1).reshape(B, 1, 1)
    maxv = jnp.where(maxv == 0, 1.0, maxv)
    has_pos = jnp.sum(mask) > 0
    return jnp.where(has_pos, batched / maxv, bool_matrix)


def setup_inputs(seed: int = 0):
    key = jax.random.key(seed)
    x = jax.random.normal(key, (4, 4, 64, 64), dtype=jnp.float32)
    return {"x": x}


def reference(x):
    out = []
    out.append(x[:, 0, :, :])
    out.append(_gauss_map(x[:, 2, :, :], 1.0, 1.0))
    out.append(_gauss_map(x[:, 1, :, :], 1.0, 1.0))
    if HISTORY:
        out.append(_gauss_map(x[:, 3, :, :], 0.5, 0.5))
    if MUL:
        out.append(out[1] * out[2])
    return jnp.stack(out, axis=1)

if __name__ == "__main__":
    import jax
    _d = setup_inputs()
    print(jax.jit(kernel)(*tuple(_d.values())))

</pallas_src>

<mosaic_0001>
#map = affine_map<(d0, d1) -> (0, 0, 0, 0)>
module attributes {stable_mosaic.version = 14 : i64} {
  func.func @_sc_body(%arg0: i32, %arg1: i32, %arg2: memref<4x4x64x64xf32, #tpu.memory_space<hbm>>, %arg3: memref<4x5x64x64xf32, #tpu.memory_space<hbm>>, %arg4: memref<64x64xf32, #tpu.memory_space<vmem>>, %arg5: memref<2880xf32, #tpu.memory_space<vmem>>, %arg6: memref<40x64xf32, #tpu.memory_space<vmem>>, %arg7: memref<32x64xf32, #tpu.memory_space<vmem>>, %arg8: memref<32x64xf32, #tpu.memory_space<vmem>>, %arg9: memref<32xf32, #tpu.memory_space<vmem>>, %arg10: memref<256xf32, #tpu.memory_space<vmem>>, %arg11: memref<256xf32, #tpu.memory_space<vmem>>, %arg12: memref<512xf32, #tpu.memory_space<vmem_shared>>, %arg13: memref<!tpu.dma_semaphore, #tpu.memory_space<semaphore_mem>>) attributes {dimension_semantics = [#tpu.dimension_semantics<core_parallel>, #tpu.dimension_semantics<subcore_parallel>], iteration_bounds = array<i64: 2, 16>, scalar_prefetch = 0 : i64, scratch_operands = 10 : i64, tpu.core_type = #tpu.core_type<sc_vector_subcore>, window_params = [{transform_indices = #map}, {transform_indices = #map}]} {
    %iota3A = tpu.iota {dimensions = array<i32: 0>} : vector<16xi32>
    %eq3A = arith.constant 0 : i32
    %eq3A_0 = arith.cmpi eq, %arg0, %eq3A : i32
    %lt3A = arith.constant 8 : i32
    %lt3A_1 = arith.cmpi slt, %arg1, %lt3A : i32
    %or3A = arith.ori %eq3A_0, %lt3A_1 : i1
    %eq3A_2 = arith.constant 1 : i32
    %eq3A_3 = arith.cmpi eq, %arg0, %eq3A_2 : i32
    %ge3A = arith.constant 8 : i32
    %ge3A_4 = arith.cmpi sge, %arg1, %ge3A : i32
    %lt3A_5 = arith.constant 12 : i32
    %lt3A_6 = arith.cmpi slt, %arg1, %lt3A_5 : i32
    %and3A = arith.andi %ge3A_4, %lt3A_6 : i1
    %and3A_7 = arith.andi %eq3A_3, %and3A : i1
    %jit3A = arith.constant 8 : i32
    %div3A = arith.divsi %arg1, %jit3A : i32
    %sign3A = arith.constant 0 : i32
    %sign3A_8 = arith.cmpi sgt, %arg1, %sign3A : i32
    %sign3A_9 = arith.extui %sign3A_8 : i1 to i32
    %sign3A_10 = arith.constant 0 : i32
    %sign3A_11 = arith.cmpi slt, %arg1, %sign3A_10 : i32
    %sign3A_12 = arith.extui %sign3A_11 : i1 to i32
    %sign3A_13 = arith.subi %sign3A_9, %sign3A_12 : i32
    %sign3A_14 = arith.constant 0 : i32
    %sign3A_15 = arith.cmpi sgt, %jit3A, %sign3A_14 : i32
    %sign3A_16 = arith.extui %sign3A_15 : i1 to i32
    %sign3A_17 = arith.constant 0 : i32
    %sign3A_18 = arith.cmpi slt, %jit3A, %sign3A_17 : i32
    %sign3A_19 = arith.extui %sign3A_18 : i1 to i32
    %sign3A_20 = arith.subi %sign3A_16, %sign3A_19 : i32
    %ne3A = arith.cmpi ne, %sign3A_13, %sign3A_20 : i32
    %rem3A = arith.remsi %arg1, %jit3A : i32
    %ne3A_21 = arith.constant 0 : i32
    %ne3A_22 = arith.cmpi ne, %rem3A, %ne3A_21 : i32
    %and3A_23 = arith.andi %ne3A, %ne3A_22 : i1
    %sub3A = arith.constant 1 : i32
    %sub3A_24 = arith.subi %div3A, %sub3A : i32
    %select_n3A = arith.select %and3A_23, %sub3A_24, %div3A : i32
    %mul3A = arith.constant 8 : i32
    %mul3A_25 = arith.muli %select_n3A, %mul3A : i32
    %sub3A_26 = arith.subi %arg1, %mul3A_25 : i32
    %jit3A_27 = arith.constant 2 : i32
    %div3A_28 = arith.divsi %sub3A_26, %jit3A_27 : i32
    %sign3A_29 = arith.constant 0 : i32
    %sign3A_30 = arith.cmpi sgt, %sub3A_26, %sign3A_29 : i32
    %sign3A_31 = arith.extui %sign3A_30 : i1 to i32
    %sign3A_32 = arith.constant 0 : i32
    %sign3A_33 = arith.cmpi slt, %sub3A_26, %sign3A_32 : i32
    %sign3A_34 = arith.extui %sign3A_33 : i1 to i32
    %sign3A_35 = arith.subi %sign3A_31, %sign3A_34 : i32
    %sign3A_36 = arith.constant 0 : i32
    %sign3A_37 = arith.cmpi sgt, %jit3A_27, %sign3A_36 : i32
    %sign3A_38 = arith.extui %sign3A_37 : i1 to i32
    %sign3A_39 = arith.constant 0 : i32
    %sign3A_40 = arith.cmpi slt, %jit3A_27, %sign3A_39 : i32
    %sign3A_41 = arith.extui %sign3A_40 : i1 to i32
    %sign3A_42 = arith.subi %sign3A_38, %sign3A_41 : i32
    %ne3A_43 = arith.cmpi ne, %sign3A_35, %sign3A_42 : i32
    %rem3A_44 = arith.remsi %sub3A_26, %jit3A_27 : i32
    %ne3A_45 = arith.constant 0 : i32
    %ne3A_46 = arith.cmpi ne, %rem3A_44, %ne3A_45 : i32
    %and3A_47 = arith.andi %ne3A_43, %ne3A_46 : i1
    %sub3A_48 = arith.constant 1 : i32
    %sub3A_49 = arith.subi %div3A_28, %sub3A_48 : i32
    %select_n3A_50 = arith.select %and3A_47, %sub3A_49, %div3A_28 : i32
    %jit3A_51 = arith.constant 2 : i32
    %eq3A_52 = arith.constant 0 : i32
    %eq3A_53 = arith.cmpi eq, %jit3A_51, %eq3A_52 : i32
    %jit3A_54 = arith.constant 1 : i32
    %select_n3A_55 = arith.select %eq3A_53, %jit3A_54, %jit3A_51 : i32
    %rem3A_56 = arith.remsi %sub3A_26, %select_n3A_55 : i32
    %ne3A_57 = arith.constant 0 : i32
    %ne3A_58 = arith.cmpi ne, %rem3A_56, %ne3A_57 : i32
    %lt3A_59 = arith.constant 0 : i32
    %lt3A_60 = arith.cmpi slt, %rem3A_56, %lt3A_59 : i32
    %lt3A_61 = arith.constant 0 : i32
    %lt3A_62 = arith.cmpi slt, %select_n3A_55, %lt3A_61 : i32
    %ne3A_63 = arith.xori %lt3A_60, %lt3A_62 : i1
    %and3A_64 = arith.andi %ne3A_63, %ne3A_58 : i1
    %add3A = arith.addi %rem3A_56, %select_n3A_55 : i32
    %select_n3A_65 = arith.select %and3A_64, %add3A, %rem3A_56 : i32
    %mul3A_66 = arith.constant 32 : i32
    %mul3A_67 = arith.muli %select_n3A_65, %mul3A_66 : i32
    %eq3A_68 = arith.constant 1 : i32
    %eq3A_69 = arith.cmpi eq, %arg0, %eq3A_68 : i32
    %lt3A_70 = arith.constant 8 : i32
    %lt3A_71 = arith.cmpi slt, %arg1, %lt3A_70 : i32
    %jit3A_72 = arith.constant 2 : i32
    %jit3A_73 = arith.constant 1 : i32
    %select_n3A_74 = arith.select %lt3A_71, %jit3A_72, %jit3A_73 : i32
    %jit3A_75 = arith.constant 3 : i32
    %select_n3A_76 = arith.select %eq3A_69, %jit3A_75, %select_n3A_74 : i32
    %eq3A_77 = arith.constant 1 : i32
    %eq3A_78 = arith.cmpi eq, %arg0, %eq3A_77 : i32
    %lt3A_79 = arith.constant 8 : i32
    %lt3A_80 = arith.cmpi slt, %arg1, %lt3A_79 : i32
    %jit3A_81 = arith.constant 1 : i32
    %jit3A_82 = arith.constant 2 : i32
    %select_n3A_83 = arith.select %lt3A_80, %jit3A_81, %jit3A_82 : i32
    %jit3A_84 = arith.constant 3 : i32
    %select_n3A_85 = arith.select %eq3A_78, %jit3A_84, %select_n3A_83 : i32
    %convert_element_type3A = arith.extui %and3A_7 : i1 to i32
    %cond3A = arith.constant 0 : i32
    %cond3A_86 = arith.cmpi ne, %convert_element_type3A, %cond3A : i32
    scf.if %cond3A_86 {
      %sub3A_103 = arith.constant 8 : i32
      %sub3A_104 = arith.subi %arg1, %sub3A_103 : i32
      %run_scoped3A = arith.constant 0 : i32
      "tpu.region"() ({
        %run_scoped3A_106 = tpu.sem_alloc : memref<!tpu.dma_semaphore, #tpu.memory_space<semaphore_mem>>
        %dma_start3A = arith.constant 0 : i32
        %dma_start3A_107 = arith.constant 0 : i32
        %dma_start3A_108 = tpu.memref_slice %arg2[%sub3A_104, %run_scoped3A, %dma_start3A, %dma_start3A_107] : memref<4x4x64x64xf32, #tpu.memory_space<hbm>> -> memref<1x1x64x64xf32, #tpu.memory_space<hbm>>
        %dma_start3A_109 = tpu.memref_squeeze %dma_start3A_108 : memref<1x1x64x64xf32, #tpu.memory_space<hbm>> -> memref<64x64xf32, #tpu.memory_space<hbm>>
        %dma_start3A_110 = arith.constant 0 : i32
        %dma_start3A_111 = arith.constant 0 : i32
        %dma_start3A_112 = tpu.memref_slice %arg2[%sub3A_104, %run_scoped3A, %dma_start3A_110, %dma_start3A_111] : memref<4x4x64x64xf32, #tpu.memory_space<hbm>> -> memref<1x1x64x64xf32, #tpu.memory_space<hbm>>
        %dma_start3A_113 = tpu.memref_squeeze %dma_start3A_112 : memref<1x1x64x64xf32, #tpu.memory_space<hbm>> -> memref<64x64xf32, #tpu.memory_space<hbm>>
        tpu.enqueue_dma source(%dma_start3A_113 : memref<64x64xf32, #tpu.memory_space<hbm>>) target(%arg4 : memref<64x64xf32, #tpu.memory_space<vmem>>) target_semaphore(%run_scoped3A_106 : memref<!tpu.dma_semaphore, #tpu.memory_space<semaphore_mem>>)
        %dma_wait3A = arith.constant 0 : i32
        %dma_wait3A_114 = arith.constant 0 : i32
        %dma_wait3A_115 = tpu.memref_slice %arg2[%sub3A_104, %run_scoped3A, %dma_wait3A, %dma_wait3A_114] : memref<4x4x64x64xf32, #tpu.memory_space<hbm>> -> memref<1x1x64x64xf32, #tpu.memory_space<hbm>>
        %dma_wait3A_116 = tpu.memref_squeeze %dma_wait3A_115 : memref<1x1x64x64xf32, #tpu.memory_space<hbm>> -> memref<64x64xf32, #tpu.memory_space<hbm>>
        %dma_wait3A_117 = arith.constant 0 : i32
        %dma_wait3A_118 = arith.constant 0 : i32
        %dma_wait3A_119 = tpu.memref_slice %arg2[%sub3A_104, %run_scoped3A, %dma_wait3A_117, %dma_wait3A_118] : memref<4x4x64x64xf32, #tpu.memory_space<hbm>> -> memref<1x1x64x64xf32, #tpu.memory_space<hbm>>
        %dma_wait3A_120 = tpu.memref_squeeze %dma_wait3A_119 : memref<1x1x64x64xf32, #tpu.memory_space<hbm>> -> memref<64x64xf32, #tpu.memory_space<hbm>>
        tpu.wait_dma2 semaphore(%run_scoped3A_106 : memref<!tpu.dma_semaphore, #tpu.memory_space<semaphore_mem>>) src(%dma_wait3A_120 : memref<64x64xf32, #tpu.memory_space<hbm>>) dst(%arg4 : memref<64x64xf32, #tpu.memory_space<vmem>>)
        tpu.yield
      }) : () -> ()
      %run_scoped3A_105 = arith.constant 0 : i32
      "tpu.region"() ({
        %run_scoped3A_106 = tpu.sem_alloc : memref<!tpu.dma_semaphore, #tpu.memory_space<semaphore_mem>>
        %dma_start3A = arith.constant 0 : i32
        %dma_start3A_107 = arith.constant 0 : i32
        %dma_start3A_108 = tpu.memref_slice %arg3[%sub3A_104, %run_scoped3A_105, %dma_start3A, %dma_start3A_107] : memref<4x5x64x64xf32, #tpu.memory_space<hbm>> -> memref<1x1x64x64xf32, #tpu.memory_space<hbm>>
        %dma_start3A_109 = tpu.memref_squeeze %dma_start3A_108 : memref<1x1x64x64xf32, #tpu.memory_space<hbm>> -> memref<64x64xf32, #tpu.memory_space<hbm>>
        %dma_start3A_110 = arith.constant 0 : i32
        %dma_start3A_111 = arith.constant 0 : i32
        %dma_start3A_112 = tpu.memref_slice %arg3[%sub3A_104, %run_scoped3A_105, %dma_start3A_110, %dma_start3A_111] : memref<4x5x64x64xf32, #tpu.memory_space<hbm>> -> memref<1x1x64x64xf32, #tpu.memory_space<hbm>>
        %dma_start3A_113 = tpu.memref_squeeze %dma_start3A_112 : memref<1x1x64x64xf32, #tpu.memory_space<hbm>> -> memref<64x64xf32, #tpu.memory_space<hbm>>
        tpu.enqueue_dma source(%arg4 : memref<64x64xf32, #tpu.memory_space<vmem>>) target(%dma_start3A_113 : memref<64x64xf32, #tpu.memory_space<hbm>>) target_semaphore(%run_scoped3A_106 : memref<!tpu.dma_semaphore, #tpu.memory_space<semaphore_mem>>)
        %dma_wait3A = arith.constant 0 : i32
        %dma_wait3A_114 = arith.constant 0 : i32
        %dma_wait3A_115 = tpu.memref_slice %arg3[%sub3A_104, %run_scoped3A_105, %dma_wait3A, %dma_wait3A_114] : memref<4x5x64x64xf32, #tpu.memory_space<hbm>> -> memref<1x1x64x64xf32, #tpu.memory_space<hbm>>
        %dma_wait3A_116 = tpu.memref_squeeze %dma_wait3A_115 : memref<1x1x64x64xf32, #tpu.memory_space<hbm>> -> memref<64x64xf32, #tpu.memory_space<hbm>>
        %dma_wait3A_117 = arith.constant 0 : i32
        %dma_wait3A_118 = arith.constant 0 : i32
        %dma_wait3A_119 = tpu.memref_slice %arg3[%sub3A_104, %run_scoped3A_105, %dma_wait3A_117, %dma_wait3A_118] : memref<4x5x64x64xf32, #tpu.memory_space<hbm>> -> memref<1x1x64x64xf32, #tpu.memory_space<hbm>>
        %dma_wait3A_120 = tpu.memref_squeeze %dma_wait3A_119 : memref<1x1x64x64xf32, #tpu.memory_space<hbm>> -> memref<64x64xf32, #tpu.memory_space<hbm>>
        tpu.wait_dma2 semaphore(%run_scoped3A_106 : memref<!tpu.dma_semaphore, #tpu.memory_space<semaphore_mem>>) src(%arg4 : memref<64x64xf32, #tpu.memory_space<vmem>>) dst(%dma_wait3A_120 : memref<64x64xf32, #tpu.memory_space<hbm>>)
        tpu.yield
      }) : () -> ()
    } else {
    }
    %eq3A_87 = arith.constant 0 : i32
    %eq3A_88 = arith.cmpi eq, %arg0, %eq3A_87 : i32
    %convert_element_type3A_89 = arith.extui %eq3A_88 : i1 to i32
    %cond3A_90 = arith.constant 0 : i32
    %cond3A_91 = arith.cmpi ne, %convert_element_type3A_89, %cond3A_90 : i32
    scf.if %cond3A_91 {
      %dma_start3A = arith.constant 0 : i32
      %dma_start3A_103 = arith.constant 0 : i32
      %dma_start3A_104 = tpu.memref_slice %arg2[%select_n3A_50, %select_n3A_76, %dma_start3A, %dma_start3A_103] : memref<4x4x64x64xf32, #tpu.memory_space<hbm>> -> memref<1x1x64x64xf32, #tpu.memory_space<hbm>>
      %dma_start3A_105 = tpu.memref_squeeze %dma_start3A_104 : memref<1x1x64x64xf32, #tpu.memory_space<hbm>> -> memref<64x64xf32, #tpu.memory_space<hbm>>
      %dma_start3A_106 = arith.constant 0 : i32
      %dma_start3A_107 = arith.constant 0 : i32
      %dma_start3A_108 = tpu.memref_slice %arg2[%select_n3A_50, %select_n3A_76, %dma_start3A_106, %dma_start3A_107] : memref<4x4x64x64xf32, #tpu.memory_space<hbm>> -> memref<1x1x64x64xf32, #tpu.memory_space<hbm>>
      %dma_start3A_109 = tpu.memref_squeeze %dma_start3A_108 : memref<1x1x64x64xf32, #tpu.memory_space<hbm>> -> memref<64x64xf32, #tpu.memory_space<hbm>>
      tpu.enqueue_dma source(%dma_start3A_109 : memref<64x64xf32, #tpu.memory_space<hbm>>) target(%arg4 : memref<64x64xf32, #tpu.memory_space<vmem>>) target_semaphore(%arg13 : memref<!tpu.dma_semaphore, #tpu.memory_space<semaphore_mem>>)
      %scan3A = arith.constant 0 : i32
      %scan3A_110 = arith.constant 0 : i32
      %scan3A_111 = arith.constant 180 : i32
      %scan3A_112 = arith.addi %scan3A_110, %scan3A_111 : i32
      %scan3A_113 = arith.constant 1 : i32
      %scan3A_114 = scf.for %scan3A_168 = %scan3A_110 to %scan3A_112 step %scan3A_113 iter_args(%scan3A_169 = %scan3A) -> (i32)  : i32 {
        %broadcast_in_dim3A_170 = arith.constant 0.000000e+00 : f32
        %broadcast_in_dim3A_171 = vector.broadcast %broadcast_in_dim3A_170 : f32 to vector<16xf32>
        %mul3A_172 = arith.constant 16 : i32
        %mul3A_173 = arith.muli %scan3A_168, %mul3A_172 : i32
        %swap3A_174 = arith.index_cast %mul3A_173 : i32 to index
        %swap3A_175 = tpu.vector_load %arg5[%swap3A_174] {strides = array<i32>} : memref<2880xf32, #tpu.memory_space<vmem>>, vector<16xf32>,
        tpu.vector_store %arg5[%swap3A_174], %broadcast_in_dim3A_171 {strides = array<i32>} : memref<2880xf32, #tpu.memory_space<vmem>>, vector<16xf32>,
        %scan3A_176 = arith.constant 0 : i32
        scf.yield %scan3A_176 : i32
      }
      %scan3A_115 = arith.constant 180 : i32
      %dma_wait3A = arith.constant 0 : i32
      %dma_wait3A_116 = arith.constant 0 : i32
      %dma_wait3A_117 = tpu.memref_slice %arg2[%select_n3A_50, %select_n3A_76, %dma_wait3A, %dma_wait3A_116] : memref<4x4x64x64xf32, #tpu.memory_space<hbm>> -> memref<1x1x64x64xf32, #tpu.memory_space<hbm>>
      %dma_wait3A_118 = tpu.memref_squeeze %dma_wait3A_117 : memref<1x1x64x64xf32, #tpu.memory_space<hbm>> -> memref<64x64xf32, #tpu.memory_space<hbm>>
      %dma_wait3A_119 = arith.constant 0 : i32
      %dma_wait3A_120 = arith.constant 0 : i32
      %dma_wait3A_121 = tpu.memref_slice %arg2[%select_n3A_50, %select_n3A_76, %dma_wait3A_119, %dma_wait3A_120] : memref<4x4x64x64xf32, #tpu.memory_space<hbm>> -> memref<1x1x64x64xf32, #tpu.memory_space<hbm>>
      %dma_wait3A_122 = tpu.memref_squeeze %dma_wait3A_121 : memref<1x1x64x64xf32, #tpu.memory_space<hbm>> -> memref<64x64xf32, #tpu.memory_space<hbm>>
      tpu.wait_dma2 semaphore(%arg13 : memref<!tpu.dma_semaphore, #tpu.memory_space<semaphore_mem>>) src(%dma_wait3A_122 : memref<64x64xf32, #tpu.memory_space<hbm>>) dst(%arg4 : memref<64x64xf32, #tpu.memory_space<vmem>>)
      %broadcast_in_dim3A = arith.constant -1.000000e+30 : f32
      %broadcast_in_dim3A_123 = vector.broadcast %broadcast_in_dim3A : f32 to vector<16xf32>
      %broadcast_in_dim3A_124 = arith.constant -1.000000e+30 : f32
      %broadcast_in_dim3A_125 = vector.broadcast %broadcast_in_dim3A_124 : f32 to vector<16xf32>
      %broadcast_in_dim3A_126 = arith.constant -1.000000e+30 : f32
      %broadcast_in_dim3A_127 = vector.broadcast %broadcast_in_dim3A_126 : f32 to vector<16xf32>
      %broadcast_in_dim3A_128 = arith.constant -1.000000e+30 : f32
      %broadcast_in_dim3A_129 = vector.broadcast %broadcast_in_dim3A_128 : f32 to vector<16xf32>
      %scan3A_130 = arith.constant 0 : i32
      %scan3A_131 = arith.constant 40 : i32
      %scan3A_132 = arith.addi %scan3A_130, %scan3A_131 : i32
      %scan3A_133 = arith.constant 1 : i32
      %scan3A_134:4 = scf.for %scan3A_168 = %scan3A_130 to %scan3A_132 step %scan3A_133 iter_args(%scan3A_169 = %broadcast_in_dim3A_123, %scan3A_170 = %broadcast_in_dim3A_125, %scan3A_171 = %broadcast_in_dim3A_127, %scan3A_172 = %broadcast_in_dim3A_129) -> (vector<16xf32>, vector<16xf32>, vector<16xf32>, vector<16xf32>)  : i32 {
        %sub3A_173 = arith.constant 4 : i32
        %sub3A_174 = arith.subi %mul3A_67, %sub3A_173 : i32
        %add3A_175 = arith.addi %sub3A_174, %scan3A_168 : i32
        %ge3A_176 = arith.constant 0 : i32
        %ge3A_177 = arith.cmpi sge, %add3A_175, %ge3A_176 : i32
        %lt3A_178 = arith.constant 64 : i32
        %lt3A_179 = arith.cmpi slt, %add3A_175, %lt3A_178 : i32
        %and3A_180 = arith.andi %ge3A_177, %lt3A_179 : i1
        %jit3A_181 = arith.constant 1.000000e+00 : f32
        %jit3A_182 = arith.constant 0.000000e+00 : f32
        %select_n3A_183 = arith.select %and3A_180, %jit3A_181, %jit3A_182 : f32
        %ge3A_184 = arith.cmpi sge, %add3A_175, %mul3A_67 : i32
        %add3A_185 = arith.constant 32 : i32
        %add3A_186 = arith.addi %mul3A_67, %add3A_185 : i32
        %lt3A_187 = arith.cmpi slt, %add3A_175, %add3A_186 : i32
        %and3A_188 = arith.andi %ge3A_184, %lt3A_187 : i1
        %jit3A_189 = arith.constant 1.000000e+00 : f32
        %jit3A_190 = arith.constant 0.000000e+00 : f32
        %select_n3A_191 = arith.select %and3A_188, %jit3A_189, %jit3A_190 : f32
        %jit3A_192 = arith.constant 0 : i32
        %jit3A_193 = arith.constant 63 : i32
        %max3A_194 = arith.maxsi %jit3A_192, %add3A_175 : i32
        %min3A = arith.minsi %jit3A_193, %max3A_194 : i32
        %get3A = arith.index_cast %min3A : i32 to index
        %get3A_195 = arith.constant 0 : index
        %get3A_196 = tpu.vector_load %arg4[%get3A, %get3A_195] {strides = array<i32>} : memref<64x64xf32, #tpu.memory_space<vmem>>, vector<16xf32>,
        %gt3A = arith.constant 0.000000e+00 : f32
        %gt3A_197 = vector.broadcast %gt3A : f32 to vector<16xf32>
        %gt3A_198 = arith.cmpf ogt, %get3A_196, %gt3A_197 : vector<16xf32>
        %jit3A_199 = arith.constant 1.000000e+00 : f32
        %jit3A_200 = arith.constant 0.000000e+00 : f32
        %broadcast_in_dim3A_201 = vector.broadcast %jit3A_199 : f32 to vector<16xf32>
        %broadcast_in_dim3A_202 = vector.broadcast %jit3A_200 : f32 to vector<16xf32>
        %select_n3A_203 = arith.select %gt3A_198, %broadcast_in_dim3A_201, %broadcast_in_dim3A_202 : vector<16xi1>, vector<16xf32>
        %mul3A_204 = vector.broadcast %select_n3A_183 : f32 to vector<16xf32>
        %mul3A_205 = arith.mulf %select_n3A_203, %mul3A_204 : vector<16xf32>
        %mul3A_206 = arith.constant 72 : i32
        %mul3A_207 = arith.muli %scan3A_168, %mul3A_206 : i32
        %add3A_208 = arith.constant 4 : i32
        %add3A_209 = arith.addi %mul3A_207, %add3A_208 : i32
        %add3A_210 = arith.constant 0 : i32
        %add3A_211 = arith.addi %add3A_209, %add3A_210 : i32
        %add3A_212 = vector.broadcast %add3A_211 : i32 to vector<16xi32>
        %add3A_213 = arith.addi %add3A_212, %iota3A : vector<16xi32>
        tpu.vector_store_idx %arg5[%add3A_213], %mul3A_205 : memref<2880xf32, #tpu.memory_space<vmem>>[vector<16xi32>], vector<16xf32>,
        %mul3A_214 = vector.broadcast %select_n3A_191 : f32 to vector<16xf32>
        %mul3A_215 = arith.mulf %get3A_196, %mul3A_214 : vector<16xf32>
        %sub3A_216 = arith.constant 1.000000e+00 : f32
        %sub3A_217 = arith.subf %select_n3A_191, %sub3A_216 : f32
        %mul3A_218 = arith.constant 1.000000e+30 : f32
        %mul3A_219 = arith.mulf %sub3A_217, %mul3A_218 : f32
        %add3A_220 = vector.broadcast %mul3A_219 : f32 to vector<16xf32>
        %add3A_221 = arith.addf %mul3A_215, %add3A_220 : vector<16xf32>
        %max3A_222 = arith.maximumf %scan3A_169, %add3A_221 : vector<16xf32>
        %get3A_223 = arith.index_cast %min3A : i32 to index
        %get3A_224 = arith.constant 16 : index
        %get3A_225 = tpu.vector_load %arg4[%get3A_223, %get3A_224] {strides = array<i32>} : memref<64x64xf32, #tpu.memory_space<vmem>>, vector<16xf32>,
        %gt3A_226 = arith.constant 0.000000e+00 : f32
        %gt3A_227 = vector.broadcast %gt3A_226 : f32 to vector<16xf32>
        %gt3A_228 = arith.cmpf ogt, %get3A_225, %gt3A_227 : vector<16xf32>
        %jit3A_229 = arith.constant 1.000000e+00 : f32
        %jit3A_230 = arith.constant 0.000000e+00 : f32
        %broadcast_in_dim3A_231 = vector.broadcast %jit3A_229 : f32 to vector<16xf32>
        %broadcast_in_dim3A_232 = vector.broadcast %jit3A_230 : f32 to vector<16xf32>
        %select_n3A_233 = arith.select %gt3A_228, %broadcast_in_dim3A_231, %broadcast_in_dim3A_232 : vector<16xi1>, vector<16xf32>
        %mul3A_234 = vector.broadcast %select_n3A_183 : f32 to vector<16xf32>
        %mul3A_235 = arith.mulf %select_n3A_233, %mul3A_234 : vector<16xf32>
        %mul3A_236 = arith.constant 72 : i32
        %mul3A_237 = arith.muli %scan3A_168, %mul3A_236 : i32
        %add3A_238 = arith.constant 4 : i32
        %add3A_239 = arith.addi %mul3A_237, %add3A_238 : i32
        %add3A_240 = arith.constant 16 : i32
        %add3A_241 = arith.addi %add3A_239, %add3A_240 : i32
        %add3A_242 = vector.broadcast %add3A_241 : i32 to vector<16xi32>
        %add3A_243 = arith.addi %add3A_242, %iota3A : vector<16xi32>
        tpu.vector_store_idx %arg5[%add3A_243], %mul3A_235 : memref<2880xf32, #tpu.memory_space<vmem>>[vector<16xi32>], vector<16xf32>,
        %mul3A_244 = vector.broadcast %select_n3A_191 : f32 to vector<16xf32>
        %mul3A_245 = arith.mulf %get3A_225, %mul3A_244 : vector<16xf32>
        %sub3A_246 = arith.constant 1.000000e+00 : f32
        %sub3A_247 = arith.subf %select_n3A_191, %sub3A_246 : f32
        %mul3A_248 = arith.constant 1.000000e+30 : f32
        %mul3A_249 = arith.mulf %sub3A_247, %mul3A_248 : f32
        %add3A_250 = vector.broadcast %mul3A_249 : f32 to vector<16xf32>
        %add3A_251 = arith.addf %mul3A_245, %add3A_250 : vector<16xf32>
        %max3A_252 = arith.maximumf %scan3A_170, %add3A_251 : vector<16xf32>
        %get3A_253 = arith.index_cast %min3A : i32 to index
        %get3A_254 = arith.constant 32 : index
        %get3A_255 = tpu.vector_load %arg4[%get3A_253, %get3A_254] {strides = array<i32>} : memref<64x64xf32, #tpu.memory_space<vmem>>, vector<16xf32>,
        %gt3A_256 = arith.constant 0.000000e+00 : f32
        %gt3A_257 = vector.broadcast %gt3A_256 : f32 to vector<16xf32>
        %gt3A_258 = arith.cmpf ogt, %get3A_255, %gt3A_257 : vector<16xf32>
        %jit3A_259 = arith.constant 1.000000e+00 : f32
        %jit3A_260 = arith.constant 0.000000e+00 : f32
        %broadcast_in_dim3A_261 = vector.broadcast %jit3A_259 : f32 to vector<16xf32>
        %broadcast_in_dim3A_262 = vector.broadcast %jit3A_260 : f32 to vector<16xf32>
        %select_n3A_263 = arith.select %gt3A_258, %broadcast_in_dim3A_261, %broadcast_in_dim3A_262 : vector<16xi1>, vector<16xf32>
        %mul3A_264 = vector.broadcast %select_n3A_183 : f32 to vector<16xf32>
        %mul3A_265 = arith.mulf %select_n3A_263, %mul3A_264 : vector<16xf32>
        %mul3A_266 = arith.constant 72 : i32
        %mul3A_267 = arith.muli %scan3A_168, %mul3A_266 : i32
        %add3A_268 = arith.constant 4 : i32
        %add3A_269 = arith.addi %mul3A_267, %add3A_268 : i32
        %add3A_270 = arith.constant 32 : i32
        %add3A_271 = arith.addi %add3A_269, %add3A_270 : i32
        %add3A_272 = vector.broadcast %add3A_271 : i32 to vector<16xi32>
        %add3A_273 = arith.addi %add3A_272, %iota3A : vector<16xi32>
        tpu.vector_store_idx %arg5[%add3A_273], %mul3A_265 : memref<2880xf32, #tpu.memory_space<vmem>>[vector<16xi32>], vector<16xf32>,
        %mul3A_274 = vector.broadcast %select_n3A_191 : f32 to vector<16xf32>
        %mul3A_275 = arith.mulf %get3A_255, %mul3A_274 : vector<16xf32>
        %sub3A_276 = arith.constant 1.000000e+00 : f32
        %sub3A_277 = arith.subf %select_n3A_191, %sub3A_276 : f32
        %mul3A_278 = arith.constant 1.000000e+30 : f32
        %mul3A_279 = arith.mulf %sub3A_277, %mul3A_278 : f32
        %add3A_280 = vector.broadcast %mul3A_279 : f32 to vector<16xf32>
        %add3A_281 = arith.addf %mul3A_275, %add3A_280 : vector<16xf32>
        %max3A_282 = arith.maximumf %scan3A_171, %add3A_281 : vector<16xf32>
        %get3A_283 = arith.index_cast %min3A : i32 to index
        %get3A_284 = arith.constant 48 : index
        %get3A_285 = tpu.vector_load %arg4[%get3A_283, %get3A_284] {strides = array<i32>} : memref<64x64xf32, #tpu.memory_space<vmem>>, vector<16xf32>,
        %gt3A_286 = arith.constant 0.000000e+00 : f32
        %gt3A_287 = vector.broadcast %gt3A_286 : f32 to vector<16xf32>
        %gt3A_288 = arith.cmpf ogt, %get3A_285, %gt3A_287 : vector<16xf32>
        %jit3A_289 = arith.constant 1.000000e+00 : f32
        %jit3A_290 = arith.constant 0.000000e+00 : f32
        %broadcast_in_dim3A_291 = vector.broadcast %jit3A_289 : f32 to vector<16xf32>
        %broadcast_in_dim3A_292 = vector.broadcast %jit3A_290 : f32 to vector<16xf32>
        %select_n3A_293 = arith.select %gt3A_288, %broadcast_in_dim3A_291, %broadcast_in_dim3A_292 : vector<16xi1>, vector<16xf32>
        %mul3A_294 = vector.broadcast %select_n3A_183 : f32 to vector<16xf32>
        %mul3A_295 = arith.mulf %select_n3A_293, %mul3A_294 : vector<16xf32>
        %mul3A_296 = arith.constant 72 : i32
        %mul3A_297 = arith.muli %scan3A_168, %mul3A_296 : i32
        %add3A_298 = arith.constant 4 : i32
        %add3A_299 = arith.addi %mul3A_297, %add3A_298 : i32
        %add3A_300 = arith.constant 48 : i32
        %add3A_301 = arith.addi %add3A_299, %add3A_300 : i32
        %add3A_302 = vector.broadcast %add3A_301 : i32 to vector<16xi32>
        %add3A_303 = arith.addi %add3A_302, %iota3A : vector<16xi32>
        tpu.vector_store_idx %arg5[%add3A_303], %mul3A_295 : memref<2880xf32, #tpu.memory_space<vmem>>[vector<16xi32>], vector<16xf32>,
        %mul3A_304 = vector.broadcast %select_n3A_191 : f32 to vector<16xf32>
        %mul3A_305 = arith.mulf %get3A_285, %mul3A_304 : vector<16xf32>
        %sub3A_306 = arith.constant 1.000000e+00 : f32
        %sub3A_307 = arith.subf %select_n3A_191, %sub3A_306 : f32
        %mul3A_308 = arith.constant 1.000000e+30 : f32
        %mul3A_309 = arith.mulf %sub3A_307, %mul3A_308 : f32
        %add3A_310 = vector.broadcast %mul3A_309 : f32 to vector<16xf32>
        %add3A_311 = arith.addf %mul3A_305, %add3A_310 : vector<16xf32>
        %max3A_312 = arith.maximumf %scan3A_172, %add3A_311 : vector<16xf32>
        scf.yield %max3A_222, %max3A_252, %max3A_282, %max3A_312 : vector<16xf32>, vector<16xf32>, vector<16xf32>, vector<16xf32>
      }
      %scan3A_135 = arith.constant 40 : i32
      %max3A = arith.maximumf %scan3A_134#0, %scan3A_134#1 : vector<16xf32>
      %max3A_136 = arith.maximumf %scan3A_134#2, %scan3A_134#3 : vector<16xf32>
      %max3A_137 = arith.maximumf %max3A, %max3A_136 : vector<16xf32>
      %scan3A_138 = arith.constant 0 : i32
      %scan3A_139 = arith.constant 0 : i32
      %scan3A_140 = arith.constant 40 : i32
      %scan3A_141 = arith.addi %scan3A_139, %scan3A_140 : i32
      %scan3A_142 = arith.constant 1 : i32
      %scan3A_143 = scf.for %scan3A_168 = %scan3A_139 to %scan3A_141 step %scan3A_142 iter_args(%scan3A_169 = %scan3A_138) -> (i32)  : i32 {
        %mul3A_170 = arith.constant 72 : i32
        %mul3A_171 = arith.muli %scan3A_168, %mul3A_170 : i32
        %broadcast_in_dim3A_172 = arith.constant 0.000000e+00 : f32
        %broadcast_in_dim3A_173 = vector.broadcast %broadcast_in_dim3A_172 : f32 to vector<16xf32>
        %add3A_174 = arith.constant 0 : i32
        %add3A_175 = arith.addi %mul3A_171, %add3A_174 : i32
        %add3A_176 = arith.constant 0 : i32
        %add3A_177 = arith.addi %add3A_175, %add3A_176 : i32
        %add3A_178 = vector.broadcast %add3A_177 : i32 to vector<16xi32>
        %add3A_179 = arith.addi %add3A_178, %iota3A : vector<16xi32>
        %gather3A = tpu.vector_load_idx %arg5[%add3A_179] : memref<2880xf32, #tpu.memory_space<vmem>>[vector<16xi32>], vector<16xf32>,
        %mul3A_180 = arith.constant 3.35462624E-4 : f32
        %mul3A_181 = vector.broadcast %mul3A_180 : f32 to vector<16xf32>
        %mul3A_182 = arith.mulf %mul3A_181, %gather3A : vector<16xf32>
        %add3A_183 = arith.addf %broadcast_in_dim3A_173, %mul3A_182 : vector<16xf32>
        %add3A_184 = arith.constant 0 : i32
        %add3A_185 = arith.addi %mul3A_171, %add3A_184 : i32
        %add3A_186 = arith.constant 1 : i32
        %add3A_187 = arith.addi %add3A_185, %add3A_186 : i32
        %add3A_188 = vector.broadcast %add3A_187 : i32 to vector<16xi32>
        %add3A_189 = arith.addi %add3A_188, %iota3A : vector<16xi32>
        %gather3A_190 = tpu.vector_load_idx %arg5[%add3A_189] : memref<2880xf32, #tpu.memory_space<vmem>>[vector<16xi32>], vector<16xf32>,
        %mul3A_191 = arith.constant 0.0111089963 : f32
        %mul3A_192 = vector.broadcast %mul3A_191 : f32 to vector<16xf32>
        %mul3A_193 = arith.mulf %mul3A_192, %gather3A_190 : vector<16xf32>
        %add3A_194 = arith.addf %add3A_183, %mul3A_193 : vector<16xf32>
        %add3A_195 = arith.constant 0 : i32
        %add3A_196 = arith.addi %mul3A_171, %add3A_195 : i32
        %add3A_197 = arith.constant 2 : i32
        %add3A_198 = arith.addi %add3A_196, %add3A_197 : i32
        %add3A_199 = vector.broadcast %add3A_198 : i32 to vector<16xi32>
        %add3A_200 = arith.addi %add3A_199, %iota3A : vector<16xi32>
        %gather3A_201 = tpu.vector_load_idx %arg5[%add3A_200] : memref<2880xf32, #tpu.memory_space<vmem>>[vector<16xi32>], vector<16xf32>,
        %mul3A_202 = arith.constant 0.135335281 : f32
        %mul3A_203 = vector.broadcast %mul3A_202 : f32 to vector<16xf32>
        %mul3A_204 = arith.mulf %mul3A_203, %gather3A_201 : vector<16xf32>
        %add3A_205 = arith.addf %add3A_194, %mul3A_204 : vector<16xf32>
        %add3A_206 = arith.constant 0 : i32
        %add3A_207 = arith.addi %mul3A_171, %add3A_206 : i32
        %add3A_208 = arith.constant 3 : i32
        %add3A_209 = arith.addi %add3A_207, %add3A_208 : i32
        %add3A_210 = vector.broadcast %add3A_209 : i32 to vector<16xi32>
        %add3A_211 = arith.addi %add3A_210, %iota3A : vector<16xi32>
        %gather3A_212 = tpu.vector_load_idx %arg5[%add3A_211] : memref<2880xf32, #tpu.memory_space<vmem>>[vector<16xi32>], vector<16xf32>,
        %mul3A_213 = arith.constant 0.606530666 : f32
        %mul3A_214 = vector.broadcast %mul3A_213 : f32 to vector<16xf32>
        %mul3A_215 = arith.mulf %mul3A_214, %gather3A_212 : vector<16xf32>
        %add3A_216 = arith.addf %add3A_205, %mul3A_215 : vector<16xf32>
        %add3A_217 = arith.constant 0 : i32
        %add3A_218 = arith.addi %mul3A_171, %add3A_217 : i32
        %add3A_219 = arith.constant 4 : i32
        %add3A_220 = arith.addi %add3A_218, %add3A_219 : i32
        %add3A_221 = vector.broadcast %add3A_220 : i32 to vector<16xi32>
        %add3A_222 = arith.addi %add3A_221, %iota3A : vector<16xi32>
        %gather3A_223 = tpu.vector_load_idx %arg5[%add3A_222] : memref<2880xf32, #tpu.memory_space<vmem>>[vector<16xi32>], vector<16xf32>,
        %mul3A_224 = arith.constant 1.000000e+00 : f32
        %mul3A_225 = vector.broadcast %mul3A_224 : f32 to vector<16xf32>
        %mul3A_226 = arith.mulf %mul3A_225, %gather3A_223 : vector<16xf32>
        %add3A_227 = arith.addf %add3A_216, %mul3A_226 : vector<16xf32>
        %add3A_228 = arith.constant 0 : i32
        %add3A_229 = arith.addi %mul3A_171, %add3A_228 : i32
        %add3A_230 = arith.constant 5 : i32
        %add3A_231 = arith.addi %add3A_229, %add3A_230 : i32
        %add3A_232 = vector.broadcast %add3A_231 : i32 to vector<16xi32>
        %add3A_233 = arith.addi %add3A_232, %iota3A : vector<16xi32>
        %gather3A_234 = tpu.vector_load_idx %arg5[%add3A_233] : memref<2880xf32, #tpu.memory_space<vmem>>[vector<16xi32>], vector<16xf32>,
        %mul3A_235 = arith.constant 0.606530666 : f32
        %mul3A_236 = vector.broadcast %mul3A_235 : f32 to vector<16xf32>
        %mul3A_237 = arith.mulf %mul3A_236, %gather3A_234 : vector<16xf32>
        %add3A_238 = arith.addf %add3A_227, %mul3A_237 : vector<16xf32>
        %add3A_239 = arith.constant 0 : i32
        %add3A_240 = arith.addi %mul3A_171, %add3A_239 : i32
        %add3A_241 = arith.constant 6 : i32
        %add3A_242 = arith.addi %add3A_240, %add3A_241 : i32
        %add3A_243 = vector.broadcast %add3A_242 : i32 to vector<16xi32>
        %add3A_244 = arith.addi %add3A_243, %iota3A : vector<16xi32>
        %gather3A_245 = tpu.vector_load_idx %arg5[%add3A_244] : memref<2880xf32, #tpu.memory_space<vmem>>[vector<16xi32>], vector<16xf32>,
        %mul3A_246 = arith.constant 0.135335281 : f32
        %mul3A_247 = vector.broadcast %mul3A_246 : f32 to vector<16xf32>
        %mul3A_248 = arith.mulf %mul3A_247, %gather3A_245 : vector<16xf32>
        %add3A_249 = arith.addf %add3A_238, %mul3A_248 : vector<16xf32>
        %add3A_250 = arith.constant 0 : i32
        %add3A_251 = arith.addi %mul3A_171, %add3A_250 : i32
        %add3A_252 = arith.constant 7 : i32
        %add3A_253 = arith.addi %add3A_251, %add3A_252 : i32
        %add3A_254 = vector.broadcast %add3A_253 : i32 to vector<16xi32>
        %add3A_255 = arith.addi %add3A_254, %iota3A : vector<16xi32>
        %gather3A_256 = tpu.vector_load_idx %arg5[%add3A_255] : memref<2880xf32, #tpu.memory_space<vmem>>[vector<16xi32>], vector<16xf32>,
        %mul3A_257 = arith.constant 0.0111089963 : f32
        %mul3A_258 = vector.broadcast %mul3A_257 : f32 to vector<16xf32>
        %mul3A_259 = arith.mulf %mul3A_258, %gather3A_256 : vector<16xf32>
        %add3A_260 = arith.addf %add3A_249, %mul3A_259 : vector<16xf32>
        %add3A_261 = arith.constant 0 : i32
        %add3A_262 = arith.addi %mul3A_171, %add3A_261 : i32
        %add3A_263 = arith.constant 8 : i32
        %add3A_264 = arith.addi %add3A_262, %add3A_263 : i32
        %add3A_265 = vector.broadcast %add3A_264 : i32 to vector<16xi32>
        %add3A_266 = arith.addi %add3A_265, %iota3A : vector<16xi32>
        %gather3A_267 = tpu.vector_load_idx %arg5[%add3A_266] : memref<2880xf32, #tpu.memory_space<vmem>>[vector<16xi32>], vector<16xf32>,
        %mul3A_268 = arith.constant 3.35462624E-4 : f32
        %mul3A_269 = vector.broadcast %mul3A_268 : f32 to vector<16xf32>
        %mul3A_270 = arith.mulf %mul3A_269, %gather3A_267 : vector<16xf32>
        %add3A_271 = arith.addf %add3A_260, %mul3A_270 : vector<16xf32>
        %swap3A_272 = arith.index_cast %scan3A_168 : i32 to index
        %swap3A_273 = arith.constant 0 : index
        %swap3A_274 = tpu.vector_load %arg6[%swap3A_272, %swap3A_273] {strides = array<i32>} : memref<40x64xf32, #tpu.memory_space<vmem>>, vector<16xf32>,
        tpu.vector_store %arg6[%swap3A_272, %swap3A_273], %add3A_271 {strides = array<i32>} : memref<40x64xf32, #tpu.memory_space<vmem>>, vector<16xf32>,
        %broadcast_in_dim3A_275 = arith.constant 0.000000e+00 : f32
        %broadcast_in_dim3A_276 = vector.broadcast %broadcast_in_dim3A_275 : f32 to vector<16xf32>
        %add3A_277 = arith.constant 16 : i32
        %add3A_278 = arith.addi %mul3A_171, %add3A_277 : i32
        %add3A_279 = arith.constant 0 : i32
        %add3A_280 = arith.addi %add3A_278, %add3A_279 : i32
        %add3A_281 = vector.broadcast %add3A_280 : i32 to vector<16xi32>
        %add3A_282 = arith.addi %add3A_281, %iota3A : vector<16xi32>
        %gather3A_283 = tpu.vector_load_idx %arg5[%add3A_282] : memref<2880xf32, #tpu.memory_space<vmem>>[vector<16xi32>], vector<16xf32>,
        %mul3A_284 = arith.constant 3.35462624E-4 : f32
        %mul3A_285 = vector.broadcast %mul3A_284 : f32 to vector<16xf32>
        %mul3A_286 = arith.mulf %mul3A_285, %gather3A_283 : vector<16xf32>
        %add3A_287 = arith.addf %broadcast_in_dim3A_276, %mul3A_286 : vector<16xf32>
        %add3A_288 = arith.constant 16 : i32
        %add3A_289 = arith.addi %mul3A_171, %add3A_288 : i32
        %add3A_290 = arith.constant 1 : i32
        %add3A_291 = arith.addi %add3A_289, %add3A_290 : i32
        %add3A_292 = vector.broadcast %add3A_291 : i32 to vector<16xi32>
        %add3A_293 = arith.addi %add3A_292, %iota3A : vector<16xi32>
        %gather3A_294 = tpu.vector_load_idx %arg5[%add3A_293] : memref<2880xf32, #tpu.memory_space<vmem>>[vector<16xi32>], vector<16xf32>,
        %mul3A_295 = arith.constant 0.0111089963 : f32
        %mul3A_296 = vector.broadcast %mul3A_295 : f32 to vector<16xf32>
        %mul3A_297 = arith.mulf %mul3A_296, %gather3A_294 : vector<16xf32>
        %add3A_298 = arith.addf %add3A_287, %mul3A_297 : vector<16xf32>
        %add3A_299 = arith.constant 16 : i32
        %add3A_300 = arith.addi %mul3A_171, %add3A_299 : i32
        %add3A_301 = arith.constant 2 : i32
        %add3A_302 = arith.addi %add3A_300, %add3A_301 : i32
        %add3A_303 = vector.broadcast %add3A_302 : i32 to vector<16xi32>
        %add3A_304 = arith.addi %add3A_303, %iota3A : vector<16xi32>
        %gather3A_305 = tpu.vector_load_idx %arg5[%add3A_304] : memref<2880xf32, #tpu.memory_space<vmem>>[vector<16xi32>], vector<16xf32>,
        %mul3A_306 = arith.constant 0.135335281 : f32
        %mul3A_307 = vector.broadcast %mul3A_306 : f32 to vector<16xf32>
        %mul3A_308 = arith.mulf %mul3A_307, %gather3A_305 : vector<16xf32>
        %add3A_309 = arith.addf %add3A_298, %mul3A_308 : vector<16xf32>
        %add3A_310 = arith.constant 16 : i32
        %add3A_311 = arith.addi %mul3A_171, %add3A_310 : i32
        %add3A_312 = arith.constant 3 : i32
        %add3A_313 = arith.addi %add3A_311, %add3A_312 : i32
        %add3A_314 = vector.broadcast %add3A_313 : i32 to vector<16xi32>
        %add3A_315 = arith.addi %add3A_314, %iota3A : vector<16xi32>
        %gather3A_316 = tpu.vector_load_idx %arg5[%add3A_315] : memref<2880xf32, #tpu.memory_space<vmem>>[vector<16xi32>], vector<16xf32>,
        %mul3A_317 = arith.constant 0.606530666 : f32
        %mul3A_318 = vector.broadcast %mul3A_317 : f32 to vector<16xf32>
        %mul3A_319 = arith.mulf %mul3A_318, %gather3A_316 : vector<16xf32>
        %add3A_320 = arith.addf %add3A_309, %mul3A_319 : vector<16xf32>
        %add3A_321 = arith.constant 16 : i32
        %add3A_322 = arith.addi %mul3A_171, %add3A_321 : i32
        %add3A_323 = arith.constant 4 : i32
        %add3A_324 = arith.addi %add3A_322, %add3A_323 : i32
        %add3A_325 = vector.broadcast %add3A_324 : i32 to vector<16xi32>
        %add3A_326 = arith.addi %add3A_325, %iota3A : vector<16xi32>
        %gather3A_327 = tpu.vector_load_idx %arg5[%add3A_326] : memref<2880xf32, #tpu.memory_space<vmem>>[vector<16xi32>], vector<16xf32>,
        %mul3A_328 = arith.constant 1.000000e+00 : f32
        %mul3A_329 = vector.broadcast %mul3A_328 : f32 to vector<16xf32>
        %mul3A_330 = arith.mulf %mul3A_329, %gather3A_327 : vector<16xf32>
        %add3A_331 = arith.addf %add3A_320, %mul3A_330 : vector<16xf32>
        %add3A_332 = arith.constant 16 : i32
        %add3A_333 = arith.addi %mul3A_171, %add3A_332 : i32
        %add3A_334 = arith.constant 5 : i32
        %add3A_335 = arith.addi %add3A_333, %add3A_334 : i32
        %add3A_336 = vector.broadcast %add3A_335 : i32 to vector<16xi32>
        %add3A_337 = arith.addi %add3A_336, %iota3A : vector<16xi32>
        %gather3A_338 = tpu.vector_load_idx %arg5[%add3A_337] : memref<2880xf32, #tpu.memory_space<vmem>>[vector<16xi32>], vector<16xf32>,
        %mul3A_339 = arith.constant 0.606530666 : f32
        %mul3A_340 = vector.broadcast %mul3A_339 : f32 to vector<16xf32>
        %mul3A_341 = arith.mulf %mul3A_340, %gather3A_338 : vector<16xf32>
        %add3A_342 = arith.addf %add3A_331, %mul3A_341 : vector<16xf32>
        %add3A_343 = arith.constant 16 : i32
        %add3A_344 = arith.addi %mul3A_171, %add3A_343 : i32
        %add3A_345 = arith.constant 6 : i32
        %add3A_346 = arith.addi %add3A_344, %add3A_345 : i32
        %add3A_347 = vector.broadcast %add3A_346 : i32 to vector<16xi32>
        %add3A_348 = arith.addi %add3A_347, %iota3A : vector<16xi32>
        %gather3A_349 = tpu.vector_load_idx %arg5[%add3A_348] : memref<2880xf32, #tpu.memory_space<vmem>>[vector<16xi32>], vector<16xf32>,
        %mul3A_350 = arith.constant 0.135335281 : f32
        %mul3A_351 = vector.broadcast %mul3A_350 : f32 to vector<16xf32>
        %mul3A_352 = arith.mulf %mul3A_351, %gather3A_349 : vector<16xf32>
        %add3A_353 = arith.addf %add3A_342, %mul3A_352 : vector<16xf32>
        %add3A_354 = arith.constant 16 : i32
        %add3A_355 = arith.addi %mul3A_171, %add3A_354 : i32
        %add3A_356 = arith.constant 7 : i32
        %add3A_357 = arith.addi %add3A_355, %add3A_356 : i32
        %add3A_358 = vector.broadcast %add3A_357 : i32 to vector<16xi32>
        %add3A_359 = arith.addi %add3A_358, %iota3A : vector<16xi32>
        %gather3A_360 = tpu.vector_load_idx %arg5[%add3A_359] : memref<2880xf32, #tpu.memory_space<vmem>>[vector<16xi32>], vector<16xf32>,
        %mul3A_361 = arith.constant 0.0111089963 : f32
        %mul3A_362 = vector.broadcast %mul3A_361 : f32 to vector<16xf32>
        %mul3A_363 = arith.mulf %mul3A_362, %gather3A_360 : vector<16xf32>
        %add3A_364 = arith.addf %add3A_353, %mul3A_363 : vector<16xf32>
        %add3A_365 = arith.constant 16 : i32
        %add3A_366 = arith.addi %mul3A_171, %add3A_365 : i32
        %add3A_367 = arith.constant 8 : i32
        %add3A_368 = arith.addi %add3A_366, %add3A_367 : i32
        %add3A_369 = vector.broadcast %add3A_368 : i32 to vector<16xi32>
        %add3A_370 = arith.addi %add3A_369, %iota3A : vector<16xi32>
        %gather3A_371 = tpu.vector_load_idx %arg5[%add3A_370] : memref<2880xf32, #tpu.memory_space<vmem>>[vector<16xi32>], vector<16xf32>,
        %mul3A_372 = arith.constant 3.35462624E-4 : f32
        %mul3A_373 = vector.broadcast %mul3A_372 : f32 to vector<16xf32>
        %mul3A_374 = arith.mulf %mul3A_373, %gather3A_371 : vector<16xf32>
        %add3A_375 = arith.addf %add3A_364, %mul3A_374 : vector<16xf32>
        %swap3A_376 = arith.index_cast %scan3A_168 : i32 to index
        %swap3A_377 = arith.constant 16 : index
        %swap3A_378 = tpu.vector_load %arg6[%swap3A_376, %swap3A_377] {strides = array<i32>} : memref<40x64xf32, #tpu.memory_space<vmem>>, vector<16xf32>,
        tpu.vector_store %arg6[%swap3A_376, %swap3A_377], %add3A_375 {strides = array<i32>} : memref<40x64xf32, #tpu.memory_space<vmem>>, vector<16xf32>,
        %broadcast_in_dim3A_379 = arith.constant 0.000000e+00 : f32
        %broadcast_in_dim3A_380 = vector.broadcast %broadcast_in_dim3A_379 : f32 to vector<16xf32>
        %add3A_381 = arith.constant 32 : i32
        %add3A_382 = arith.addi %mul3A_171, %add3A_381 : i32
        %add3A_383 = arith.constant 0 : i32
        %add3A_384 = arith.addi %add3A_382, %add3A_383 : i32
        %add3A_385 = vector.broadcast %add3A_384 : i32 to vector<16xi32>
        %add3A_386 = arith.addi %add3A_385, %iota3A : vector<16xi32>
        %gather3A_387 = tpu.vector_load_idx %arg5[%add3A_386] : memref<2880xf32, #tpu.memory_space<vmem>>[vector<16xi32>], vector<16xf32>,
        %mul3A_388 = arith.constant 3.35462624E-4 : f32
        %mul3A_389 = vector.broadcast %mul3A_388 : f32 to vector<16xf32>
        %mul3A_390 = arith.mulf %mul3A_389, %gather3A_387 : vector<16xf32>
        %add3A_391 = arith.addf %broadcast_in_dim3A_380, %mul3A_390 : vector<16xf32>
        %add3A_392 = arith.constant 32 : i32
        %add3A_393 = arith.addi %mul3A_171, %add3A_392 : i32
        %add3A_394 = arith.constant 1 : i32
        %add3A_395 = arith.addi %add3A_393, %add3A_394 : i32
        %add3A_396 = vector.broadcast %add3A_395 : i32 to vector<16xi32>
        %add3A_397 = arith.addi %add3A_396, %iota3A : vector<16xi32>
        %gather3A_398 = tpu.vector_load_idx %arg5[%add3A_397] : memref<2880xf32, #tpu.memory_space<vmem>>[vector<16xi32>], vector<16xf32>,
        %mul3A_399 = arith.constant 0.0111089963 : f32
        %mul3A_400 = vector.broadcast %mul3A_399 : f32 to vector<16xf32>
        %mul3A_401 = arith.mulf %mul3A_400, %gather3A_398 : vector<16xf32>
        %add3A_402 = arith.addf %add3A_391, %mul3A_401 : vector<16xf32>
        %add3A_403 = arith.constant 32 : i32
        %add3A_404 = arith.addi %mul3A_171, %add3A_403 : i32
        %add3A_405 = arith.constant 2 : i32
        %add3A_406 = arith.addi %add3A_404, %add3A_405 : i32
        %add3A_407 = vector.broadcast %add3A_406 : i32 to vector<16xi32>
        %add3A_408 = arith.addi %add3A_407, %iota3A : vector<16xi32>
        %gather3A_409 = tpu.vector_load_idx %arg5[%add3A_408] : memref<2880xf32, #tpu.memory_space<vmem>>[vector<16xi32>], vector<16xf32>,
        %mul3A_410 = arith.constant 0.135335281 : f32
        %mul3A_411 = vector.broadcast %mul3A_410 : f32 to vector<16xf32>
        %mul3A_412 = arith.mulf %mul3A_411, %gather3A_409 : vector<16xf32>
        %add3A_413 = arith.addf %add3A_402, %mul3A_412 : vector<16xf32>
        %add3A_414 = arith.constant 32 : i32
        %add3A_415 = arith.addi %mul3A_171, %add3A_414 : i32
        %add3A_416 = arith.constant 3 : i32
        %add3A_417 = arith.addi %add3A_415, %add3A_416 : i32
        %add3A_418 = vector.broadcast %add3A_417 : i32 to vector<16xi32>
        %add3A_419 = arith.addi %add3A_418, %iota3A : vector<16xi32>
        %gather3A_420 = tpu.vector_load_idx %arg5[%add3A_419] : memref<2880xf32, #tpu.memory_space<vmem>>[vector<16xi32>], vector<16xf32>,
        %mul3A_421 = arith.constant 0.606530666 : f32
        %mul3A_422 = vector.broadcast %mul3A_421 : f32 to vector<16xf32>
        %mul3A_423 = arith.mulf %mul3A_422, %gather3A_420 : vector<16xf32>
        %add3A_424 = arith.addf %add3A_413, %mul3A_423 : vector<16xf32>
        %add3A_425 = arith.constant 32 : i32
        %add3A_426 = arith.addi %mul3A_171, %add3A_425 : i32
        %add3A_427 = arith.constant 4 : i32
        %add3A_428 = arith.addi %add3A_426, %add3A_427 : i32
        %add3A_429 = vector.broadcast %add3A_428 : i32 to vector<16xi32>
        %add3A_430 = arith.addi %add3A_429, %iota3A : vector<16xi32>
        %gather3A_431 = tpu.vector_load_idx %arg5[%add3A_430] : memref<2880xf32, #tpu.memory_space<vmem>>[vector<16xi32>], vector<16xf32>,
        %mul3A_432 = arith.constant 1.000000e+00 : f32
        %mul3A_433 = vector.broadcast %mul3A_432 : f32 to vector<16xf32>
        %mul3A_434 = arith.mulf %mul3A_433, %gather3A_431 : vector<16xf32>
        %add3A_435 = arith.addf %add3A_424, %mul3A_434 : vector<16xf32>
        %add3A_436 = arith.constant 32 : i32
        %add3A_437 = arith.addi %mul3A_171, %add3A_436 : i32
        %add3A_438 = arith.constant 5 : i32
        %add3A_439 = arith.addi %add3A_437, %add3A_438 : i32
        %add3A_440 = vector.broadcast %add3A_439 : i32 to vector<16xi32>
        %add3A_441 = arith.addi %add3A_440, %iota3A : vector<16xi32>
        %gather3A_442 = tpu.vector_load_idx %arg5[%add3A_441] : memref<2880xf32, #tpu.memory_space<vmem>>[vector<16xi32>], vector<16xf32>,
        %mul3A_443 = arith.constant 0.606530666 : f32
        %mul3A_444 = vector.broadcast %mul3A_443 : f32 to vector<16xf32>
        %mul3A_445 = arith.mulf %mul3A_444, %gather3A_442 : vector<16xf32>
        %add3A_446 = arith.addf %add3A_435, %mul3A_445 : vector<16xf32>
        %add3A_447 = arith.constant 32 : i32
        %add3A_448 = arith.addi %mul3A_171, %add3A_447 : i32
        %add3A_449 = arith.constant 6 : i32
        %add3A_450 = arith.addi %add3A_448, %add3A_449 : i32
        %add3A_451 = vector.broadcast %add3A_450 : i32 to vector<16xi32>
        %add3A_452 = arith.addi %add3A_451, %iota3A : vector<16xi32>
        %gather3A_453 = tpu.vector_load_idx %arg5[%add3A_452] : memref<2880xf32, #tpu.memory_space<vmem>>[vector<16xi32>], vector<16xf32>,
        %mul3A_454 = arith.constant 0.135335281 : f32
        %mul3A_455 = vector.broadcast %mul3A_454 : f32 to vector<16xf32>
        %mul3A_456 = arith.mulf %mul3A_455, %gather3A_453 : vector<16xf32>
        %add3A_457 = arith.addf %add3A_446, %mul3A_456 : vector<16xf32>
        %add3A_458 = arith.constant 32 : i32
        %add3A_459 = arith.addi %mul3A_171, %add3A_458 : i32
        %add3A_460 = arith.constant 7 : i32
        %add3A_461 = arith.addi %add3A_459, %add3A_460 : i32
        %add3A_462 = vector.broadcast %add3A_461 : i32 to vector<16xi32>
        %add3A_463 = arith.addi %add3A_462, %iota3A : vector<16xi32>
        %gather3A_464 = tpu.vector_load_idx %arg5[%add3A_463] : memref<2880xf32, #tpu.memory_space<vmem>>[vector<16xi32>], vector<16xf32>,
        %mul3A_465 = arith.constant 0.0111089963 : f32
        %mul3A_466 = vector.broadcast %mul3A_465 : f32 to vector<16xf32>
        %mul3A_467 = arith.mulf %mul3A_466, %gather3A_464 : vector<16xf32>
        %add3A_468 = arith.addf %add3A_457, %mul3A_467 : vector<16xf32>
        %add3A_469 = arith.constant 32 : i32
        %add3A_470 = arith.addi %mul3A_171, %add3A_469 : i32
        %add3A_471 = arith.constant 8 : i32
        %add3A_472 = arith.addi %add3A_470, %add3A_471 : i32
        %add3A_473 = vector.broadcast %add3A_472 : i32 to vector<16xi32>
        %add3A_474 = arith.addi %add3A_473, %iota3A : vector<16xi32>
        %gather3A_475 = tpu.vector_load_idx %arg5[%add3A_474] : memref<2880xf32, #tpu.memory_space<vmem>>[vector<16xi32>], vector<16xf32>,
        %mul3A_476 = arith.constant 3.35462624E-4 : f32
        %mul3A_477 = vector.broadcast %mul3A_476 : f32 to vector<16xf32>
        %mul3A_478 = arith.mulf %mul3A_477, %gather3A_475 : vector<16xf32>
        %add3A_479 = arith.addf %add3A_468, %mul3A_478 : vector<16xf32>
        %swap3A_480 = arith.index_cast %scan3A_168 : i32 to index
        %swap3A_481 = arith.constant 32 : index
        %swap3A_482 = tpu.vector_load %arg6[%swap3A_480, %swap3A_481] {strides = array<i32>} : memref<40x64xf32, #tpu.memory_space<vmem>>, vector<16xf32>,
        tpu.vector_store %arg6[%swap3A_480, %swap3A_481], %add3A_479 {strides = array<i32>} : memref<40x64xf32, #tpu.memory_space<vmem>>, vector<16xf32>,
        %broadcast_in_dim3A_483 = arith.constant 0.000000e+00 : f32
        %broadcast_in_dim3A_484 = vector.broadcast %broadcast_in_dim3A_483 : f32 to vector<16xf32>
        %add3A_485 = arith.constant 48 : i32
        %add3A_486 = arith.addi %mul3A_171, %add3A_485 : i32
        %add3A_487 = arith.constant 0 : i32
        %add3A_488 = arith.addi %add3A_486, %add3A_487 : i32
        %add3A_489 = vector.broadcast %add3A_488 : i32 to vector<16xi32>
        %add3A_490 = arith.addi %add3A_489, %iota3A : vector<16xi32>
        %gather3A_491 = tpu.vector_load_idx %arg5[%add3A_490] : memref<2880xf32, #tpu.memory_space<vmem>>[vector<16xi32>], vector<16xf32>,
        %mul3A_492 = arith.constant 3.35462624E-4 : f32
        %mul3A_493 = vector.broadcast %mul3A_492 : f32 to vector<16xf32>
        %mul3A_494 = arith.mulf %mul3A_493, %gather3A_491 : vector<16xf32>
        %add3A_495 = arith.addf %broadcast_in_dim3A_484, %mul3A_494 : vector<16xf32>
        %add3A_496 = arith.constant 48 : i32
        %add3A_497 = arith.addi %mul3A_171, %add3A_496 : i32
        %add3A_498 = arith.constant 1 : i32
        %add3A_499 = arith.addi %add3A_497, %add3A_498 : i32
        %add3A_500 = vector.broadcast %add3A_499 : i32 to vector<16xi32>
        %add3A_501 = arith.addi %add3A_500, %iota3A : vector<16xi32>
        %gather3A_502 = tpu.vector_load_idx %arg5[%add3A_501] : memref<2880xf32, #tpu.memory_space<vmem>>[vector<16xi32>], vector<16xf32>,
        %mul3A_503 = arith.constant 0.0111089963 : f32
        %mul3A_504 = vector.broadcast %mul3A_503 : f32 to vector<16xf32>
        %mul3A_505 = arith.mulf %mul3A_504, %gather3A_502 : vector<16xf32>
        %add3A_506 = arith.addf %add3A_495, %mul3A_505 : vector<16xf32>
        %add3A_507 = arith.constant 48 : i32
        %add3A_508 = arith.addi %mul3A_171, %add3A_507 : i32
        %add3A_509 = arith.constant 2 : i32
        %add3A_510 = arith.addi %add3A_508, %add3A_509 : i32
        %add3A_511 = vector.broadcast %add3A_510 : i32 to vector<16xi32>
        %add3A_512 = arith.addi %add3A_511, %iota3A : vector<16xi32>
        %gather3A_513 = tpu.vector_load_idx %arg5[%add3A_512] : memref<2880xf32, #tpu.memory_space<vmem>>[vector<16xi32>], vector<16xf32>,
        %mul3A_514 = arith.constant 0.135335281 : f32
        %mul3A_515 = vector.broadcast %mul3A_514 : f32 to vector<16xf32>
        %mul3A_516 = arith.mulf %mul3A_515, %gather3A_513 : vector<16xf32>
        %add3A_517 = arith.addf %add3A_506, %mul3A_516 : vector<16xf32>
        %add3A_518 = arith.constant 48 : i32
        %add3A_519 = arith.addi %mul3A_171, %add3A_518 : i32
        %add3A_520 = arith.constant 3 : i32
        %add3A_521 = arith.addi %add3A_519, %add3A_520 : i32
        %add3A_522 = vector.broadcast %add3A_521 : i32 to vector<16xi32>
        %add3A_523 = arith.addi %add3A_522, %iota3A : vector<16xi32>
        %gather3A_524 = tpu.vector_load_idx %arg5[%add3A_523] : memref<2880xf32, #tpu.memory_space<vmem>>[vector<16xi32>], vector<16xf32>,
        %mul3A_525 = arith.constant 0.606530666 : f32
        %mul3A_526 = vector.broadcast %mul3A_525 : f32 to vector<16xf32>
        %mul3A_527 = arith.mulf %mul3A_526, %gather3A_524 : vector<16xf32>
        %add3A_528 = arith.addf %add3A_517, %mul3A_527 : vector<16xf32>
        %add3A_529 = arith.constant 48 : i32
        %add3A_530 = arith.addi %mul3A_171, %add3A_529 : i32
        %add3A_531 = arith.constant 4 : i32
        %add3A_532 = arith.addi %add3A_530, %add3A_531 : i32
        %add3A_533 = vector.broadcast %add3A_532 : i32 to vector<16xi32>
        %add3A_534 = arith.addi %add3A_533, %iota3A : vector<16xi32>
        %gather3A_535 = tpu.vector_load_idx %arg5[%add3A_534] : memref<2880xf32, #tpu.memory_space<vmem>>[vector<16xi32>], vector<16xf32>,
        %mul3A_536 = arith.constant 1.000000e+00 : f32
        %mul3A_537 = vector.broadcast %mul3A_536 : f32 to vector<16xf32>
        %mul3A_538 = arith.mulf %mul3A_537, %gather3A_535 : vector<16xf32>
        %add3A_539 = arith.addf %add3A_528, %mul3A_538 : vector<16xf32>
        %add3A_540 = arith.constant 48 : i32
        %add3A_541 = arith.addi %mul3A_171, %add3A_540 : i32
        %add3A_542 = arith.constant 5 : i32
        %add3A_543 = arith.addi %add3A_541, %add3A_542 : i32
        %add3A_544 = vector.broadcast %add3A_543 : i32 to vector<16xi32>
        %add3A_545 = arith.addi %add3A_544, %iota3A : vector<16xi32>
        %gather3A_546 = tpu.vector_load_idx %arg5[%add3A_545] : memref<2880xf32, #tpu.memory_space<vmem>>[vector<16xi32>], vector<16xf32>,
        %mul3A_547 = arith.constant 0.606530666 : f32
        %mul3A_548 = vector.broadcast %mul3A_547 : f32 to vector<16xf32>
        %mul3A_549 = arith.mulf %mul3A_548, %gather3A_546 : vector<16xf32>
        %add3A_550 = arith.addf %add3A_539, %mul3A_549 : vector<16xf32>
        %add3A_551 = arith.constant 48 : i32
        %add3A_552 = arith.addi %mul3A_171, %add3A_551 : i32
        %add3A_553 = arith.constant 6 : i32
        %add3A_554 = arith.addi %add3A_552, %add3A_553 : i32
        %add3A_555 = vector.broadcast %add3A_554 : i32 to vector<16xi32>
        %add3A_556 = arith.addi %add3A_555, %iota3A : vector<16xi32>
        %gather3A_557 = tpu.vector_load_idx %arg5[%add3A_556] : memref<2880xf32, #tpu.memory_space<vmem>>[vector<16xi32>], vector<16xf32>,
        %mul3A_558 = arith.constant 0.135335281 : f32
        %mul3A_559 = vector.broadcast %mul3A_558 : f32 to vector<16xf32>
        %mul3A_560 = arith.mulf %mul3A_559, %gather3A_557 : vector<16xf32>
        %add3A_561 = arith.addf %add3A_550, %mul3A_560 : vector<16xf32>
        %add3A_562 = arith.constant 48 : i32
        %add3A_563 = arith.addi %mul3A_171, %add3A_562 : i32
        %add3A_564 = arith.constant 7 : i32
        %add3A_565 = arith.addi %add3A_563, %add3A_564 : i32
        %add3A_566 = vector.broadcast %add3A_565 : i32 to vector<16xi32>
        %add3A_567 = arith.addi %add3A_566, %iota3A : vector<16xi32>
        %gather3A_568 = tpu.vector_load_idx %arg5[%add3A_567] : memref<2880xf32, #tpu.memory_space<vmem>>[vector<16xi32>], vector<16xf32>,
        %mul3A_569 = arith.constant 0.0111089963 : f32
        %mul3A_570 = vector.broadcast %mul3A_569 : f32 to vector<16xf32>
        %mul3A_571 = arith.mulf %mul3A_570, %gather3A_568 : vector<16xf32>
        %add3A_572 = arith.addf %add3A_561, %mul3A_571 : vector<16xf32>
        %add3A_573 = arith.constant 48 : i32
        %add3A_574 = arith.addi %mul3A_171, %add3A_573 : i32
        %add3A_575 = arith.constant 8 : i32
        %add3A_576 = arith.addi %add3A_574, %add3A_575 : i32
        %add3A_577 = vector.broadcast %add3A_576 : i32 to vector<16xi32>
        %add3A_578 = arith.addi %add3A_577, %iota3A : vector<16xi32>
        %gather3A_579 = tpu.vector_load_idx %arg5[%add3A_578] : memref<2880xf32, #tpu.memory_space<vmem>>[vector<16xi32>], vector<16xf32>,
        %mul3A_580 = arith.constant 3.35462624E-4 : f32
        %mul3A_581 = vector.broadcast %mul3A_580 : f32 to vector<16xf32>
        %mul3A_582 = arith.mulf %mul3A_581, %gather3A_579 : vector<16xf32>
        %add3A_583 = arith.addf %add3A_572, %mul3A_582 : vector<16xf32>
        %swap3A_584 = arith.index_cast %scan3A_168 : i32 to index
        %swap3A_585 = arith.constant 48 : index
        %swap3A_586 = tpu.vector_load %arg6[%swap3A_584, %swap3A_585] {strides = array<i32>} : memref<40x64xf32, #tpu.memory_space<vmem>>, vector<16xf32>,
        tpu.vector_store %arg6[%swap3A_584, %swap3A_585], %add3A_583 {strides = array<i32>} : memref<40x64xf32, #tpu.memory_space<vmem>>, vector<16xf32>,
        %scan3A_587 = arith.constant 0 : i32
        scf.yield %scan3A_587 : i32
      }
      %scan3A_144 = arith.constant 40 : i32
      %broadcast_in_dim3A_145 = arith.constant 0.000000e+00 : f32
      %broadcast_in_dim3A_146 = vector.broadcast %broadcast_in_dim3A_145 : f32 to vector<16xf32>
      %scan3A_147 = arith.constant 0 : i32
      %scan3A_148 = arith.constant 32 : i32
      %scan3A_149 = arith.addi %scan3A_147, %scan3A_148 : i32
      %scan3A_150 = arith.constant 1 : i32
      %scan3A_151 = scf.for %scan3A_168 = %scan3A_147 to %scan3A_149 step %scan3A_150 iter_args(%scan3A_169 = %broadcast_in_dim3A_146) -> (vector<16xf32>)  : i32 {
        %broadcast_in_dim3A_170 = arith.constant 0.000000e+00 : f32
        %broadcast_in_dim3A_171 = vector.broadcast %broadcast_in_dim3A_170 : f32 to vector<16xf32>
        %add3A_172 = arith.constant 0 : i32
        %add3A_173 = arith.addi %scan3A_168, %add3A_172 : i32
        %get3A = arith.index_cast %add3A_173 : i32 to index
        %get3A_174 = arith.constant 0 : index
        %get3A_175 = tpu.vector_load %arg6[%get3A, %get3A_174] {strides = array<i32>} : memref<40x64xf32, #tpu.memory_space<vmem>>, vector<16xf32>,
        %mul3A_176 = arith.constant 3.35462624E-4 : f32
        %mul3A_177 = vector.broadcast %mul3A_176 : f32 to vector<16xf32>
        %mul3A_178 = arith.mulf %mul3A_177, %get3A_175 : vector<16xf32>
        %add3A_179 = arith.addf %broadcast_in_dim3A_171, %mul3A_178 : vector<16xf32>
        %add3A_180 = arith.constant 1 : i32
        %add3A_181 = arith.addi %scan3A_168, %add3A_180 : i32
        %get3A_182 = arith.index_cast %add3A_181 : i32 to index
        %get3A_183 = arith.constant 0 : index
        %get3A_184 = tpu.vector_load %arg6[%get3A_182, %get3A_183] {strides = array<i32>} : memref<40x64xf32, #tpu.memory_space<vmem>>, vector<16xf32>,
        %mul3A_185 = arith.constant 0.0111089963 : f32
        %mul3A_186 = vector.broadcast %mul3A_185 : f32 to vector<16xf32>
        %mul3A_187 = arith.mulf %mul3A_186, %get3A_184 : vector<16xf32>
        %add3A_188 = arith.addf %add3A_179, %mul3A_187 : vector<16xf32>
        %add3A_189 = arith.constant 2 : i32
        %add3A_190 = arith.addi %scan3A_168, %add3A_189 : i32
        %get3A_191 = arith.index_cast %add3A_190 : i32 to index
        %get3A_192 = arith.constant 0 : index
        %get3A_193 = tpu.vector_load %arg6[%get3A_191, %get3A_192] {strides = array<i32>} : memref<40x64xf32, #tpu.memory_space<vmem>>, vector<16xf32>,
        %mul3A_194 = arith.constant 0.135335281 : f32
        %mul3A_195 = vector.broadcast %mul3A_194 : f32 to vector<16xf32>
        %mul3A_196 = arith.mulf %mul3A_195, %get3A_193 : vector<16xf32>
        %add3A_197 = arith.addf %add3A_188, %mul3A_196 : vector<16xf32>
        %add3A_198 = arith.constant 3 : i32
        %add3A_199 = arith.addi %scan3A_168, %add3A_198 : i32
        %get3A_200 = arith.index_cast %add3A_199 : i32 to index
        %get3A_201 = arith.constant 0 : index
        %get3A_202 = tpu.vector_load %arg6[%get3A_200, %get3A_201] {strides = array<i32>} : memref<40x64xf32, #tpu.memory_space<vmem>>, vector<16xf32>,
        %mul3A_203 = arith.constant 0.606530666 : f32
        %mul3A_204 = vector.broadcast %mul3A_203 : f32 to vector<16xf32>
        %mul3A_205 = arith.mulf %mul3A_204, %get3A_202 : vector<16xf32>
        %add3A_206 = arith.addf %add3A_197, %mul3A_205 : vector<16xf32>
        %add3A_207 = arith.constant 4 : i32
        %add3A_208 = arith.addi %scan3A_168, %add3A_207 : i32
        %get3A_209 = arith.index_cast %add3A_208 : i32 to index
        %get3A_210 = arith.constant 0 : index
        %get3A_211 = tpu.vector_load %arg6[%get3A_209, %get3A_210] {strides = array<i32>} : memref<40x64xf32, #tpu.memory_space<vmem>>, vector<16xf32>,
        %mul3A_212 = arith.constant 1.000000e+00 : f32
        %mul3A_213 = vector.broadcast %mul3A_212 : f32 to vector<16xf32>
        %mul3A_214 = arith.mulf %mul3A_213, %get3A_211 : vector<16xf32>
        %add3A_215 = arith.addf %add3A_206, %mul3A_214 : vector<16xf32>
        %add3A_216 = arith.constant 5 : i32
        %add3A_217 = arith.addi %scan3A_168, %add3A_216 : i32
        %get3A_218 = arith.index_cast %add3A_217 : i32 to index
        %get3A_219 = arith.constant 0 : index
        %get3A_220 = tpu.vector_load %arg6[%get3A_218, %get3A_219] {strides = array<i32>} : memref<40x64xf32, #tpu.memory_space<vmem>>, vector<16xf32>,
        %mul3A_221 = arith.constant 0.606530666 : f32
        %mul3A_222 = vector.broadcast %mul3A_221 : f32 to vector<16xf32>
        %mul3A_223 = arith.mulf %mul3A_222, %get3A_220 : vector<16xf32>
        %add3A_224 = arith.addf %add3A_215, %mul3A_223 : vector<16xf32>
        %add3A_225 = arith.constant 6 : i32
        %add3A_226 = arith.addi %scan3A_168, %add3A_225 : i32
        %get3A_227 = arith.index_cast %add3A_226 : i32 to index
        %get3A_228 = arith.constant 0 : index
        %get3A_229 = tpu.vector_load %arg6[%get3A_227, %get3A_228] {strides = array<i32>} : memref<40x64xf32, #tpu.memory_space<vmem>>, vector<16xf32>,
        %mul3A_230 = arith.constant 0.135335281 : f32
        %mul3A_231 = vector.broadcast %mul3A_230 : f32 to vector<16xf32>
        %mul3A_232 = arith.mulf %mul3A_231, %get3A_229 : vector<16xf32>
        %add3A_233 = arith.addf %add3A_224, %mul3A_232 : vector<16xf32>
        %add3A_234 = arith.constant 7 : i32
        %add3A_235 = arith.addi %scan3A_168, %add3A_234 : i32
        %get3A_236 = arith.index_cast %add3A_235 : i32 to index
        %get3A_237 = arith.constant 0 : index
        %get3A_238 = tpu.vector_load %arg6[%get3A_236, %get3A_237] {strides = array<i32>} : memref<40x64xf32, #tpu.memory_space<vmem>>, vector<16xf32>,
        %mul3A_239 = arith.constant 0.0111089963 : f32
        %mul3A_240 = vector.broadcast %mul3A_239 : f32 to vector<16xf32>
        %mul3A_241 = arith.mulf %mul3A_240, %get3A_238 : vector<16xf32>
        %add3A_242 = arith.addf %add3A_233, %mul3A_241 : vector<16xf32>
        %add3A_243 = arith.constant 8 : i32
        %add3A_244 = arith.addi %scan3A_168, %add3A_243 : i32
        %get3A_245 = arith.index_cast %add3A_244 : i32 to index
        %get3A_246 = arith.constant 0 : index
        %get3A_247 = tpu.vector_load %arg6[%get3A_245, %get3A_246] {strides = array<i32>} : memref<40x64xf32, #tpu.memory_space<vmem>>, vector<16xf32>,
        %mul3A_248 = arith.constant 3.35462624E-4 : f32
        %mul3A_249 = vector.broadcast %mul3A_248 : f32 to vector<16xf32>
        %mul3A_250 = arith.mulf %mul3A_249, %get3A_247 : vector<16xf32>
        %add3A_251 = arith.addf %add3A_242, %mul3A_250 : vector<16xf32>
        %swap3A_252 = arith.index_cast %scan3A_168 : i32 to index
        %swap3A_253 = arith.constant 0 : index
        %swap3A_254 = tpu.vector_load %arg7[%swap3A_252, %swap3A_253] {strides = array<i32>} : memref<32x64xf32, #tpu.memory_space<vmem>>, vector<16xf32>,
        tpu.vector_store %arg7[%swap3A_252, %swap3A_253], %add3A_251 {strides = array<i32>} : memref<32x64xf32, #tpu.memory_space<vmem>>, vector<16xf32>,
        %max3A_255 = arith.maximumf %scan3A_169, %add3A_251 : vector<16xf32>
        %broadcast_in_dim3A_256 = arith.constant 0.000000e+00 : f32
        %broadcast_in_dim3A_257 = vector.broadcast %broadcast_in_dim3A_256 : f32 to vector<16xf32>
        %add3A_258 = arith.constant 0 : i32
        %add3A_259 = arith.addi %scan3A_168, %add3A_258 : i32
        %get3A_260 = arith.index_cast %add3A_259 : i32 to index
        %get3A_261 = arith.constant 16 : index
        %get3A_262 = tpu.vector_load %arg6[%get3A_260, %get3A_261] {strides = array<i32>} : memref<40x64xf32, #tpu.memory_space<vmem>>, vector<16xf32>,
        %mul3A_263 = arith.constant 3.35462624E-4 : f32
        %mul3A_264 = vector.broadcast %mul3A_263 : f32 to vector<16xf32>
        %mul3A_265 = arith.mulf %mul3A_264, %get3A_262 : vector<16xf32>
        %add3A_266 = arith.addf %broadcast_in_dim3A_257, %mul3A_265 : vector<16xf32>
        %add3A_267 = arith.constant 1 : i32
        %add3A_268 = arith.addi %scan3A_168, %add3A_267 : i32
        %get3A_269 = arith.index_cast %add3A_268 : i32 to index
        %get3A_270 = arith.constant 16 : index
        %get3A_271 = tpu.vector_load %arg6[%get3A_269, %get3A_270] {strides = array<i32>} : memref<40x64xf32, #tpu.memory_space<vmem>>, vector<16xf32>,
        %mul3A_272 = arith.constant 0.0111089963 : f32
        %mul3A_273 = vector.broadcast %mul3A_272 : f32 to vector<16xf32>
        %mul3A_274 = arith.mulf %mul3A_273, %get3A_271 : vector<16xf32>
        %add3A_275 = arith.addf %add3A_266, %mul3A_274 : vector<16xf32>
        %add3A_276 = arith.constant 2 : i32
        %add3A_277 = arith.addi %scan3A_168, %add3A_276 : i32
        %get3A_278 = arith.index_cast %add3A_277 : i32 to index
        %get3A_279 = arith.constant 16 : index
        %get3A_280 = tpu.vector_load %arg6[%get3A_278, %get3A_279] {strides = array<i32>} : memref<40x64xf32, #tpu.memory_space<vmem>>, vector<16xf32>,
        %mul3A_281 = arith.constant 0.135335281 : f32
        %mul3A_282 = vector.broadcast %mul3A_281 : f32 to vector<16xf32>
        %mul3A_283 = arith.mulf %mul3A_282, %get3A_280 : vector<16xf32>
        %add3A_284 = arith.addf %add3A_275, %mul3A_283 : vector<16xf32>
        %add3A_285 = arith.constant 3 : i32
        %add3A_286 = arith.addi %scan3A_168, %add3A_285 : i32
        %get3A_287 = arith.index_cast %add3A_286 : i32 to index
        %get3A_288 = arith.constant 16 : index
        %get3A_289 = tpu.vector_load %arg6[%get3A_287, %get3A_288] {strides = array<i32>} : memref<40x64xf32, #tpu.memory_space<vmem>>, vector<16xf32>,
        %mul3A_290 = arith.constant 0.606530666 : f32
        %mul3A_291 = vector.broadcast %mul3A_290 : f32 to vector<16xf32>
        %mul3A_292 = arith.mulf %mul3A_291, %get3A_289 : vector<16xf32>
        %add3A_293 = arith.addf %add3A_284, %mul3A_292 : vector<16xf32>
        %add3A_294 = arith.constant 4 : i32
        %add3A_295 = arith.addi %scan3A_168, %add3A_294 : i32
        %get3A_296 = arith.index_cast %add3A_295 : i32 to index
        %get3A_297 = arith.constant 16 : index
        %get3A_298 = tpu.vector_load %arg6[%get3A_296, %get3A_297] {strides = array<i32>} : memref<40x64xf32, #tpu.memory_space<vmem>>, vector<16xf32>,
        %mul3A_299 = arith.constant 1.000000e+00 : f32
        %mul3A_300 = vector.broadcast %mul3A_299 : f32 to vector<16xf32>
        %mul3A_301 = arith.mulf %mul3A_300, %get3A_298 : vector<16xf32>
        %add3A_302 = arith.addf %add3A_293, %mul3A_301 : vector<16xf32>
        %add3A_303 = arith.constant 5 : i32
        %add3A_304 = arith.addi %scan3A_168, %add3A_303 : i32
        %get3A_305 = arith.index_cast %add3A_304 : i32 to index
        %get3A_306 = arith.constant 16 : index
        %get3A_307 = tpu.vector_load %arg6[%get3A_305, %get3A_306] {strides = array<i32>} : memref<40x64xf32, #tpu.memory_space<vmem>>, vector<16xf32>,
        %mul3A_308 = arith.constant 0.606530666 : f32
        %mul3A_309 = vector.broadcast %mul3A_308 : f32 to vector<16xf32>
        %mul3A_310 = arith.mulf %mul3A_309, %get3A_307 : vector<16xf32>
        %add3A_311 = arith.addf %add3A_302, %mul3A_310 : vector<16xf32>
        %add3A_312 = arith.constant 6 : i32
        %add3A_313 = arith.addi %scan3A_168, %add3A_312 : i32
        %get3A_314 = arith.index_cast %add3A_313 : i32 to index
        %get3A_315 = arith.constant 16 : index
        %get3A_316 = tpu.vector_load %arg6[%get3A_314, %get3A_315] {strides = array<i32>} : memref<40x64xf32, #tpu.memory_space<vmem>>, vector<16xf32>,
        %mul3A_317 = arith.constant 0.135335281 : f32
        %mul3A_318 = vector.broadcast %mul3A_317 : f32 to vector<16xf32>
        %mul3A_319 = arith.mulf %mul3A_318, %get3A_316 : vector<16xf32>
        %add3A_320 = arith.addf %add3A_311, %mul3A_319 : vector<16xf32>
        %add3A_321 = arith.constant 7 : i32
        %add3A_322 = arith.addi %scan3A_168, %add3A_321 : i32
        %get3A_323 = arith.index_cast %add3A_322 : i32 to index
        %get3A_324 = arith.constant 16 : index
        %get3A_325 = tpu.vector_load %arg6[%get3A_323, %get3A_324] {strides = array<i32>} : memref<40x64xf32, #tpu.memory_space<vmem>>, vector<16xf32>,
        %mul3A_326 = arith.constant 0.0111089963 : f32
        %mul3A_327 = vector.broadcast %mul3A_326 : f32 to vector<16xf32>
        %mul3A_328 = arith.mulf %mul3A_327, %get3A_325 : vector<16xf32>
        %add3A_329 = arith.addf %add3A_320, %mul3A_328 : vector<16xf32>
        %add3A_330 = arith.constant 8 : i32
        %add3A_331 = arith.addi %scan3A_168, %add3A_330 : i32
        %get3A_332 = arith.index_cast %add3A_331 : i32 to index
        %get3A_333 = arith.constant 16 : index
        %get3A_334 = tpu.vector_load %arg6[%get3A_332, %get3A_333] {strides = array<i32>} : memref<40x64xf32, #tpu.memory_space<vmem>>, vector<16xf32>,
        %mul3A_335 = arith.constant 3.35462624E-4 : f32
        %mul3A_336 = vector.broadcast %mul3A_335 : f32 to vector<16xf32>
        %mul3A_337 = arith.mulf %mul3A_336, %get3A_334 : vector<16xf32>
        %add3A_338 = arith.addf %add3A_329, %mul3A_337 : vector<16xf32>
        %swap3A_339 = arith.index_cast %scan3A_168 : i32 to index
        %swap3A_340 = arith.constant 16 : index
        %swap3A_341 = tpu.vector_load %arg7[%swap3A_339, %swap3A_340] {strides = array<i32>} : memref<32x64xf32, #tpu.memory_space<vmem>>, vector<16xf32>,
        tpu.vector_store %arg7[%swap3A_339, %swap3A_340], %add3A_338 {strides = array<i32>} : memref<32x64xf32, #tpu.memory_space<vmem>>, vector<16xf32>,
        %max3A_342 = arith.maximumf %max3A_255, %add3A_338 : vector<16xf32>
        %broadcast_in_dim3A_343 = arith.constant 0.000000e+00 : f32
        %broadcast_in_dim3A_344 = vector.broadcast %broadcast_in_dim3A_343 : f32 to vector<16xf32>
        %add3A_345 = arith.constant 0 : i32
        %add3A_346 = arith.addi %scan3A_168, %add3A_345 : i32
        %get3A_347 = arith.index_cast %add3A_346 : i32 to index
        %get3A_348 = arith.constant 32 : index
        %get3A_349 = tpu.vector_load %arg6[%get3A_347, %get3A_348] {strides = array<i32>} : memref<40x64xf32, #tpu.memory_space<vmem>>, vector<16xf32>,
        %mul3A_350 = arith.constant 3.35462624E-4 : f32
        %mul3A_351 = vector.broadcast %mul3A_350 : f32 to vector<16xf32>
        %mul3A_352 = arith.mulf %mul3A_351, %get3A_349 : vector<16xf32>
        %add3A_353 = arith.addf %broadcast_in_dim3A_344, %mul3A_352 : vector<16xf32>
        %add3A_354 = arith.constant 1 : i32
        %add3A_355 = arith.addi %scan3A_168, %add3A_354 : i32
        %get3A_356 = arith.index_cast %add3A_355 : i32 to index
        %get3A_357 = arith.constant 32 : index
        %get3A_358 = tpu.vector_load %arg6[%get3A_356, %get3A_357] {strides = array<i32>} : memref<40x64xf32, #tpu.memory_space<vmem>>, vector<16xf32>,
        %mul3A_359 = arith.constant 0.0111089963 : f32
        %mul3A_360 = vector.broadcast %mul3A_359 : f32 to vector<16xf32>
        %mul3A_361 = arith.mulf %mul3A_360, %get3A_358 : vector<16xf32>
        %add3A_362 = arith.addf %add3A_353, %mul3A_361 : vector<16xf32>
        %add3A_363 = arith.constant 2 : i32
        %add3A_364 = arith.addi %scan3A_168, %add3A_363 : i32
        %get3A_365 = arith.index_cast %add3A_364 : i32 to index
        %get3A_366 = arith.constant 32 : index
        %get3A_367 = tpu.vector_load %arg6[%get3A_365, %get3A_366] {strides = array<i32>} : memref<40x64xf32, #tpu.memory_space<vmem>>, vector<16xf32>,
        %mul3A_368 = arith.constant 0.135335281 : f32
        %mul3A_369 = vector.broadcast %mul3A_368 : f32 to vector<16xf32>
        %mul3A_370 = arith.mulf %mul3A_369, %get3A_367 : vector<16xf32>
        %add3A_371 = arith.addf %add3A_362, %mul3A_370 : vector<16xf32>
        %add3A_372 = arith.constant 3 : i32
        %add3A_373 = arith.addi %scan3A_168, %add3A_372 : i32
        %get3A_374 = arith.index_cast %add3A_373 : i32 to index
        %get3A_375 = arith.constant 32 : index
        %get3A_376 = tpu.vector_load %arg6[%get3A_374, %get3A_375] {strides = array<i32>} : memref<40x64xf32, #tpu.memory_space<vmem>>, vector<16xf32>,
        %mul3A_377 = arith.constant 0.606530666 : f32
        %mul3A_378 = vector.broadcast %mul3A_377 : f32 to vector<16xf32>
        %mul3A_379 = arith.mulf %mul3A_378, %get3A_376 : vector<16xf32>
        %add3A_380 = arith.addf %add3A_371, %mul3A_379 : vector<16xf32>
        %add3A_381 = arith.constant 4 : i32
        %add3A_382 = arith.addi %scan3A_168, %add3A_381 : i32
        %get3A_383 = arith.index_cast %add3A_382 : i32 to index
        %get3A_384 = arith.constant 32 : index
        %get3A_385 = tpu.vector_load %arg6[%get3A_383, %get3A_384] {strides = array<i32>} : memref<40x64xf32, #tpu.memory_space<vmem>>, vector<16xf32>,
        %mul3A_386 = arith.constant 1.000000e+00 : f32
        %mul3A_387 = vector.broadcast %mul3A_386 : f32 to vector<16xf32>
        %mul3A_388 = arith.mulf %mul3A_387, %get3A_385 : vector<16xf32>
        %add3A_389 = arith.addf %add3A_380, %mul3A_388 : vector<16xf32>
        %add3A_390 = arith.constant 5 : i32
        %add3A_391 = arith.addi %scan3A_168, %add3A_390 : i32
        %get3A_392 = arith.index_cast %add3A_391 : i32 to index
        %get3A_393 = arith.constant 32 : index
        %get3A_394 = tpu.vector_load %arg6[%get3A_392, %get3A_393] {strides = array<i32>} : memref<40x64xf32, #tpu.memory_space<vmem>>, vector<16xf32>,
        %mul3A_395 = arith.constant 0.606530666 : f32
        %mul3A_396 = vector.broadcast %mul3A_395 : f32 to vector<16xf32>
        %mul3A_397 = arith.mulf %mul3A_396, %get3A_394 : vector<16xf32>
        %add3A_398 = arith.addf %add3A_389, %mul3A_397 : vector<16xf32>
        %add3A_399 = arith.constant 6 : i32
        %add3A_400 = arith.addi %scan3A_168, %add3A_399 : i32
        %get3A_401 = arith.index_cast %add3A_400 : i32 to index
        %get3A_402 = arith.constant 32 : index
        %get3A_403 = tpu.vector_load %arg6[%get3A_401, %get3A_402] {strides = array<i32>} : memref<40x64xf32, #tpu.memory_space<vmem>>, vector<16xf32>,
        %mul3A_404 = arith.constant 0.135335281 : f32
        %mul3A_405 = vector.broadcast %mul3A_404 : f32 to vector<16xf32>
        %mul3A_406 = arith.mulf %mul3A_405, %get3A_403 : vector<16xf32>
        %add3A_407 = arith.addf %add3A_398, %mul3A_406 : vector<16xf32>
        %add3A_408 = arith.constant 7 : i32
        %add3A_409 = arith.addi %scan3A_168, %add3A_408 : i32
        %get3A_410 = arith.index_cast %add3A_409 : i32 to index
        %get3A_411 = arith.constant 32 : index
        %get3A_412 = tpu.vector_load %arg6[%get3A_410, %get3A_411] {strides = array<i32>} : memref<40x64xf32, #tpu.memory_space<vmem>>, vector<16xf32>,
        %mul3A_413 = arith.constant 0.0111089963 : f32
        %mul3A_414 = vector.broadcast %mul3A_413 : f32 to vector<16xf32>
        %mul3A_415 = arith.mulf %mul3A_414, %get3A_412 : vector<16xf32>
        %add3A_416 = arith.addf %add3A_407, %mul3A_415 : vector<16xf32>
        %add3A_417 = arith.constant 8 : i32
        %add3A_418 = arith.addi %scan3A_168, %add3A_417 : i32
        %get3A_419 = arith.index_cast %add3A_418 : i32 to index
        %get3A_420 = arith.constant 32 : index
        %get3A_421 = tpu.vector_load %arg6[%get3A_419, %get3A_420] {strides = array<i32>} : memref<40x64xf32, #tpu.memory_space<vmem>>, vector<16xf32>,
        %mul3A_422 = arith.constant 3.35462624E-4 : f32
        %mul3A_423 = vector.broadcast %mul3A_422 : f32 to vector<16xf32>
        %mul3A_424 = arith.mulf %mul3A_423, %get3A_421 : vector<16xf32>
        %add3A_425 = arith.addf %add3A_416, %mul3A_424 : vector<16xf32>
        %swap3A_426 = arith.index_cast %scan3A_168 : i32 to index
        %swap3A_427 = arith.constant 32 : index
        %swap3A_428 = tpu.vector_load %arg7[%swap3A_426, %swap3A_427] {strides = array<i32>} : memref<32x64xf32, #tpu.memory_space<vmem>>, vector<16xf32>,
        tpu.vector_store %arg7[%swap3A_426, %swap3A_427], %add3A_425 {strides = array<i32>} : memref<32x64xf32, #tpu.memory_space<vmem>>, vector<16xf32>,
        %max3A_429 = arith.maximumf %max3A_342, %add3A_425 : vector<16xf32>
        %broadcast_in_dim3A_430 = arith.constant 0.000000e+00 : f32
        %broadcast_in_dim3A_431 = vector.broadcast %broadcast_in_dim3A_430 : f32 to vector<16xf32>
        %add3A_432 = arith.constant 0 : i32
        %add3A_433 = arith.addi %scan3A_168, %add3A_432 : i32
        %get3A_434 = arith.index_cast %add3A_433 : i32 to index
        %get3A_435 = arith.constant 48 : index
        %get3A_436 = tpu.vector_load %arg6[%get3A_434, %get3A_435] {strides = array<i32>} : memref<40x64xf32, #tpu.memory_space<vmem>>, vector<16xf32>,
        %mul3A_437 = arith.constant 3.35462624E-4 : f32
        %mul3A_438 = vector.broadcast %mul3A_437 : f32 to vector<16xf32>
        %mul3A_439 = arith.mulf %mul3A_438, %get3A_436 : vector<16xf32>
        %add3A_440 = arith.addf %broadcast_in_dim3A_431, %mul3A_439 : vector<16xf32>
        %add3A_441 = arith.constant 1 : i32
        %add3A_442 = arith.addi %scan3A_168, %add3A_441 : i32
        %get3A_443 = arith.index_cast %add3A_442 : i32 to index
        %get3A_444 = arith.constant 48 : index
        %get3A_445 = tpu.vector_load %arg6[%get3A_443, %get3A_444] {strides = array<i32>} : memref<40x64xf32, #tpu.memory_space<vmem>>, vector<16xf32>,
        %mul3A_446 = arith.constant 0.0111089963 : f32
        %mul3A_447 = vector.broadcast %mul3A_446 : f32 to vector<16xf32>
        %mul3A_448 = arith.mulf %mul3A_447, %get3A_445 : vector<16xf32>
        %add3A_449 = arith.addf %add3A_440, %mul3A_448 : vector<16xf32>
        %add3A_450 = arith.constant 2 : i32
        %add3A_451 = arith.addi %scan3A_168, %add3A_450 : i32
        %get3A_452 = arith.index_cast %add3A_451 : i32 to index
        %get3A_453 = arith.constant 48 : index
        %get3A_454 = tpu.vector_load %arg6[%get3A_452, %get3A_453] {strides = array<i32>} : memref<40x64xf32, #tpu.memory_space<vmem>>, vector<16xf32>,
        %mul3A_455 = arith.constant 0.135335281 : f32
        %mul3A_456 = vector.broadcast %mul3A_455 : f32 to vector<16xf32>
        %mul3A_457 = arith.mulf %mul3A_456, %get3A_454 : vector<16xf32>
        %add3A_458 = arith.addf %add3A_449, %mul3A_457 : vector<16xf32>
        %add3A_459 = arith.constant 3 : i32
        %add3A_460 = arith.addi %scan3A_168, %add3A_459 : i32
        %get3A_461 = arith.index_cast %add3A_460 : i32 to index
        %get3A_462 = arith.constant 48 : index
        %get3A_463 = tpu.vector_load %arg6[%get3A_461, %get3A_462] {strides = array<i32>} : memref<40x64xf32, #tpu.memory_space<vmem>>, vector<16xf32>,
        %mul3A_464 = arith.constant 0.606530666 : f32
        %mul3A_465 = vector.broadcast %mul3A_464 : f32 to vector<16xf32>
        %mul3A_466 = arith.mulf %mul3A_465, %get3A_463 : vector<16xf32>
        %add3A_467 = arith.addf %add3A_458, %mul3A_466 : vector<16xf32>
        %add3A_468 = arith.constant 4 : i32
        %add3A_469 = arith.addi %scan3A_168, %add3A_468 : i32
        %get3A_470 = arith.index_cast %add3A_469 : i32 to index
        %get3A_471 = arith.constant 48 : index
        %get3A_472 = tpu.vector_load %arg6[%get3A_470, %get3A_471] {strides = array<i32>} : memref<40x64xf32, #tpu.memory_space<vmem>>, vector<16xf32>,
        %mul3A_473 = arith.constant 1.000000e+00 : f32
        %mul3A_474 = vector.broadcast %mul3A_473 : f32 to vector<16xf32>
        %mul3A_475 = arith.mulf %mul3A_474, %get3A_472 : vector<16xf32>
        %add3A_476 = arith.addf %add3A_467, %mul3A_475 : vector<16xf32>
        %add3A_477 = arith.constant 5 : i32
        %add3A_478 = arith.addi %scan3A_168, %add3A_477 : i32
        %get3A_479 = arith.index_cast %add3A_478 : i32 to index
        %get3A_480 = arith.constant 48 : index
        %get3A_481 = tpu.vector_load %arg6[%get3A_479, %get3A_480] {strides = array<i32>} : memref<40x64xf32, #tpu.memory_space<vmem>>, vector<16xf32>,
        %mul3A_482 = arith.constant 0.606530666 : f32
        %mul3A_483 = vector.broadcast %mul3A_482 : f32 to vector<16xf32>
        %mul3A_484 = arith.mulf %mul3A_483, %get3A_481 : vector<16xf32>
        %add3A_485 = arith.addf %add3A_476, %mul3A_484 : vector<16xf32>
        %add3A_486 = arith.constant 6 : i32
        %add3A_487 = arith.addi %scan3A_168, %add3A_486 : i32
        %get3A_488 = arith.index_cast %add3A_487 : i32 to index
        %get3A_489 = arith.constant 48 : index
        %get3A_490 = tpu.vector_load %arg6[%get3A_488, %get3A_489] {strides = array<i32>} : memref<40x64xf32, #tpu.memory_space<vmem>>, vector<16xf32>,
        %mul3A_491 = arith.constant 0.135335281 : f32
        %mul3A_492 = vector.broadcast %mul3A_491 : f32 to vector<16xf32>
        %mul3A_493 = arith.mulf %mul3A_492, %get3A_490 : vector<16xf32>
        %add3A_494 = arith.addf %add3A_485, %mul3A_493 : vector<16xf32>
        %add3A_495 = arith.constant 7 : i32
        %add3A_496 = arith.addi %scan3A_168, %add3A_495 : i32
        %get3A_497 = arith.index_cast %add3A_496 : i32 to index
        %get3A_498 = arith.constant 48 : index
        %get3A_499 = tpu.vector_load %arg6[%get3A_497, %get3A_498] {strides = array<i32>} : memref<40x64xf32, #tpu.memory_space<vmem>>, vector<16xf32>,
        %mul3A_500 = arith.constant 0.0111089963 : f32
        %mul3A_501 = vector.broadcast %mul3A_500 : f32 to vector<16xf32>
        %mul3A_502 = arith.mulf %mul3A_501, %get3A_499 : vector<16xf32>
        %add3A_503 = arith.addf %add3A_494, %mul3A_502 : vector<16xf32>
        %add3A_504 = arith.constant 8 : i32
        %add3A_505 = arith.addi %scan3A_168, %add3A_504 : i32
        %get3A_506 = arith.index_cast %add3A_505 : i32 to index
        %get3A_507 = arith.constant 48 : index
        %get3A_508 = tpu.vector_load %arg6[%get3A_506, %get3A_507] {strides = array<i32>} : memref<40x64xf32, #tpu.memory_space<vmem>>, vector<16xf32>,
        %mul3A_509 = arith.constant 3.35462624E-4 : f32
        %mul3A_510 = vector.broadcast %mul3A_509 : f32 to vector<16xf32>
        %mul3A_511 = arith.mulf %mul3A_510, %get3A_508 : vector<16xf32>
        %add3A_512 = arith.addf %add3A_503, %mul3A_511 : vector<16xf32>
        %swap3A_513 = arith.index_cast %scan3A_168 : i32 to index
        %swap3A_514 = arith.constant 48 : index
        %swap3A_515 = tpu.vector_load %arg7[%swap3A_513, %swap3A_514] {strides = array<i32>} : memref<32x64xf32, #tpu.memory_space<vmem>>, vector<16xf32>,
        tpu.vector_store %arg7[%swap3A_513, %swap3A_514], %add3A_512 {strides = array<i32>} : memref<32x64xf32, #tpu.memory_space<vmem>>, vector<16xf32>,
        %max3A_516 = arith.maximumf %max3A_429, %add3A_512 : vector<16xf32>
        scf.yield %max3A_516 : vector<16xf32>
      }
      %scan3A_152 = arith.constant 32 : i32
      %swap3A = arith.constant 0 : index
      %swap3A_153 = tpu.vector_load %arg9[%swap3A] {strides = array<i32>} : memref<32xf32, #tpu.memory_space<vmem>>, vector<16xf32>,
      tpu.vector_store %arg9[%swap3A], %max3A_137 {strides = array<i32>} : memref<32xf32, #tpu.memory_space<vmem>>, vector<16xf32>,
      %swap3A_154 = arith.constant 16 : index
      %swap3A_155 = tpu.vector_load %arg9[%swap3A_154] {strides = array<i32>} : memref<32xf32, #tpu.memory_space<vmem>>, vector<16xf32>,
      tpu.vector_store %arg9[%swap3A_154], %scan3A_151 {strides = array<i32>} : memref<32xf32, #tpu.memory_space<vmem>>, vector<16xf32>,
      %mul3A_156 = arith.constant 32 : i32
      %mul3A_157 = arith.muli %arg1, %mul3A_156 : i32
      "tpu.region"() ({
        %run_scoped3A = tpu.sem_alloc : memref<!tpu.dma_semaphore, #tpu.memory_space<semaphore_mem>>
        %dma_start3A_168 = tpu.memref_slice %arg12[%mul3A_157] : memref<512xf32, #tpu.memory_space<vmem_shared>> -> memref<32xf32, #tpu.memory_space<vmem_shared>>
        %dma_start3A_169 = tpu.memref_slice %arg12[%mul3A_157] : memref<512xf32, #tpu.memory_space<vmem_shared>> -> memref<32xf32, #tpu.memory_space<vmem_shared>>
        tpu.enqueue_dma source(%arg9 : memref<32xf32, #tpu.memory_space<vmem>>) target(%dma_start3A_169 : memref<32xf32, #tpu.memory_space<vmem_shared>>) target_semaphore(%run_scoped3A : memref<!tpu.dma_semaphore, #tpu.memory_space<semaphore_mem>>)
        %dma_wait3A_170 = tpu.memref_slice %arg12[%mul3A_157] : memref<512xf32, #tpu.memory_space<vmem_shared>> -> memref<32xf32, #tpu.memory_space<vmem_shared>>
        %dma_wait3A_171 = tpu.memref_slice %arg12[%mul3A_157] : memref<512xf32, #tpu.memory_space<vmem_shared>> -> memref<32xf32, #tpu.memory_space<vmem_shared>>
        tpu.wait_dma2 semaphore(%run_scoped3A : memref<!tpu.dma_semaphore, #tpu.memory_space<semaphore_mem>>) src(%arg9 : memref<32xf32, #tpu.memory_space<vmem>>) dst(%dma_wait3A_171 : memref<32xf32, #tpu.memory_space<vmem_shared>>)
        tpu.yield
      }) : () -> ()
      %ge3A_158 = arith.constant 8 : i32
      %ge3A_159 = arith.cmpi sge, %arg1, %ge3A_158 : i32
      %convert_element_type3A_160 = arith.extui %ge3A_159 : i1 to i32
      %cond3A_161 = arith.constant 0 : i32
      %cond3A_162 = arith.cmpi ne, %convert_element_type3A_160, %cond3A_161 : i32
      scf.if %cond3A_162 {
        %run_scoped3A = arith.constant 4 : i32
        "tpu.region"() ({
          %run_scoped3A_168 = tpu.sem_alloc : memref<!tpu.dma_semaphore, #tpu.memory_space<semaphore_mem>>
          %dma_start3A_169 = arith.constant 0 : i32
          %dma_start3A_170 = tpu.memref_slice %arg3[%select_n3A_50, %run_scoped3A, %mul3A_67, %dma_start3A_169] : memref<4x5x64x64xf32, #tpu.memory_space<hbm>> -> memref<1x1x32x64xf32, #tpu.memory_space<hbm>>
          %dma_start3A_171 = tpu.memref_squeeze %dma_start3A_170 : memref<1x1x32x64xf32, #tpu.memory_space<hbm>> -> memref<32x64xf32, #tpu.memory_space<hbm>>
          %dma_start3A_172 = arith.constant 0 : i32
          %dma_start3A_173 = tpu.memref_slice %arg3[%select_n3A_50, %run_scoped3A, %mul3A_67, %dma_start3A_172] : memref<4x5x64x64xf32, #tpu.memory_space<hbm>> -> memref<1x1x32x64xf32, #tpu.memory_space<hbm>>
          %dma_start3A_174 = tpu.memref_squeeze %dma_start3A_173 : memref<1x1x32x64xf32, #tpu.memory_space<hbm>> -> memref<32x64xf32, #tpu.memory_space<hbm>>
          tpu.enqueue_dma source(%arg7 : memref<32x64xf32, #tpu.memory_space<vmem>>) target(%dma_start3A_174 : memref<32x64xf32, #tpu.memory_space<hbm>>) target_semaphore(%run_scoped3A_168 : memref<!tpu.dma_semaphore, #tpu.memory_space<semaphore_mem>>)
          %dma_wait3A_175 = arith.constant 0 : i32
          %dma_wait3A_176 = tpu.memref_slice %arg3[%select_n3A_50, %run_scoped3A, %mul3A_67, %dma_wait3A_175] : memref<4x5x64x64xf32, #tpu.memory_space<hbm>> -> memref<1x1x32x64xf32, #tpu.memory_space<hbm>>
          %dma_wait3A_177 = tpu.memref_squeeze %dma_wait3A_176 : memref<1x1x32x64xf32, #tpu.memory_space<hbm>> -> memref<32x64xf32, #tpu.memory_space<hbm>>
          %dma_wait3A_178 = arith.constant 0 : i32
          %dma_wait3A_179 = tpu.memref_slice %arg3[%select_n3A_50, %run_scoped3A, %mul3A_67, %dma_wait3A_178] : memref<4x5x64x64xf32, #tpu.memory_space<hbm>> -> memref<1x1x32x64xf32, #tpu.memory_space<hbm>>
          %dma_wait3A_180 = tpu.memref_squeeze %dma_wait3A_179 : memref<1x1x32x64xf32, #tpu.memory_space<hbm>> -> memref<32x64xf32, #tpu.memory_space<hbm>>
          tpu.wait_dma2 semaphore(%run_scoped3A_168 : memref<!tpu.dma_semaphore, #tpu.memory_space<semaphore_mem>>) src(%arg7 : memref<32x64xf32, #tpu.memory_space<vmem>>) dst(%dma_wait3A_180 : memref<32x64xf32, #tpu.memory_space<hbm>>)
          tpu.yield
        }) : () -> ()
      } else {
      }
      %lt3A_163 = arith.constant 8 : i32
      %lt3A_164 = arith.cmpi slt, %arg1, %lt3A_163 : i32
      %convert_element_type3A_165 = arith.extui %lt3A_164 : i1 to i32
      %cond3A_166 = arith.constant 0 : i32
      %cond3A_167 = arith.cmpi ne, %convert_element_type3A_165, %cond3A_166 : i32
      scf.if %cond3A_167 {
        %run_scoped3A = arith.constant 1 : i32
        "tpu.region"() ({
          %run_scoped3A_168 = tpu.sem_alloc : memref<!tpu.dma_semaphore, #tpu.memory_space<semaphore_mem>>
          %dma_start3A_169 = arith.constant 0 : i32
          %dma_start3A_170 = tpu.memref_slice %arg2[%select_n3A_50, %run_scoped3A, %mul3A_67, %dma_start3A_169] : memref<4x4x64x64xf32, #tpu.memory_space<hbm>> -> memref<1x1x32x64xf32, #tpu.memory_space<hbm>>
          %dma_start3A_171 = tpu.memref_squeeze %dma_start3A_170 : memref<1x1x32x64xf32, #tpu.memory_space<hbm>> -> memref<32x64xf32, #tpu.memory_space<hbm>>
          %dma_start3A_172 = arith.constant 0 : i32
          %dma_start3A_173 = tpu.memref_slice %arg2[%select_n3A_50, %run_scoped3A, %mul3A_67, %dma_start3A_172] : memref<4x4x64x64xf32, #tpu.memory_space<hbm>> -> memref<1x1x32x64xf32, #tpu.memory_space<hbm>>
          %dma_start3A_174 = tpu.memref_squeeze %dma_start3A_173 : memref<1x1x32x64xf32, #tpu.memory_space<hbm>> -> memref<32x64xf32, #tpu.memory_space<hbm>>
          tpu.enqueue_dma source(%dma_start3A_174 : memref<32x64xf32, #tpu.memory_space<hbm>>) target(%arg8 : memref<32x64xf32, #tpu.memory_space<vmem>>) target_semaphore(%run_scoped3A_168 : memref<!tpu.dma_semaphore, #tpu.memory_space<semaphore_mem>>)
          %dma_wait3A_175 = arith.constant 0 : i32
          %dma_wait3A_176 = tpu.memref_slice %arg2[%select_n3A_50, %run_scoped3A, %mul3A_67, %dma_wait3A_175] : memref<4x4x64x64xf32, #tpu.memory_space<hbm>> -> memref<1x1x32x64xf32, #tpu.memory_space<hbm>>
          %dma_wait3A_177 = tpu.memref_squeeze %dma_wait3A_176 : memref<1x1x32x64xf32, #tpu.memory_space<hbm>> -> memref<32x64xf32, #tpu.memory_space<hbm>>
          %dma_wait3A_178 = arith.constant 0 : i32
          %dma_wait3A_179 = tpu.memref_slice %arg2[%select_n3A_50, %run_scoped3A, %mul3A_67, %dma_wait3A_178] : memref<4x4x64x64xf32, #tpu.memory_space<hbm>> -> memref<1x1x32x64xf32, #tpu.memory_space<hbm>>
          %dma_wait3A_180 = tpu.memref_squeeze %dma_wait3A_179 : memref<1x1x32x64xf32, #tpu.memory_space<hbm>> -> memref<32x64xf32, #tpu.memory_space<hbm>>
          tpu.wait_dma2 semaphore(%run_scoped3A_168 : memref<!tpu.dma_semaphore, #tpu.memory_space<semaphore_mem>>) src(%dma_wait3A_180 : memref<32x64xf32, #tpu.memory_space<hbm>>) dst(%arg8 : memref<32x64xf32, #tpu.memory_space<vmem>>)
          tpu.yield
        }) : () -> ()
      } else {
      }
    } else {
    }
    %eq3A_92 = arith.constant 1 : i32
    %eq3A_93 = arith.cmpi eq, %arg0, %eq3A_92 : i32
    %lt3A_94 = arith.constant 8 : i32
    %lt3A_95 = arith.cmpi slt, %arg1, %lt3A_94 : i32
    %and3A_96 = arith.andi %eq3A_93, %lt3A_95 : i1
    %convert_element_type3A_97 = arith.extui %and3A_96 : i1 to i32
    %cond3A_98 = arith.constant 0 : i32
    %cond3A_99 = arith.cmpi ne, %convert_element_type3A_97, %cond3A_98 : i32
    scf.if %cond3A_99 {
      %dma_start3A = arith.constant 0 : i32
      %dma_start3A_103 = arith.constant 0 : i32
      %dma_start3A_104 = tpu.memref_slice %arg2[%select_n3A_50, %select_n3A_76, %dma_start3A, %dma_start3A_103] : memref<4x4x64x64xf32, #tpu.memory_space<hbm>> -> memref<1x1x64x64xf32, #tpu.memory_space<hbm>>
      %dma_start3A_105 = tpu.memref_squeeze %dma_start3A_104 : memref<1x1x64x64xf32, #tpu.memory_space<hbm>> -> memref<64x64xf32, #tpu.memory_space<hbm>>
      %dma_start3A_106 = arith.constant 0 : i32
      %dma_start3A_107 = arith.constant 0 : i32
      %dma_start3A_108 = tpu.memref_slice %arg2[%select_n3A_50, %select_n3A_76, %dma_start3A_106, %dma_start3A_107] : memref<4x4x64x64xf32, #tpu.memory_space<hbm>> -> memref<1x1x64x64xf32, #tpu.memory_space<hbm>>
      %dma_start3A_109 = tpu.memref_squeeze %dma_start3A_108 : memref<1x1x64x64xf32, #tpu.memory_space<hbm>> -> memref<64x64xf32, #tpu.memory_space<hbm>>
      tpu.enqueue_dma source(%dma_start3A_109 : memref<64x64xf32, #tpu.memory_space<hbm>>) target(%arg4 : memref<64x64xf32, #tpu.memory_space<vmem>>) target_semaphore(%arg13 : memref<!tpu.dma_semaphore, #tpu.memory_space<semaphore_mem>>)
      %scan3A = arith.constant 0 : i32
      %scan3A_110 = arith.constant 0 : i32
      %scan3A_111 = arith.constant 153 : i32
      %scan3A_112 = arith.addi %scan3A_110, %scan3A_111 : i32
      %scan3A_113 = arith.constant 1 : i32
      %scan3A_114 = scf.for %scan3A_158 = %scan3A_110 to %scan3A_112 step %scan3A_113 iter_args(%scan3A_159 = %scan3A) -> (i32)  : i32 {
        %broadcast_in_dim3A_160 = arith.constant 0.000000e+00 : f32
        %broadcast_in_dim3A_161 = vector.broadcast %broadcast_in_dim3A_160 : f32 to vector<16xf32>
        %mul3A_162 = arith.constant 16 : i32
        %mul3A_163 = arith.muli %scan3A_158, %mul3A_162 : i32
        %swap3A_164 = arith.index_cast %mul3A_163 : i32 to index
        %swap3A_165 = tpu.vector_load %arg5[%swap3A_164] {strides = array<i32>} : memref<2880xf32, #tpu.memory_space<vmem>>, vector<16xf32>,
        tpu.vector_store %arg5[%swap3A_164], %broadcast_in_dim3A_161 {strides = array<i32>} : memref<2880xf32, #tpu.memory_space<vmem>>, vector<16xf32>,
        %scan3A_166 = arith.constant 0 : i32
        scf.yield %scan3A_166 : i32
      }
      %scan3A_115 = arith.constant 153 : i32
      %dma_wait3A = arith.constant 0 : i32
      %dma_wait3A_116 = arith.constant 0 : i32
      %dma_wait3A_117 = tpu.memref_slice %arg2[%select_n3A_50, %select_n3A_76, %dma_wait3A, %dma_wait3A_116] : memref<4x4x64x64xf32, #tpu.memory_space<hbm>> -> memref<1x1x64x64xf32, #tpu.memory_space<hbm>>
      %dma_wait3A_118 = tpu.memref_squeeze %dma_wait3A_117 : memref<1x1x64x64xf32, #tpu.memory_space<hbm>> -> memref<64x64xf32, #tpu.memory_space<hbm>>
      %dma_wait3A_119 = arith.constant 0 : i32
      %dma_wait3A_120 = arith.constant 0 : i32
      %dma_wait3A_121 = tpu.memref_slice %arg2[%select_n3A_50, %select_n3A_76, %dma_wait3A_119, %dma_wait3A_120] : memref<4x4x64x64xf32, #tpu.memory_space<hbm>> -> memref<1x1x64x64xf32, #tpu.memory_space<hbm>>
      %dma_wait3A_122 = tpu.memref_squeeze %dma_wait3A_121 : memref<1x1x64x64xf32, #tpu.memory_space<hbm>> -> memref<64x64xf32, #tpu.memory_space<hbm>>
      tpu.wait_dma2 semaphore(%arg13 : memref<!tpu.dma_semaphore, #tpu.memory_space<semaphore_mem>>) src(%dma_wait3A_122 : memref<64x64xf32, #tpu.memory_space<hbm>>) dst(%arg4 : memref<64x64xf32, #tpu.memory_space<vmem>>)
      %broadcast_in_dim3A = arith.constant -1.000000e+30 : f32
      %broadcast_in_dim3A_123 = vector.broadcast %broadcast_in_dim3A : f32 to vector<16xf32>
      %broadcast_in_dim3A_124 = arith.constant -1.000000e+30 : f32
      %broadcast_in_dim3A_125 = vector.broadcast %broadcast_in_dim3A_124 : f32 to vector<16xf32>
      %broadcast_in_dim3A_126 = arith.constant -1.000000e+30 : f32
      %broadcast_in_dim3A_127 = vector.broadcast %broadcast_in_dim3A_126 : f32 to vector<16xf32>
      %broadcast_in_dim3A_128 = arith.constant -1.000000e+30 : f32
      %broadcast_in_dim3A_129 = vector.broadcast %broadcast_in_dim3A_128 : f32 to vector<16xf32>
      %scan3A_130 = arith.constant 0 : i32
      %scan3A_131 = arith.constant 36 : i32
      %scan3A_132 = arith.addi %scan3A_130, %scan3A_131 : i32
      %scan3A_133 = arith.constant 1 : i32
      %scan3A_134:4 = scf.for %scan3A_158 = %scan3A_130 to %scan3A_132 step %scan3A_133 iter_args(%scan3A_159 = %broadcast_in_dim3A_123, %scan3A_160 = %broadcast_in_dim3A_125, %scan3A_161 = %broadcast_in_dim3A_127, %scan3A_162 = %broadcast_in_dim3A_129) -> (vector<16xf32>, vector<16xf32>, vector<16xf32>, vector<16xf32>)  : i32 {
        %sub3A_163 = arith.constant 2 : i32
        %sub3A_164 = arith.subi %mul3A_67, %sub3A_163 : i32
        %add3A_165 = arith.addi %sub3A_164, %scan3A_158 : i32
        %ge3A_166 = arith.constant 0 : i32
        %ge3A_167 = arith.cmpi sge, %add3A_165, %ge3A_166 : i32
        %lt3A_168 = arith.constant 64 : i32
        %lt3A_169 = arith.cmpi slt, %add3A_165, %lt3A_168 : i32
        %and3A_170 = arith.andi %ge3A_167, %lt3A_169 : i1
        %jit3A_171 = arith.constant 1.000000e+00 : f32
        %jit3A_172 = arith.constant 0.000000e+00 : f32
        %select_n3A_173 = arith.select %and3A_170, %jit3A_171, %jit3A_172 : f32
        %ge3A_174 = arith.cmpi sge, %add3A_165, %mul3A_67 : i32
        %add3A_175 = arith.constant 32 : i32
        %add3A_176 = arith.addi %mul3A_67, %add3A_175 : i32
        %lt3A_177 = arith.cmpi slt, %add3A_165, %add3A_176 : i32
        %and3A_178 = arith.andi %ge3A_174, %lt3A_177 : i1
        %jit3A_179 = arith.constant 1.000000e+00 : f32
        %jit3A_180 = arith.constant 0.000000e+00 : f32
        %select_n3A_181 = arith.select %and3A_178, %jit3A_179, %jit3A_180 : f32
        %jit3A_182 = arith.constant 0 : i32
        %jit3A_183 = arith.constant 63 : i32
        %max3A_184 = arith.maxsi %jit3A_182, %add3A_165 : i32
        %min3A = arith.minsi %jit3A_183, %max3A_184 : i32
        %get3A = arith.index_cast %min3A : i32 to index
        %get3A_185 = arith.constant 0 : index
        %get3A_186 = tpu.vector_load %arg4[%get3A, %get3A_185] {strides = array<i32>} : memref<64x64xf32, #tpu.memory_space<vmem>>, vector<16xf32>,
        %gt3A = arith.constant 0.000000e+00 : f32
        %gt3A_187 = vector.broadcast %gt3A : f32 to vector<16xf32>
        %gt3A_188 = arith.cmpf ogt, %get3A_186, %gt3A_187 : vector<16xf32>
        %jit3A_189 = arith.constant 1.000000e+00 : f32
        %jit3A_190 = arith.constant 0.000000e+00 : f32
        %broadcast_in_dim3A_191 = vector.broadcast %jit3A_189 : f32 to vector<16xf32>
        %broadcast_in_dim3A_192 = vector.broadcast %jit3A_190 : f32 to vector<16xf32>
        %select_n3A_193 = arith.select %gt3A_188, %broadcast_in_dim3A_191, %broadcast_in_dim3A_192 : vector<16xi1>, vector<16xf32>
        %mul3A_194 = vector.broadcast %select_n3A_173 : f32 to vector<16xf32>
        %mul3A_195 = arith.mulf %select_n3A_193, %mul3A_194 : vector<16xf32>
        %mul3A_196 = arith.constant 68 : i32
        %mul3A_197 = arith.muli %scan3A_158, %mul3A_196 : i32
        %add3A_198 = arith.constant 2 : i32
        %add3A_199 = arith.addi %mul3A_197, %add3A_198 : i32
        %add3A_200 = arith.constant 0 : i32
        %add3A_201 = arith.addi %add3A_199, %add3A_200 : i32
        %add3A_202 = vector.broadcast %add3A_201 : i32 to vector<16xi32>
        %add3A_203 = arith.addi %add3A_202, %iota3A : vector<16xi32>
        tpu.vector_store_idx %arg5[%add3A_203], %mul3A_195 : memref<2880xf32, #tpu.memory_space<vmem>>[vector<16xi32>], vector<16xf32>,
        %mul3A_204 = vector.broadcast %select_n3A_181 : f32 to vector<16xf32>
        %mul3A_205 = arith.mulf %get3A_186, %mul3A_204 : vector<16xf32>
        %sub3A_206 = arith.constant 1.000000e+00 : f32
        %sub3A_207 = arith.subf %select_n3A_181, %sub3A_206 : f32
        %mul3A_208 = arith.constant 1.000000e+30 : f32
        %mul3A_209 = arith.mulf %sub3A_207, %mul3A_208 : f32
        %add3A_210 = vector.broadcast %mul3A_209 : f32 to vector<16xf32>
        %add3A_211 = arith.addf %mul3A_205, %add3A_210 : vector<16xf32>
        %max3A_212 = arith.maximumf %scan3A_159, %add3A_211 : vector<16xf32>
        %get3A_213 = arith.index_cast %min3A : i32 to index
        %get3A_214 = arith.constant 16 : index
        %get3A_215 = tpu.vector_load %arg4[%get3A_213, %get3A_214] {strides = array<i32>} : memref<64x64xf32, #tpu.memory_space<vmem>>, vector<16xf32>,
        %gt3A_216 = arith.constant 0.000000e+00 : f32
        %gt3A_217 = vector.broadcast %gt3A_216 : f32 to vector<16xf32>
        %gt3A_218 = arith.cmpf ogt, %get3A_215, %gt3A_217 : vector<16xf32>
        %jit3A_219 = arith.constant 1.000000e+00 : f32
        %jit3A_220 = arith.constant 0.000000e+00 : f32
        %broadcast_in_dim3A_221 = vector.broadcast %jit3A_219 : f32 to vector<16xf32>
        %broadcast_in_dim3A_222 = vector.broadcast %jit3A_220 : f32 to vector<16xf32>
        %select_n3A_223 = arith.select %gt3A_218, %broadcast_in_dim3A_221, %broadcast_in_dim3A_222 : vector<16xi1>, vector<16xf32>
        %mul3A_224 = vector.broadcast %select_n3A_173 : f32 to vector<16xf32>
        %mul3A_225 = arith.mulf %select_n3A_223, %mul3A_224 : vector<16xf32>
        %mul3A_226 = arith.constant 68 : i32
        %mul3A_227 = arith.muli %scan3A_158, %mul3A_226 : i32
        %add3A_228 = arith.constant 2 : i32
        %add3A_229 = arith.addi %mul3A_227, %add3A_228 : i32
        %add3A_230 = arith.constant 16 : i32
        %add3A_231 = arith.addi %add3A_229, %add3A_230 : i32
        %add3A_232 = vector.broadcast %add3A_231 : i32 to vector<16xi32>
        %add3A_233 = arith.addi %add3A_232, %iota3A : vector<16xi32>
        tpu.vector_store_idx %arg5[%add3A_233], %mul3A_225 : memref<2880xf32, #tpu.memory_space<vmem>>[vector<16xi32>], vector<16xf32>,
        %mul3A_234 = vector.broadcast %select_n3A_181 : f32 to vector<16xf32>
        %mul3A_235 = arith.mulf %get3A_215, %mul3A_234 : vector<16xf32>
        %sub3A_236 = arith.constant 1.000000e+00 : f32
        %sub3A_237 = arith.subf %select_n3A_181, %sub3A_236 : f32
        %mul3A_238 = arith.constant 1.000000e+30 : f32
        %mul3A_239 = arith.mulf %sub3A_237, %mul3A_238 : f32
        %add3A_240 = vector.broadcast %mul3A_239 : f32 to vector<16xf32>
        %add3A_241 = arith.addf %mul3A_235, %add3A_240 : vector<16xf32>
        %max3A_242 = arith.maximumf %scan3A_160, %add3A_241 : vector<16xf32>
        %get3A_243 = arith.index_cast %min3A : i32 to index
        %get3A_244 = arith.constant 32 : index
        %get3A_245 = tpu.vector_load %arg4[%get3A_243, %get3A_244] {strides = array<i32>} : memref<64x64xf32, #tpu.memory_space<vmem>>, vector<16xf32>,
        %gt3A_246 = arith.constant 0.000000e+00 : f32
        %gt3A_247 = vector.broadcast %gt3A_246 : f32 to vector<16xf32>
        %gt3A_248 = arith.cmpf ogt, %get3A_245, %gt3A_247 : vector<16xf32>
        %jit3A_249 = arith.constant 1.000000e+00 : f32
        %jit3A_250 = arith.constant 0.000000e+00 : f32
        %broadcast_in_dim3A_251 = vector.broadcast %jit3A_249 : f32 to vector<16xf32>
        %broadcast_in_dim3A_252 = vector.broadcast %jit3A_250 : f32 to vector<16xf32>
        %select_n3A_253 = arith.select %gt3A_248, %broadcast_in_dim3A_251, %broadcast_in_dim3A_252 : vector<16xi1>, vector<16xf32>
        %mul3A_254 = vector.broadcast %select_n3A_173 : f32 to vector<16xf32>
        %mul3A_255 = arith.mulf %select_n3A_253, %mul3A_254 : vector<16xf32>
        %mul3A_256 = arith.constant 68 : i32
        %mul3A_257 = arith.muli %scan3A_158, %mul3A_256 : i32
        %add3A_258 = arith.constant 2 : i32
        %add3A_259 = arith.addi %mul3A_257, %add3A_258 : i32
        %add3A_260 = arith.constant 32 : i32
        %add3A_261 = arith.addi %add3A_259, %add3A_260 : i32
        %add3A_262 = vector.broadcast %add3A_261 : i32 to vector<16xi32>
        %add3A_263 = arith.addi %add3A_262, %iota3A : vector<16xi32>
        tpu.vector_store_idx %arg5[%add3A_263], %mul3A_255 : memref<2880xf32, #tpu.memory_space<vmem>>[vector<16xi32>], vector<16xf32>,
        %mul3A_264 = vector.broadcast %select_n3A_181 : f32 to vector<16xf32>
        %mul3A_265 = arith.mulf %get3A_245, %mul3A_264 : vector<16xf32>
        %sub3A_266 = arith.constant 1.000000e+00 : f32
        %sub3A_267 = arith.subf %select_n3A_181, %sub3A_266 : f32
        %mul3A_268 = arith.constant 1.000000e+30 : f32
        %mul3A_269 = arith.mulf %sub3A_267, %mul3A_268 : f32
        %add3A_270 = vector.broadcast %mul3A_269 : f32 to vector<16xf32>
        %add3A_271 = arith.addf %mul3A_265, %add3A_270 : vector<16xf32>
        %max3A_272 = arith.maximumf %scan3A_161, %add3A_271 : vector<16xf32>
        %get3A_273 = arith.index_cast %min3A : i32 to index
        %get3A_274 = arith.constant 48 : index
        %get3A_275 = tpu.vector_load %arg4[%get3A_273, %get3A_274] {strides = array<i32>} : memref<64x64xf32, #tpu.memory_space<vmem>>, vector<16xf32>,
        %gt3A_276 = arith.constant 0.000000e+00 : f32
        %gt3A_277 = vector.broadcast %gt3A_276 : f32 to vector<16xf32>
        %gt3A_278 = arith.cmpf ogt, %get3A_275, %gt3A_277 : vector<16xf32>
        %jit3A_279 = arith.constant 1.000000e+00 : f32
        %jit3A_280 = arith.constant 0.000000e+00 : f32
        %broadcast_in_dim3A_281 = vector.broadcast %jit3A_279 : f32 to vector<16xf32>
        %broadcast_in_dim3A_282 = vector.broadcast %jit3A_280 : f32 to vector<16xf32>
        %select_n3A_283 = arith.select %gt3A_278, %broadcast_in_dim3A_281, %broadcast_in_dim3A_282 : vector<16xi1>, vector<16xf32>
        %mul3A_284 = vector.broadcast %select_n3A_173 : f32 to vector<16xf32>
        %mul3A_285 = arith.mulf %select_n3A_283, %mul3A_284 : vector<16xf32>
        %mul3A_286 = arith.constant 68 : i32
        %mul3A_287 = arith.muli %scan3A_158, %mul3A_286 : i32
        %add3A_288 = arith.constant 2 : i32
        %add3A_289 = arith.addi %mul3A_287, %add3A_288 : i32
        %add3A_290 = arith.constant 48 : i32
        %add3A_291 = arith.addi %add3A_289, %add3A_290 : i32
        %add3A_292 = vector.broadcast %add3A_291 : i32 to vector<16xi32>
        %add3A_293 = arith.addi %add3A_292, %iota3A : vector<16xi32>
        tpu.vector_store_idx %arg5[%add3A_293], %mul3A_285 : memref<2880xf32, #tpu.memory_space<vmem>>[vector<16xi32>], vector<16xf32>,
        %mul3A_294 = vector.broadcast %select_n3A_181 : f32 to vector<16xf32>
        %mul3A_295 = arith.mulf %get3A_275, %mul3A_294 : vector<16xf32>
        %sub3A_296 = arith.constant 1.000000e+00 : f32
        %sub3A_297 = arith.subf %select_n3A_181, %sub3A_296 : f32
        %mul3A_298 = arith.constant 1.000000e+30 : f32
        %mul3A_299 = arith.mulf %sub3A_297, %mul3A_298 : f32
        %add3A_300 = vector.broadcast %mul3A_299 : f32 to vector<16xf32>
        %add3A_301 = arith.addf %mul3A_295, %add3A_300 : vector<16xf32>
        %max3A_302 = arith.maximumf %scan3A_162, %add3A_301 : vector<16xf32>
        scf.yield %max3A_212, %max3A_242, %max3A_272, %max3A_302 : vector<16xf32>, vector<16xf32>, vector<16xf32>, vector<16xf32>
      }
      %scan3A_135 = arith.constant 36 : i32
      %max3A = arith.maximumf %scan3A_134#0, %scan3A_134#1 : vector<16xf32>
      %max3A_136 = arith.maximumf %scan3A_134#2, %scan3A_134#3 : vector<16xf32>
      %max3A_137 = arith.maximumf %max3A, %max3A_136 : vector<16xf32>
      %scan3A_138 = arith.constant 0 : i32
      %scan3A_139 = arith.constant 0 : i32
      %scan3A_140 = arith.constant 36 : i32
      %scan3A_141 = arith.addi %scan3A_139, %scan3A_140 : i32
      %scan3A_142 = arith.constant 1 : i32
      %scan3A_143 = scf.for %scan3A_158 = %scan3A_139 to %scan3A_141 step %scan3A_142 iter_args(%scan3A_159 = %scan3A_138) -> (i32)  : i32 {
        %mul3A_160 = arith.constant 68 : i32
        %mul3A_161 = arith.muli %scan3A_158, %mul3A_160 : i32
        %broadcast_in_dim3A_162 = arith.constant 0.000000e+00 : f32
        %broadcast_in_dim3A_163 = vector.broadcast %broadcast_in_dim3A_162 : f32 to vector<16xf32>
        %add3A_164 = arith.constant 0 : i32
        %add3A_165 = arith.addi %mul3A_161, %add3A_164 : i32
        %add3A_166 = arith.constant 0 : i32
        %add3A_167 = arith.addi %add3A_165, %add3A_166 : i32
        %add3A_168 = vector.broadcast %add3A_167 : i32 to vector<16xi32>
        %add3A_169 = arith.addi %add3A_168, %iota3A : vector<16xi32>
        %gather3A = tpu.vector_load_idx %arg5[%add3A_169] : memref<2880xf32, #tpu.memory_space<vmem>>[vector<16xi32>], vector<16xf32>,
        %mul3A_170 = arith.constant 3.35462624E-4 : f32
        %mul3A_171 = vector.broadcast %mul3A_170 : f32 to vector<16xf32>
        %mul3A_172 = arith.mulf %mul3A_171, %gather3A : vector<16xf32>
        %add3A_173 = arith.addf %broadcast_in_dim3A_163, %mul3A_172 : vector<16xf32>
        %add3A_174 = arith.constant 0 : i32
        %add3A_175 = arith.addi %mul3A_161, %add3A_174 : i32
        %add3A_176 = arith.constant 1 : i32
        %add3A_177 = arith.addi %add3A_175, %add3A_176 : i32
        %add3A_178 = vector.broadcast %add3A_177 : i32 to vector<16xi32>
        %add3A_179 = arith.addi %add3A_178, %iota3A : vector<16xi32>
        %gather3A_180 = tpu.vector_load_idx %arg5[%add3A_179] : memref<2880xf32, #tpu.memory_space<vmem>>[vector<16xi32>], vector<16xf32>,
        %mul3A_181 = arith.constant 0.135335281 : f32
        %mul3A_182 = vector.broadcast %mul3A_181 : f32 to vector<16xf32>
        %mul3A_183 = arith.mulf %mul3A_182, %gather3A_180 : vector<16xf32>
        %add3A_184 = arith.addf %add3A_173, %mul3A_183 : vector<16xf32>
        %add3A_185 = arith.constant 0 : i32
        %add3A_186 = arith.addi %mul3A_161, %add3A_185 : i32
        %add3A_187 = arith.constant 2 : i32
        %add3A_188 = arith.addi %add3A_186, %add3A_187 : i32
        %add3A_189 = vector.broadcast %add3A_188 : i32 to vector<16xi32>
        %add3A_190 = arith.addi %add3A_189, %iota3A : vector<16xi32>
        %gather3A_191 = tpu.vector_load_idx %arg5[%add3A_190] : memref<2880xf32, #tpu.memory_space<vmem>>[vector<16xi32>], vector<16xf32>,
        %mul3A_192 = arith.constant 1.000000e+00 : f32
        %mul3A_193 = vector.broadcast %mul3A_192 : f32 to vector<16xf32>
        %mul3A_194 = arith.mulf %mul3A_193, %gather3A_191 : vector<16xf32>
        %add3A_195 = arith.addf %add3A_184, %mul3A_194 : vector<16xf32>
        %add3A_196 = arith.constant 0 : i32
        %add3A_197 = arith.addi %mul3A_161, %add3A_196 : i32
        %add3A_198 = arith.constant 3 : i32
        %add3A_199 = arith.addi %add3A_197, %add3A_198 : i32
        %add3A_200 = vector.broadcast %add3A_199 : i32 to vector<16xi32>
        %add3A_201 = arith.addi %add3A_200, %iota3A : vector<16xi32>
        %gather3A_202 = tpu.vector_load_idx %arg5[%add3A_201] : memref<2880xf32, #tpu.memory_space<vmem>>[vector<16xi32>], vector<16xf32>,
        %mul3A_203 = arith.constant 0.135335281 : f32
        %mul3A_204 = vector.broadcast %mul3A_203 : f32 to vector<16xf32>
        %mul3A_205 = arith.mulf %mul3A_204, %gather3A_202 : vector<16xf32>
        %add3A_206 = arith.addf %add3A_195, %mul3A_205 : vector<16xf32>
        %add3A_207 = arith.constant 0 : i32
        %add3A_208 = arith.addi %mul3A_161, %add3A_207 : i32
        %add3A_209 = arith.constant 4 : i32
        %add3A_210 = arith.addi %add3A_208, %add3A_209 : i32
        %add3A_211 = vector.broadcast %add3A_210 : i32 to vector<16xi32>
        %add3A_212 = arith.addi %add3A_211, %iota3A : vector<16xi32>
        %gather3A_213 = tpu.vector_load_idx %arg5[%add3A_212] : memref<2880xf32, #tpu.memory_space<vmem>>[vector<16xi32>], vector<16xf32>,
        %mul3A_214 = arith.constant 3.35462624E-4 : f32
        %mul3A_215 = vector.broadcast %mul3A_214 : f32 to vector<16xf32>
        %mul3A_216 = arith.mulf %mul3A_215, %gather3A_213 : vector<16xf32>
        %add3A_217 = arith.addf %add3A_206, %mul3A_216 : vector<16xf32>
        %swap3A_218 = arith.index_cast %scan3A_158 : i32 to index
        %swap3A_219 = arith.constant 0 : index
        %swap3A_220 = tpu.vector_load %arg6[%swap3A_218, %swap3A_219] {strides = array<i32>} : memref<40x64xf32, #tpu.memory_space<vmem>>, vector<16xf32>,
        tpu.vector_store %arg6[%swap3A_218, %swap3A_219], %add3A_217 {strides = array<i32>} : memref<40x64xf32, #tpu.memory_space<vmem>>, vector<16xf32>,
        %broadcast_in_dim3A_221 = arith.constant 0.000000e+00 : f32
        %broadcast_in_dim3A_222 = vector.broadcast %broadcast_in_dim3A_221 : f32 to vector<16xf32>
        %add3A_223 = arith.constant 16 : i32
        %add3A_224 = arith.addi %mul3A_161, %add3A_223 : i32
        %add3A_225 = arith.constant 0 : i32
        %add3A_226 = arith.addi %add3A_224, %add3A_225 : i32
        %add3A_227 = vector.broadcast %add3A_226 : i32 to vector<16xi32>
        %add3A_228 = arith.addi %add3A_227, %iota3A : vector<16xi32>
        %gather3A_229 = tpu.vector_load_idx %arg5[%add3A_228] : memref<2880xf32, #tpu.memory_space<vmem>>[vector<16xi32>], vector<16xf32>,
        %mul3A_230 = arith.constant 3.35462624E-4 : f32
        %mul3A_231 = vector.broadcast %mul3A_230 : f32 to vector<16xf32>
        %mul3A_232 = arith.mulf %mul3A_231, %gather3A_229 : vector<16xf32>
        %add3A_233 = arith.addf %broadcast_in_dim3A_222, %mul3A_232 : vector<16xf32>
        %add3A_234 = arith.constant 16 : i32
        %add3A_235 = arith.addi %mul3A_161, %add3A_234 : i32
        %add3A_236 = arith.constant 1 : i32
        %add3A_237 = arith.addi %add3A_235, %add3A_236 : i32
        %add3A_238 = vector.broadcast %add3A_237 : i32 to vector<16xi32>
        %add3A_239 = arith.addi %add3A_238, %iota3A : vector<16xi32>
        %gather3A_240 = tpu.vector_load_idx %arg5[%add3A_239] : memref<2880xf32, #tpu.memory_space<vmem>>[vector<16xi32>], vector<16xf32>,
        %mul3A_241 = arith.constant 0.135335281 : f32
        %mul3A_242 = vector.broadcast %mul3A_241 : f32 to vector<16xf32>
        %mul3A_243 = arith.mulf %mul3A_242, %gather3A_240 : vector<16xf32>
        %add3A_244 = arith.addf %add3A_233, %mul3A_243 : vector<16xf32>
        %add3A_245 = arith.constant 16 : i32
        %add3A_246 = arith.addi %mul3A_161, %add3A_245 : i32
        %add3A_247 = arith.constant 2 : i32
        %add3A_248 = arith.addi %add3A_246, %add3A_247 : i32
        %add3A_249 = vector.broadcast %add3A_248 : i32 to vector<16xi32>
        %add3A_250 = arith.addi %add3A_249, %iota3A : vector<16xi32>
        %gather3A_251 = tpu.vector_load_idx %arg5[%add3A_250] : memref<2880xf32, #tpu.memory_space<vmem>>[vector<16xi32>], vector<16xf32>,
        %mul3A_252 = arith.constant 1.000000e+00 : f32
        %mul3A_253 = vector.broadcast %mul3A_252 : f32 to vector<16xf32>
        %mul3A_254 = arith.mulf %mul3A_253, %gather3A_251 : vector<16xf32>
        %add3A_255 = arith.addf %add3A_244, %mul3A_254 : vector<16xf32>
        %add3A_256 = arith.constant 16 : i32
        %add3A_257 = arith.addi %mul3A_161, %add3A_256 : i32
        %add3A_258 = arith.constant 3 : i32
        %add3A_259 = arith.addi %add3A_257, %add3A_258 : i32
        %add3A_260 = vector.broadcast %add3A_259 : i32 to vector<16xi32>
        %add3A_261 = arith.addi %add3A_260, %iota3A : vector<16xi32>
        %gather3A_262 = tpu.vector_load_idx %arg5[%add3A_261] : memref<2880xf32, #tpu.memory_space<vmem>>[vector<16xi32>], vector<16xf32>,
        %mul3A_263 = arith.constant 0.135335281 : f32
        %mul3A_264 = vector.broadcast %mul3A_263 : f32 to vector<16xf32>
        %mul3A_265 = arith.mulf %mul3A_264, %gather3A_262 : vector<16xf32>
        %add3A_266 = arith.addf %add3A_255, %mul3A_265 : vector<16xf32>
        %add3A_267 = arith.constant 16 : i32
        %add3A_268 = arith.addi %mul3A_161, %add3A_267 : i32
        %add3A_269 = arith.constant 4 : i32
        %add3A_270 = arith.addi %add3A_268, %add3A_269 : i32
        %add3A_271 = vector.broadcast %add3A_270 : i32 to vector<16xi32>
        %add3A_272 = arith.addi %add3A_271, %iota3A : vector<16xi32>
        %gather3A_273 = tpu.vector_load_idx %arg5[%add3A_272] : memref<2880xf32, #tpu.memory_space<vmem>>[vector<16xi32>], vector<16xf32>,
        %mul3A_274 = arith.constant 3.35462624E-4 : f32
        %mul3A_275 = vector.broadcast %mul3A_274 : f32 to vector<16xf32>
        %mul3A_276 = arith.mulf %mul3A_275, %gather3A_273 : vector<16xf32>
        %add3A_277 = arith.addf %add3A_266, %mul3A_276 : vector<16xf32>
        %swap3A_278 = arith.index_cast %scan3A_158 : i32 to index
        %swap3A_279 = arith.constant 16 : index
        %swap3A_280 = tpu.vector_load %arg6[%swap3A_278, %swap3A_279] {strides = array<i32>} : memref<40x64xf32, #tpu.memory_space<vmem>>, vector<16xf32>,
        tpu.vector_store %arg6[%swap3A_278, %swap3A_279], %add3A_277 {strides = array<i32>} : memref<40x64xf32, #tpu.memory_space<vmem>>, vector<16xf32>,
        %broadcast_in_dim3A_281 = arith.constant 0.000000e+00 : f32
        %broadcast_in_dim3A_282 = vector.broadcast %broadcast_in_dim3A_281 : f32 to vector<16xf32>
        %add3A_283 = arith.constant 32 : i32
        %add3A_284 = arith.addi %mul3A_161, %add3A_283 : i32
        %add3A_285 = arith.constant 0 : i32
        %add3A_286 = arith.addi %add3A_284, %add3A_285 : i32
        %add3A_287 = vector.broadcast %add3A_286 : i32 to vector<16xi32>
        %add3A_288 = arith.addi %add3A_287, %iota3A : vector<16xi32>
        %gather3A_289 = tpu.vector_load_idx %arg5[%add3A_288] : memref<2880xf32, #tpu.memory_space<vmem>>[vector<16xi32>], vector<16xf32>,
        %mul3A_290 = arith.constant 3.35462624E-4 : f32
        %mul3A_291 = vector.broadcast %mul3A_290 : f32 to vector<16xf32>
        %mul3A_292 = arith.mulf %mul3A_291, %gather3A_289 : vector<16xf32>
        %add3A_293 = arith.addf %broadcast_in_dim3A_282, %mul3A_292 : vector<16xf32>
        %add3A_294 = arith.constant 32 : i32
        %add3A_295 = arith.addi %mul3A_161, %add3A_294 : i32
        %add3A_296 = arith.constant 1 : i32
        %add3A_297 = arith.addi %add3A_295, %add3A_296 : i32
        %add3A_298 = vector.broadcast %add3A_297 : i32 to vector<16xi32>
        %add3A_299 = arith.addi %add3A_298, %iota3A : vector<16xi32>
        %gather3A_300 = tpu.vector_load_idx %arg5[%add3A_299] : memref<2880xf32, #tpu.memory_space<vmem>>[vector<16xi32>], vector<16xf32>,
        %mul3A_301 = arith.constant 0.135335281 : f32
        %mul3A_302 = vector.broadcast %mul3A_301 : f32 to vector<16xf32>
        %mul3A_303 = arith.mulf %mul3A_302, %gather3A_300 : vector<16xf32>
        %add3A_304 = arith.addf %add3A_293, %mul3A_303 : vector<16xf32>
        %add3A_305 = arith.constant 32 : i32
        %add3A_306 = arith.addi %mul3A_161, %add3A_305 : i32
        %add3A_307 = arith.constant 2 : i32
        %add3A_308 = arith.addi %add3A_306, %add3A_307 : i32
        %add3A_309 = vector.broadcast %add3A_308 : i32 to vector<16xi32>
        %add3A_310 = arith.addi %add3A_309, %iota3A : vector<16xi32>
        %gather3A_311 = tpu.vector_load_idx %arg5[%add3A_310] : memref<2880xf32, #tpu.memory_space<vmem>>[vector<16xi32>], vector<16xf32>,
        %mul3A_312 = arith.constant 1.000000e+00 : f32
        %mul3A_313 = vector.broadcast %mul3A_312 : f32 to vector<16xf32>
        %mul3A_314 = arith.mulf %mul3A_313, %gather3A_311 : vector<16xf32>
        %add3A_315 = arith.addf %add3A_304, %mul3A_314 : vector<16xf32>
        %add3A_316 = arith.constant 32 : i32
        %add3A_317 = arith.addi %mul3A_161, %add3A_316 : i32
        %add3A_318 = arith.constant 3 : i32
        %add3A_319 = arith.addi %add3A_317, %add3A_318 : i32
        %add3A_320 = vector.broadcast %add3A_319 : i32 to vector<16xi32>
        %add3A_321 = arith.addi %add3A_320, %iota3A : vector<16xi32>
        %gather3A_322 = tpu.vector_load_idx %arg5[%add3A_321] : memref<2880xf32, #tpu.memory_space<vmem>>[vector<16xi32>], vector<16xf32>,
        %mul3A_323 = arith.constant 0.135335281 : f32
        %mul3A_324 = vector.broadcast %mul3A_323 : f32 to vector<16xf32>
        %mul3A_325 = arith.mulf %mul3A_324, %gather3A_322 : vector<16xf32>
        %add3A_326 = arith.addf %add3A_315, %mul3A_325 : vector<16xf32>
        %add3A_327 = arith.constant 32 : i32
        %add3A_328 = arith.addi %mul3A_161, %add3A_327 : i32
        %add3A_329 = arith.constant 4 : i32
        %add3A_330 = arith.addi %add3A_328, %add3A_329 : i32
        %add3A_331 = vector.broadcast %add3A_330 : i32 to vector<16xi32>
        %add3A_332 = arith.addi %add3A_331, %iota3A : vector<16xi32>
        %gather3A_333 = tpu.vector_load_idx %arg5[%add3A_332] : memref<2880xf32, #tpu.memory_space<vmem>>[vector<16xi32>], vector<16xf32>,
        %mul3A_334 = arith.constant 3.35462624E-4 : f32
        %mul3A_335 = vector.broadcast %mul3A_334 : f32 to vector<16xf32>
        %mul3A_336 = arith.mulf %mul3A_335, %gather3A_333 : vector<16xf32>
        %add3A_337 = arith.addf %add3A_326, %mul3A_336 : vector<16xf32>
        %swap3A_338 = arith.index_cast %scan3A_158 : i32 to index
        %swap3A_339 = arith.constant 32 : index
        %swap3A_340 = tpu.vector_load %arg6[%swap3A_338, %swap3A_339] {strides = array<i32>} : memref<40x64xf32, #tpu.memory_space<vmem>>, vector<16xf32>,
        tpu.vector_store %arg6[%swap3A_338, %swap3A_339], %add3A_337 {strides = array<i32>} : memref<40x64xf32, #tpu.memory_space<vmem>>, vector<16xf32>,
        %broadcast_in_dim3A_341 = arith.constant 0.000000e+00 : f32
        %broadcast_in_dim3A_342 = vector.broadcast %broadcast_in_dim3A_341 : f32 to vector<16xf32>
        %add3A_343 = arith.constant 48 : i32
        %add3A_344 = arith.addi %mul3A_161, %add3A_343 : i32
        %add3A_345 = arith.constant 0 : i32
        %add3A_346 = arith.addi %add3A_344, %add3A_345 : i32
        %add3A_347 = vector.broadcast %add3A_346 : i32 to vector<16xi32>
        %add3A_348 = arith.addi %add3A_347, %iota3A : vector<16xi32>
        %gather3A_349 = tpu.vector_load_idx %arg5[%add3A_348] : memref<2880xf32, #tpu.memory_space<vmem>>[vector<16xi32>], vector<16xf32>,
        %mul3A_350 = arith.constant 3.35462624E-4 : f32
        %mul3A_351 = vector.broadcast %mul3A_350 : f32 to vector<16xf32>
        %mul3A_352 = arith.mulf %mul3A_351, %gather3A_349 : vector<16xf32>
        %add3A_353 = arith.addf %broadcast_in_dim3A_342, %mul3A_352 : vector<16xf32>
        %add3A_354 = arith.constant 48 : i32
        %add3A_355 = arith.addi %mul3A_161, %add3A_354 : i32
        %add3A_356 = arith.constant 1 : i32
        %add3A_357 = arith.addi %add3A_355, %add3A_356 : i32
        %add3A_358 = vector.broadcast %add3A_357 : i32 to vector<16xi32>
        %add3A_359 = arith.addi %add3A_358, %iota3A : vector<16xi32>
        %gather3A_360 = tpu.vector_load_idx %arg5[%add3A_359] : memref<2880xf32, #tpu.memory_space<vmem>>[vector<16xi32>], vector<16xf32>,
        %mul3A_361 = arith.constant 0.135335281 : f32
        %mul3A_362 = vector.broadcast %mul3A_361 : f32 to vector<16xf32>
        %mul3A_363 = arith.mulf %mul3A_362, %gather3A_360 : vector<16xf32>
        %add3A_364 = arith.addf %add3A_353, %mul3A_363 : vector<16xf32>
        %add3A_365 = arith.constant 48 : i32
        %add3A_366 = arith.addi %mul3A_161, %add3A_365 : i32
        %add3A_367 = arith.constant 2 : i32
        %add3A_368 = arith.addi %add3A_366, %add3A_367 : i32
        %add3A_369 = vector.broadcast %add3A_368 : i32 to vector<16xi32>
        %add3A_370 = arith.addi %add3A_369, %iota3A : vector<16xi32>
        %gather3A_371 = tpu.vector_load_idx %arg5[%add3A_370] : memref<2880xf32, #tpu.memory_space<vmem>>[vector<16xi32>], vector<16xf32>,
        %mul3A_372 = arith.constant 1.000000e+00 : f32
        %mul3A_373 = vector.broadcast %mul3A_372 : f32 to vector<16xf32>
        %mul3A_374 = arith.mulf %mul3A_373, %gather3A_371 : vector<16xf32>
        %add3A_375 = arith.addf %add3A_364, %mul3A_374 : vector<16xf32>
        %add3A_376 = arith.constant 48 : i32
        %add3A_377 = arith.addi %mul3A_161, %add3A_376 : i32
        %add3A_378 = arith.constant 3 : i32
        %add3A_379 = arith.addi %add3A_377, %add3A_378 : i32
        %add3A_380 = vector.broadcast %add3A_379 : i32 to vector<16xi32>
        %add3A_381 = arith.addi %add3A_380, %iota3A : vector<16xi32>
        %gather3A_382 = tpu.vector_load_idx %arg5[%add3A_381] : memref<2880xf32, #tpu.memory_space<vmem>>[vector<16xi32>], vector<16xf32>,
        %mul3A_383 = arith.constant 0.135335281 : f32
        %mul3A_384 = vector.broadcast %mul3A_383 : f32 to vector<16xf32>
        %mul3A_385 = arith.mulf %mul3A_384, %gather3A_382 : vector<16xf32>
        %add3A_386 = arith.addf %add3A_375, %mul3A_385 : vector<16xf32>
        %add3A_387 = arith.constant 48 : i32
        %add3A_388 = arith.addi %mul3A_161, %add3A_387 : i32
        %add3A_389 = arith.constant 4 : i32
        %add3A_390 = arith.addi %add3A_388, %add3A_389 : i32
        %add3A_391 = vector.broadcast %add3A_390 : i32 to vector<16xi32>
        %add3A_392 = arith.addi %add3A_391, %iota3A : vector<16xi32>
        %gather3A_393 = tpu.vector_load_idx %arg5[%add3A_392] : memref<2880xf32, #tpu.memory_space<vmem>>[vector<16xi32>], vector<16xf32>,
        %mul3A_394 = arith.constant 3.35462624E-4 : f32
        %mul3A_395 = vector.broadcast %mul3A_394 : f32 to vector<16xf32>
        %mul3A_396 = arith.mulf %mul3A_395, %gather3A_393 : vector<16xf32>
        %add3A_397 = arith.addf %add3A_386, %mul3A_396 : vector<16xf32>
        %swap3A_398 = arith.index_cast %scan3A_158 : i32 to index
        %swap3A_399 = arith.constant 48 : index
        %swap3A_400 = tpu.vector_load %arg6[%swap3A_398, %swap3A_399] {strides = array<i32>} : memref<40x64xf32, #tpu.memory_space<vmem>>, vector<16xf32>,
        tpu.vector_store %arg6[%swap3A_398, %swap3A_399], %add3A_397 {strides = array<i32>} : memref<40x64xf32, #tpu.memory_space<vmem>>, vector<16xf32>,
        %scan3A_401 = arith.constant 0 : i32
        scf.yield %scan3A_401 : i32
      }
      %scan3A_144 = arith.constant 36 : i32
      %broadcast_in_dim3A_145 = arith.constant 0.000000e+00 : f32
      %broadcast_in_dim3A_146 = vector.broadcast %broadcast_in_dim3A_145 : f32 to vector<16xf32>
      %scan3A_147 = arith.constant 0 : i32
      %scan3A_148 = arith.constant 32 : i32
      %scan3A_149 = arith.addi %scan3A_147, %scan3A_148 : i32
      %scan3A_150 = arith.constant 1 : i32
      %scan3A_151 = scf.for %scan3A_158 = %scan3A_147 to %scan3A_149 step %scan3A_150 iter_args(%scan3A_159 = %broadcast_in_dim3A_146) -> (vector<16xf32>)  : i32 {
        %broadcast_in_dim3A_160 = arith.constant 0.000000e+00 : f32
        %broadcast_in_dim3A_161 = vector.broadcast %broadcast_in_dim3A_160 : f32 to vector<16xf32>
        %add3A_162 = arith.constant 0 : i32
        %add3A_163 = arith.addi %scan3A_158, %add3A_162 : i32
        %get3A = arith.index_cast %add3A_163 : i32 to index
        %get3A_164 = arith.constant 0 : index
        %get3A_165 = tpu.vector_load %arg6[%get3A, %get3A_164] {strides = array<i32>} : memref<40x64xf32, #tpu.memory_space<vmem>>, vector<16xf32>,
        %mul3A_166 = arith.constant 3.35462624E-4 : f32
        %mul3A_167 = vector.broadcast %mul3A_166 : f32 to vector<16xf32>
        %mul3A_168 = arith.mulf %mul3A_167, %get3A_165 : vector<16xf32>
        %add3A_169 = arith.addf %broadcast_in_dim3A_161, %mul3A_168 : vector<16xf32>
        %add3A_170 = arith.constant 1 : i32
        %add3A_171 = arith.addi %scan3A_158, %add3A_170 : i32
        %get3A_172 = arith.index_cast %add3A_171 : i32 to index
        %get3A_173 = arith.constant 0 : index
        %get3A_174 = tpu.vector_load %arg6[%get3A_172, %get3A_173] {strides = array<i32>} : memref<40x64xf32, #tpu.memory_space<vmem>>, vector<16xf32>,
        %mul3A_175 = arith.constant 0.135335281 : f32
        %mul3A_176 = vector.broadcast %mul3A_175 : f32 to vector<16xf32>
        %mul3A_177 = arith.mulf %mul3A_176, %get3A_174 : vector<16xf32>
        %add3A_178 = arith.addf %add3A_169, %mul3A_177 : vector<16xf32>
        %add3A_179 = arith.constant 2 : i32
        %add3A_180 = arith.addi %scan3A_158, %add3A_179 : i32
        %get3A_181 = arith.index_cast %add3A_180 : i32 to index
        %get3A_182 = arith.constant 0 : index
        %get3A_183 = tpu.vector_load %arg6[%get3A_181, %get3A_182] {strides = array<i32>} : memref<40x64xf32, #tpu.memory_space<vmem>>, vector<16xf32>,
        %mul3A_184 = arith.constant 1.000000e+00 : f32
        %mul3A_185 = vector.broadcast %mul3A_184 : f32 to vector<16xf32>
        %mul3A_186 = arith.mulf %mul3A_185, %get3A_183 : vector<16xf32>
        %add3A_187 = arith.addf %add3A_178, %mul3A_186 : vector<16xf32>
        %add3A_188 = arith.constant 3 : i32
        %add3A_189 = arith.addi %scan3A_158, %add3A_188 : i32
        %get3A_190 = arith.index_cast %add3A_189 : i32 to index
        %get3A_191 = arith.constant 0 : index
        %get3A_192 = tpu.vector_load %arg6[%get3A_190, %get3A_191] {strides = array<i32>} : memref<40x64xf32, #tpu.memory_space<vmem>>, vector<16xf32>,
        %mul3A_193 = arith.constant 0.135335281 : f32
        %mul3A_194 = vector.broadcast %mul3A_193 : f32 to vector<16xf32>
        %mul3A_195 = arith.mulf %mul3A_194, %get3A_192 : vector<16xf32>
        %add3A_196 = arith.addf %add3A_187, %mul3A_195 : vector<16xf32>
        %add3A_197 = arith.constant 4 : i32
        %add3A_198 = arith.addi %scan3A_158, %add3A_197 : i32
        %get3A_199 = arith.index_cast %add3A_198 : i32 to index
        %get3A_200 = arith.constant 0 : index
        %get3A_201 = tpu.vector_load %arg6[%get3A_199, %get3A_200] {strides = array<i32>} : memref<40x64xf32, #tpu.memory_space<vmem>>, vector<16xf32>,
        %mul3A_202 = arith.constant 3.35462624E-4 : f32
        %mul3A_203 = vector.broadcast %mul3A_202 : f32 to vector<16xf32>
        %mul3A_204 = arith.mulf %mul3A_203, %get3A_201 : vector<16xf32>
        %add3A_205 = arith.addf %add3A_196, %mul3A_204 : vector<16xf32>
        %swap3A_206 = arith.index_cast %scan3A_158 : i32 to index
        %swap3A_207 = arith.constant 0 : index
        %swap3A_208 = tpu.vector_load %arg7[%swap3A_206, %swap3A_207] {strides = array<i32>} : memref<32x64xf32, #tpu.memory_space<vmem>>, vector<16xf32>,
        tpu.vector_store %arg7[%swap3A_206, %swap3A_207], %add3A_205 {strides = array<i32>} : memref<32x64xf32, #tpu.memory_space<vmem>>, vector<16xf32>,
        %max3A_209 = arith.maximumf %scan3A_159, %add3A_205 : vector<16xf32>
        %broadcast_in_dim3A_210 = arith.constant 0.000000e+00 : f32
        %broadcast_in_dim3A_211 = vector.broadcast %broadcast_in_dim3A_210 : f32 to vector<16xf32>
        %add3A_212 = arith.constant 0 : i32
        %add3A_213 = arith.addi %scan3A_158, %add3A_212 : i32
        %get3A_214 = arith.index_cast %add3A_213 : i32 to index
        %get3A_215 = arith.constant 16 : index
        %get3A_216 = tpu.vector_load %arg6[%get3A_214, %get3A_215] {strides = array<i32>} : memref<40x64xf32, #tpu.memory_space<vmem>>, vector<16xf32>,
        %mul3A_217 = arith.constant 3.35462624E-4 : f32
        %mul3A_218 = vector.broadcast %mul3A_217 : f32 to vector<16xf32>
        %mul3A_219 = arith.mulf %mul3A_218, %get3A_216 : vector<16xf32>
        %add3A_220 = arith.addf %broadcast_in_dim3A_211, %mul3A_219 : vector<16xf32>
        %add3A_221 = arith.constant 1 : i32
        %add3A_222 = arith.addi %scan3A_158, %add3A_221 : i32
        %get3A_223 = arith.index_cast %add3A_222 : i32 to index
        %get3A_224 = arith.constant 16 : index
        %get3A_225 = tpu.vector_load %arg6[%get3A_223, %get3A_224] {strides = array<i32>} : memref<40x64xf32, #tpu.memory_space<vmem>>, vector<16xf32>,
        %mul3A_226 = arith.constant 0.135335281 : f32
        %mul3A_227 = vector.broadcast %mul3A_226 : f32 to vector<16xf32>
        %mul3A_228 = arith.mulf %mul3A_227, %get3A_225 : vector<16xf32>
        %add3A_229 = arith.addf %add3A_220, %mul3A_228 : vector<16xf32>
        %add3A_230 = arith.constant 2 : i32
        %add3A_231 = arith.addi %scan3A_158, %add3A_230 : i32
        %get3A_232 = arith.index_cast %add3A_231 : i32 to index
        %get3A_233 = arith.constant 16 : index
        %get3A_234 = tpu.vector_load %arg6[%get3A_232, %get3A_233] {strides = array<i32>} : memref<40x64xf32, #tpu.memory_space<vmem>>, vector<16xf32>,
        %mul3A_235 = arith.constant 1.000000e+00 : f32
        %mul3A_236 = vector.broadcast %mul3A_235 : f32 to vector<16xf32>
        %mul3A_237 = arith.mulf %mul3A_236, %get3A_234 : vector<16xf32>
        %add3A_238 = arith.addf %add3A_229, %mul3A_237 : vector<16xf32>
        %add3A_239 = arith.constant 3 : i32
        %add3A_240 = arith.addi %scan3A_158, %add3A_239 : i32
        %get3A_241 = arith.index_cast %add3A_240 : i32 to index
        %get3A_242 = arith.constant 16 : index
        %get3A_243 = tpu.vector_load %arg6[%get3A_241, %get3A_242] {strides = array<i32>} : memref<40x64xf32, #tpu.memory_space<vmem>>, vector<16xf32>,
        %mul3A_244 = arith.constant 0.135335281 : f32
        %mul3A_245 = vector.broadcast %mul3A_244 : f32 to vector<16xf32>
        %mul3A_246 = arith.mulf %mul3A_245, %get3A_243 : vector<16xf32>
        %add3A_247 = arith.addf %add3A_238, %mul3A_246 : vector<16xf32>
        %add3A_248 = arith.constant 4 : i32
        %add3A_249 = arith.addi %scan3A_158, %add3A_248 : i32
        %get3A_250 = arith.index_cast %add3A_249 : i32 to index
        %get3A_251 = arith.constant 16 : index
        %get3A_252 = tpu.vector_load %arg6[%get3A_250, %get3A_251] {strides = array<i32>} : memref<40x64xf32, #tpu.memory_space<vmem>>, vector<16xf32>,
        %mul3A_253 = arith.constant 3.35462624E-4 : f32
        %mul3A_254 = vector.broadcast %mul3A_253 : f32 to vector<16xf32>
        %mul3A_255 = arith.mulf %mul3A_254, %get3A_252 : vector<16xf32>
        %add3A_256 = arith.addf %add3A_247, %mul3A_255 : vector<16xf32>
        %swap3A_257 = arith.index_cast %scan3A_158 : i32 to index
        %swap3A_258 = arith.constant 16 : index
        %swap3A_259 = tpu.vector_load %arg7[%swap3A_257, %swap3A_258] {strides = array<i32>} : memref<32x64xf32, #tpu.memory_space<vmem>>, vector<16xf32>,
        tpu.vector_store %arg7[%swap3A_257, %swap3A_258], %add3A_256 {strides = array<i32>} : memref<32x64xf32, #tpu.memory_space<vmem>>, vector<16xf32>,
        %max3A_260 = arith.maximumf %max3A_209, %add3A_256 : vector<16xf32>
        %broadcast_in_dim3A_261 = arith.constant 0.000000e+00 : f32
        %broadcast_in_dim3A_262 = vector.broadcast %broadcast_in_dim3A_261 : f32 to vector<16xf32>
        %add3A_263 = arith.constant 0 : i32
        %add3A_264 = arith.addi %scan3A_158, %add3A_263 : i32
        %get3A_265 = arith.index_cast %add3A_264 : i32 to index
        %get3A_266 = arith.constant 32 : index
        %get3A_267 = tpu.vector_load %arg6[%get3A_265, %get3A_266] {strides = array<i32>} : memref<40x64xf32, #tpu.memory_space<vmem>>, vector<16xf32>,
        %mul3A_268 = arith.constant 3.35462624E-4 : f32
        %mul3A_269 = vector.broadcast %mul3A_268 : f32 to vector<16xf32>
        %mul3A_270 = arith.mulf %mul3A_269, %get3A_267 : vector<16xf32>
        %add3A_271 = arith.addf %broadcast_in_dim3A_262, %mul3A_270 : vector<16xf32>
        %add3A_272 = arith.constant 1 : i32
        %add3A_273 = arith.addi %scan3A_158, %add3A_272 : i32
        %get3A_274 = arith.index_cast %add3A_273 : i32 to index
        %get3A_275 = arith.constant 32 : index
        %get3A_276 = tpu.vector_load %arg6[%get3A_274, %get3A_275] {strides = array<i32>} : memref<40x64xf32, #tpu.memory_space<vmem>>, vector<16xf32>,
        %mul3A_277 = arith.constant 0.135335281 : f32
        %mul3A_278 = vector.broadcast %mul3A_277 : f32 to vector<16xf32>
        %mul3A_279 = arith.mulf %mul3A_278, %get3A_276 : vector<16xf32>
        %add3A_280 = arith.addf %add3A_271, %mul3A_279 : vector<16xf32>
        %add3A_281 = arith.constant 2 : i32
        %add3A_282 = arith.addi %scan3A_158, %add3A_281 : i32
        %get3A_283 = arith.index_cast %add3A_282 : i32 to index
        %get3A_284 = arith.constant 32 : index
        %get3A_285 = tpu.vector_load %arg6[%get3A_283, %get3A_284] {strides = array<i32>} : memref<40x64xf32, #tpu.memory_space<vmem>>, vector<16xf32>,
        %mul3A_286 = arith.constant 1.000000e+00 : f32
        %mul3A_287 = vector.broadcast %mul3A_286 : f32 to vector<16xf32>
        %mul3A_288 = arith.mulf %mul3A_287, %get3A_285 : vector<16xf32>
        %add3A_289 = arith.addf %add3A_280, %mul3A_288 : vector<16xf32>
        %add3A_290 = arith.constant 3 : i32
        %add3A_291 = arith.addi %scan3A_158, %add3A_290 : i32
        %get3A_292 = arith.index_cast %add3A_291 : i32 to index
        %get3A_293 = arith.constant 32 : index
        %get3A_294 = tpu.vector_load %arg6[%get3A_292, %get3A_293] {strides = array<i32>} : memref<40x64xf32, #tpu.memory_space<vmem>>, vector<16xf32>,
        %mul3A_295 = arith.constant 0.135335281 : f32
        %mul3A_296 = vector.broadcast %mul3A_295 : f32 to vector<16xf32>
        %mul3A_297 = arith.mulf %mul3A_296, %get3A_294 : vector<16xf32>
        %add3A_298 = arith.addf %add3A_289, %mul3A_297 : vector<16xf32>
        %add3A_299 = arith.constant 4 : i32
        %add3A_300 = arith.addi %scan3A_158, %add3A_299 : i32
        %get3A_301 = arith.index_cast %add3A_300 : i32 to index
        %get3A_302 = arith.constant 32 : index
        %get3A_303 = tpu.vector_load %arg6[%get3A_301, %get3A_302] {strides = array<i32>} : memref<40x64xf32, #tpu.memory_space<vmem>>, vector<16xf32>,
        %mul3A_304 = arith.constant 3.35462624E-4 : f32
        %mul3A_305 = vector.broadcast %mul3A_304 : f32 to vector<16xf32>
        %mul3A_306 = arith.mulf %mul3A_305, %get3A_303 : vector<16xf32>
        %add3A_307 = arith.addf %add3A_298, %mul3A_306 : vector<16xf32>
        %swap3A_308 = arith.index_cast %scan3A_158 : i32 to index
        %swap3A_309 = arith.constant 32 : index
        %swap3A_310 = tpu.vector_load %arg7[%swap3A_308, %swap3A_309] {strides = array<i32>} : memref<32x64xf32, #tpu.memory_space<vmem>>, vector<16xf32>,
        tpu.vector_store %arg7[%swap3A_308, %swap3A_309], %add3A_307 {strides = array<i32>} : memref<32x64xf32, #tpu.memory_space<vmem>>, vector<16xf32>,
        %max3A_311 = arith.maximumf %max3A_260, %add3A_307 : vector<16xf32>
        %broadcast_in_dim3A_312 = arith.constant 0.000000e+00 : f32
        %broadcast_in_dim3A_313 = vector.broadcast %broadcast_in_dim3A_312 : f32 to vector<16xf32>
        %add3A_314 = arith.constant 0 : i32
        %add3A_315 = arith.addi %scan3A_158, %add3A_314 : i32
        %get3A_316 = arith.index_cast %add3A_315 : i32 to index
        %get3A_317 = arith.constant 48 : index
        %get3A_318 = tpu.vector_load %arg6[%get3A_316, %get3A_317] {strides = array<i32>} : memref<40x64xf32, #tpu.memory_space<vmem>>, vector<16xf32>,
        %mul3A_319 = arith.constant 3.35462624E-4 : f32
        %mul3A_320 = vector.broadcast %mul3A_319 : f32 to vector<16xf32>
        %mul3A_321 = arith.mulf %mul3A_320, %get3A_318 : vector<16xf32>
        %add3A_322 = arith.addf %broadcast_in_dim3A_313, %mul3A_321 : vector<16xf32>
        %add3A_323 = arith.constant 1 : i32
        %add3A_324 = arith.addi %scan3A_158, %add3A_323 : i32
        %get3A_325 = arith.index_cast %add3A_324 : i32 to index
        %get3A_326 = arith.constant 48 : index
        %get3A_327 = tpu.vector_load %arg6[%get3A_325, %get3A_326] {strides = array<i32>} : memref<40x64xf32, #tpu.memory_space<vmem>>, vector<16xf32>,
        %mul3A_328 = arith.constant 0.135335281 : f32
        %mul3A_329 = vector.broadcast %mul3A_328 : f32 to vector<16xf32>
        %mul3A_330 = arith.mulf %mul3A_329, %get3A_327 : vector<16xf32>
        %add3A_331 = arith.addf %add3A_322, %mul3A_330 : vector<16xf32>
        %add3A_332 = arith.constant 2 : i32
        %add3A_333 = arith.addi %scan3A_158, %add3A_332 : i32
        %get3A_334 = arith.index_cast %add3A_333 : i32 to index
        %get3A_335 = arith.constant 48 : index
        %get3A_336 = tpu.vector_load %arg6[%get3A_334, %get3A_335] {strides = array<i32>} : memref<40x64xf32, #tpu.memory_space<vmem>>, vector<16xf32>,
        %mul3A_337 = arith.constant 1.000000e+00 : f32
        %mul3A_338 = vector.broadcast %mul3A_337 : f32 to vector<16xf32>
        %mul3A_339 = arith.mulf %mul3A_338, %get3A_336 : vector<16xf32>
        %add3A_340 = arith.addf %add3A_331, %mul3A_339 : vector<16xf32>
        %add3A_341 = arith.constant 3 : i32
        %add3A_342 = arith.addi %scan3A_158, %add3A_341 : i32
        %get3A_343 = arith.index_cast %add3A_342 : i32 to index
        %get3A_344 = arith.constant 48 : index
        %get3A_345 = tpu.vector_load %arg6[%get3A_343, %get3A_344] {strides = array<i32>} : memref<40x64xf32, #tpu.memory_space<vmem>>, vector<16xf32>,
        %mul3A_346 = arith.constant 0.135335281 : f32
        %mul3A_347 = vector.broadcast %mul3A_346 : f32 to vector<16xf32>
        %mul3A_348 = arith.mulf %mul3A_347, %get3A_345 : vector<16xf32>
        %add3A_349 = arith.addf %add3A_340, %mul3A_348 : vector<16xf32>
        %add3A_350 = arith.constant 4 : i32
        %add3A_351 = arith.addi %scan3A_158, %add3A_350 : i32
        %get3A_352 = arith.index_cast %add3A_351 : i32 to index
        %get3A_353 = arith.constant 48 : index
        %get3A_354 = tpu.vector_load %arg6[%get3A_352, %get3A_353] {strides = array<i32>} : memref<40x64xf32, #tpu.memory_space<vmem>>, vector<16xf32>,
        %mul3A_355 = arith.constant 3.35462624E-4 : f32
        %mul3A_356 = vector.broadcast %mul3A_355 : f32 to vector<16xf32>
        %mul3A_357 = arith.mulf %mul3A_356, %get3A_354 : vector<16xf32>
        %add3A_358 = arith.addf %add3A_349, %mul3A_357 : vector<16xf32>
        %swap3A_359 = arith.index_cast %scan3A_158 : i32 to index
        %swap3A_360 = arith.constant 48 : index
        %swap3A_361 = tpu.vector_load %arg7[%swap3A_359, %swap3A_360] {strides = array<i32>} : memref<32x64xf32, #tpu.memory_space<vmem>>, vector<16xf32>,
        tpu.vector_store %arg7[%swap3A_359, %swap3A_360], %add3A_358 {strides = array<i32>} : memref<32x64xf32, #tpu.memory_space<vmem>>, vector<16xf32>,
        %max3A_362 = arith.maximumf %max3A_311, %add3A_358 : vector<16xf32>
        scf.yield %max3A_362 : vector<16xf32>
      }
      %scan3A_152 = arith.constant 32 : i32
      %swap3A = arith.constant 0 : index
      %swap3A_153 = tpu.vector_load %arg9[%swap3A] {strides = array<i32>} : memref<32xf32, #tpu.memory_space<vmem>>, vector<16xf32>,
      tpu.vector_store %arg9[%swap3A], %max3A_137 {strides = array<i32>} : memref<32xf32, #tpu.memory_space<vmem>>, vector<16xf32>,
      %swap3A_154 = arith.constant 16 : index
      %swap3A_155 = tpu.vector_load %arg9[%swap3A_154] {strides = array<i32>} : memref<32xf32, #tpu.memory_space<vmem>>, vector<16xf32>,
      tpu.vector_store %arg9[%swap3A_154], %scan3A_151 {strides = array<i32>} : memref<32xf32, #tpu.memory_space<vmem>>, vector<16xf32>,
      %mul3A_156 = arith.constant 32 : i32
      %mul3A_157 = arith.muli %arg1, %mul3A_156 : i32
      "tpu.region"() ({
        %run_scoped3A = tpu.sem_alloc : memref<!tpu.dma_semaphore, #tpu.memory_space<semaphore_mem>>
        %dma_start3A_158 = tpu.memref_slice %arg12[%mul3A_157] : memref<512xf32, #tpu.memory_space<vmem_shared>> -> memref<32xf32, #tpu.memory_space<vmem_shared>>
        %dma_start3A_159 = tpu.memref_slice %arg12[%mul3A_157] : memref<512xf32, #tpu.memory_space<vmem_shared>> -> memref<32xf32, #tpu.memory_space<vmem_shared>>
        tpu.enqueue_dma source(%arg9 : memref<32xf32, #tpu.memory_space<vmem>>) target(%dma_start3A_159 : memref<32xf32, #tpu.memory_space<vmem_shared>>) target_semaphore(%run_scoped3A : memref<!tpu.dma_semaphore, #tpu.memory_space<semaphore_mem>>)
        %dma_wait3A_160 = tpu.memref_slice %arg12[%mul3A_157] : memref<512xf32, #tpu.memory_space<vmem_shared>> -> memref<32xf32, #tpu.memory_space<vmem_shared>>
        %dma_wait3A_161 = tpu.memref_slice %arg12[%mul3A_157] : memref<512xf32, #tpu.memory_space<vmem_shared>> -> memref<32xf32, #tpu.memory_space<vmem_shared>>
        tpu.wait_dma2 semaphore(%run_scoped3A : memref<!tpu.dma_semaphore, #tpu.memory_space<semaphore_mem>>) src(%arg9 : memref<32xf32, #tpu.memory_space<vmem>>) dst(%dma_wait3A_161 : memref<32xf32, #tpu.memory_space<vmem_shared>>)
        tpu.yield
      }) : () -> ()
    } else {
    }
    %barrier3A = arith.constant 0 : index
    tpu.barrier barrier_id(%barrier3A)
    %convert_element_type3A_100 = arith.extui %or3A : i1 to i32
    %cond3A_101 = arith.constant 0 : i32
    %cond3A_102 = arith.cmpi ne, %convert_element_type3A_100, %cond3A_101 : i32
    scf.if %cond3A_102 {
      %mul3A_103 = arith.constant 32 : i32
      %mul3A_104 = arith.muli %mul3A_25, %mul3A_103 : i32
      "tpu.region"() ({
        %run_scoped3A = tpu.sem_alloc : memref<!tpu.dma_semaphore, #tpu.memory_space<semaphore_mem>>
        %dma_start3A = tpu.memref_slice %arg12[%mul3A_104] : memref<512xf32, #tpu.memory_space<vmem_shared>> -> memref<256xf32, #tpu.memory_space<vmem_shared>>
        %dma_start3A_299 = tpu.memref_slice %arg12[%mul3A_104] : memref<512xf32, #tpu.memory_space<vmem_shared>> -> memref<256xf32, #tpu.memory_space<vmem_shared>>
        tpu.enqueue_dma source(%dma_start3A_299 : memref<256xf32, #tpu.memory_space<vmem_shared>>) target(%arg10 : memref<256xf32, #tpu.memory_space<vmem>>) target_semaphore(%run_scoped3A : memref<!tpu.dma_semaphore, #tpu.memory_space<semaphore_mem>>)
        %dma_wait3A = tpu.memref_slice %arg12[%mul3A_104] : memref<512xf32, #tpu.memory_space<vmem_shared>> -> memref<256xf32, #tpu.memory_space<vmem_shared>>
        %dma_wait3A_300 = tpu.memref_slice %arg12[%mul3A_104] : memref<512xf32, #tpu.memory_space<vmem_shared>> -> memref<256xf32, #tpu.memory_space<vmem_shared>>
        tpu.wait_dma2 semaphore(%run_scoped3A : memref<!tpu.dma_semaphore, #tpu.memory_space<semaphore_mem>>) src(%dma_wait3A_300 : memref<256xf32, #tpu.memory_space<vmem_shared>>) dst(%arg10 : memref<256xf32, #tpu.memory_space<vmem>>)
        tpu.yield
      }) : () -> ()
      %eq3A_105 = arith.constant 0 : i32
      %eq3A_106 = arith.cmpi eq, %arg0, %eq3A_105 : i32
      %lt3A_107 = arith.constant 8 : i32
      %lt3A_108 = arith.cmpi slt, %arg1, %lt3A_107 : i32
      %and3A_109 = arith.andi %eq3A_106, %lt3A_108 : i1
      %convert_element_type3A_110 = arith.extui %and3A_109 : i1 to i32
      %cond3A_111 = arith.constant 0 : i32
      %cond3A_112 = arith.cmpi ne, %convert_element_type3A_110, %cond3A_111 : i32
      scf.if %cond3A_112 {
        "tpu.region"() ({
          %run_scoped3A = tpu.sem_alloc : memref<!tpu.dma_semaphore, #tpu.memory_space<semaphore_mem>>
          %dma_start3A = arith.constant 256 : i32
          %dma_start3A_299 = tpu.memref_slice %arg12[%dma_start3A] : memref<512xf32, #tpu.memory_space<vmem_shared>> -> memref<256xf32, #tpu.memory_space<vmem_shared>>
          %dma_start3A_300 = arith.constant 256 : i32
          %dma_start3A_301 = tpu.memref_slice %arg12[%dma_start3A_300] : memref<512xf32, #tpu.memory_space<vmem_shared>> -> memref<256xf32, #tpu.memory_space<vmem_shared>>
          tpu.enqueue_dma source(%dma_start3A_301 : memref<256xf32, #tpu.memory_space<vmem_shared>>) target(%arg11 : memref<256xf32, #tpu.memory_space<vmem>>) target_semaphore(%run_scoped3A : memref<!tpu.dma_semaphore, #tpu.memory_space<semaphore_mem>>)
          %dma_wait3A = arith.constant 256 : i32
          %dma_wait3A_302 = tpu.memref_slice %arg12[%dma_wait3A] : memref<512xf32, #tpu.memory_space<vmem_shared>> -> memref<256xf32, #tpu.memory_space<vmem_shared>>
          %dma_wait3A_303 = arith.constant 256 : i32
          %dma_wait3A_304 = tpu.memref_slice %arg12[%dma_wait3A_303] : memref<512xf32, #tpu.memory_space<vmem_shared>> -> memref<256xf32, #tpu.memory_space<vmem_shared>>
          tpu.wait_dma2 semaphore(%run_scoped3A : memref<!tpu.dma_semaphore, #tpu.memory_space<semaphore_mem>>) src(%dma_wait3A_304 : memref<256xf32, #tpu.memory_space<vmem_shared>>) dst(%arg11 : memref<256xf32, #tpu.memory_space<vmem>>)
          tpu.yield
        }) : () -> ()
      } else {
      }
      %get3A = arith.constant 0 : index
      %get3A_113 = tpu.vector_load %arg10[%get3A] {strides = array<i32>} : memref<256xf32, #tpu.memory_space<vmem>>, vector<16xf32>,
      %get3A_114 = arith.constant 32 : index
      %get3A_115 = tpu.vector_load %arg10[%get3A_114] {strides = array<i32>} : memref<256xf32, #tpu.memory_space<vmem>>, vector<16xf32>,
      %max3A = arith.maximumf %get3A_113, %get3A_115 : vector<16xf32>
      %get3A_116 = arith.constant 64 : index
      %get3A_117 = tpu.vector_load %arg10[%get3A_116] {strides = array<i32>} : memref<256xf32, #tpu.memory_space<vmem>>, vector<16xf32>,
      %max3A_118 = arith.maximumf %max3A, %get3A_117 : vector<16xf32>
      %get3A_119 = arith.constant 96 : index
      %get3A_120 = tpu.vector_load %arg10[%get3A_119] {strides = array<i32>} : memref<256xf32, #tpu.memory_space<vmem>>, vector<16xf32>,
      %max3A_121 = arith.maximumf %max3A_118, %get3A_120 : vector<16xf32>
      %get3A_122 = arith.constant 128 : index
      %get3A_123 = tpu.vector_load %arg10[%get3A_122] {strides = array<i32>} : memref<256xf32, #tpu.memory_space<vmem>>, vector<16xf32>,
      %max3A_124 = arith.maximumf %max3A_121, %get3A_123 : vector<16xf32>
      %get3A_125 = arith.constant 160 : index
      %get3A_126 = tpu.vector_load %arg10[%get3A_125] {strides = array<i32>} : memref<256xf32, #tpu.memory_space<vmem>>, vector<16xf32>,
      %max3A_127 = arith.maximumf %max3A_124, %get3A_126 : vector<16xf32>
      %get3A_128 = arith.constant 192 : index
      %get3A_129 = tpu.vector_load %arg10[%get3A_128] {strides = array<i32>} : memref<256xf32, #tpu.memory_space<vmem>>, vector<16xf32>,
      %max3A_130 = arith.maximumf %max3A_127, %get3A_129 : vector<16xf32>
      %get3A_131 = arith.constant 224 : index
      %get3A_132 = tpu.vector_load %arg10[%get3A_131] {strides = array<i32>} : memref<256xf32, #tpu.memory_space<vmem>>, vector<16xf32>,
      %max3A_133 = arith.maximumf %max3A_130, %get3A_132 : vector<16xf32>
      %reduce_max3A = arith.constant true
      %reduce_max3A_134 = vector.broadcast %reduce_max3A : i1 to vector<16xi1>
      %reduce_max3A_135 = tpu.scan <max>, %max3A_133 masked %reduce_max3A_134 : vector<16xf32>, vector<16xi1> -> vector<16xf32>
      %reduce_max3A_136 = vector.extract %reduce_max3A_135[15] : f32 from vector<16xf32>
      %gt3A = arith.constant 0.000000e+00 : f32
      %gt3A_137 = arith.cmpf ogt, %reduce_max3A_136, %gt3A : f32
      %jit3A_138 = arith.constant 1.000000e+00 : f32
      %jit3A_139 = arith.constant 0.000000e+00 : f32
      %select_n3A_140 = arith.select %gt3A_137, %jit3A_138, %jit3A_139 : f32
      %broadcast_in_dim3A = arith.constant -1.000000e+30 : f32
      %broadcast_in_dim3A_141 = vector.broadcast %broadcast_in_dim3A : f32 to vector<16xf32>
      %eq3A_142 = arith.constant 0 : i32
      %eq3A_143 = arith.cmpi eq, %select_n3A_50, %eq3A_142 : i32
      %jit3A_144 = arith.constant 1.000000e+00 : f32
      %jit3A_145 = arith.constant 0.000000e+00 : f32
      %select_n3A_146 = arith.select %eq3A_143, %jit3A_144, %jit3A_145 : f32
      %get3A_147 = arith.constant 16 : index
      %get3A_148 = tpu.vector_load %arg10[%get3A_147] {strides = array<i32>} : memref<256xf32, #tpu.memory_space<vmem>>, vector<16xf32>,
      %mul3A_149 = vector.broadcast %select_n3A_146 : f32 to vector<16xf32>
      %mul3A_150 = arith.mulf %get3A_148, %mul3A_149 : vector<16xf32>
      %sub3A_151 = arith.constant 1.000000e+00 : f32
      %sub3A_152 = arith.subf %select_n3A_146, %sub3A_151 : f32
      %mul3A_153 = arith.constant 1.000000e+30 : f32
      %mul3A_154 = arith.mulf %sub3A_152, %mul3A_153 : f32
      %add3A_155 = vector.broadcast %mul3A_154 : f32 to vector<16xf32>
      %add3A_156 = arith.addf %mul3A_150, %add3A_155 : vector<16xf32>
      %max3A_157 = arith.maximumf %broadcast_in_dim3A_141, %add3A_156 : vector<16xf32>
      %eq3A_158 = arith.constant 0 : i32
      %eq3A_159 = arith.cmpi eq, %select_n3A_50, %eq3A_158 : i32
      %jit3A_160 = arith.constant 1.000000e+00 : f32
      %jit3A_161 = arith.constant 0.000000e+00 : f32
      %select_n3A_162 = arith.select %eq3A_159, %jit3A_160, %jit3A_161 : f32
      %get3A_163 = arith.constant 48 : index
      %get3A_164 = tpu.vector_load %arg10[%get3A_163] {strides = array<i32>} : memref<256xf32, #tpu.memory_space<vmem>>, vector<16xf32>,
      %mul3A_165 = vector.broadcast %select_n3A_162 : f32 to vector<16xf32>
      %mul3A_166 = arith.mulf %get3A_164, %mul3A_165 : vector<16xf32>
      %sub3A_167 = arith.constant 1.000000e+00 : f32
      %sub3A_168 = arith.subf %select_n3A_162, %sub3A_167 : f32
      %mul3A_169 = arith.constant 1.000000e+30 : f32
      %mul3A_170 = arith.mulf %sub3A_168, %mul3A_169 : f32
      %add3A_171 = vector.broadcast %mul3A_170 : f32 to vector<16xf32>
      %add3A_172 = arith.addf %mul3A_166, %add3A_171 : vector<16xf32>
      %max3A_173 = arith.maximumf %max3A_157, %add3A_172 : vector<16xf32>
      %eq3A_174 = arith.constant 1 : i32
      %eq3A_175 = arith.cmpi eq, %select_n3A_50, %eq3A_174 : i32
      %jit3A_176 = arith.constant 1.000000e+00 : f32
      %jit3A_177 = arith.constant 0.000000e+00 : f32
      %select_n3A_178 = arith.select %eq3A_175, %jit3A_176, %jit3A_177 : f32
      %get3A_179 = arith.constant 80 : index
      %get3A_180 = tpu.vector_load %arg10[%get3A_179] {strides = array<i32>} : memref<256xf32, #tpu.memory_space<vmem>>, vector<16xf32>,
      %mul3A_181 = vector.broadcast %select_n3A_178 : f32 to vector<16xf32>
      %mul3A_182 = arith.mulf %get3A_180, %mul3A_181 : vector<16xf32>
      %sub3A_183 = arith.constant 1.000000e+00 : f32
      %sub3A_184 = arith.subf %select_n3A_178, %sub3A_183 : f32
      %mul3A_185 = arith.constant 1.000000e+30 : f32
      %mul3A_186 = arith.mulf %sub3A_184, %mul3A_185 : f32
      %add3A_187 = vector.broadcast %mul3A_186 : f32 to vector<16xf32>
      %add3A_188 = arith.addf %mul3A_182, %add3A_187 : vector<16xf32>
      %max3A_189 = arith.maximumf %max3A_173, %add3A_188 : vector<16xf32>
      %eq3A_190 = arith.constant 1 : i32
      %eq3A_191 = arith.cmpi eq, %select_n3A_50, %eq3A_190 : i32
      %jit3A_192 = arith.constant 1.000000e+00 : f32
      %jit3A_193 = arith.constant 0.000000e+00 : f32
      %select_n3A_194 = arith.select %eq3A_191, %jit3A_192, %jit3A_193 : f32
      %get3A_195 = arith.constant 112 : index
      %get3A_196 = tpu.vector_load %arg10[%get3A_195] {strides = array<i32>} : memref<256xf32, #tpu.memory_space<vmem>>, vector<16xf32>,
      %mul3A_197 = vector.broadcast %select_n3A_194 : f32 to vector<16xf32>
      %mul3A_198 = arith.mulf %get3A_196, %mul3A_197 : vector<16xf32>
      %sub3A_199 = arith.constant 1.000000e+00 : f32
      %sub3A_200 = arith.subf %select_n3A_194, %sub3A_199 : f32
      %mul3A_201 = arith.constant 1.000000e+30 : f32
      %mul3A_202 = arith.mulf %sub3A_200, %mul3A_201 : f32
      %add3A_203 = vector.broadcast %mul3A_202 : f32 to vector<16xf32>
      %add3A_204 = arith.addf %mul3A_198, %add3A_203 : vector<16xf32>
      %max3A_205 = arith.maximumf %max3A_189, %add3A_204 : vector<16xf32>
      %eq3A_206 = arith.constant 2 : i32
      %eq3A_207 = arith.cmpi eq, %select_n3A_50, %eq3A_206 : i32
      %jit3A_208 = arith.constant 1.000000e+00 : f32
      %jit3A_209 = arith.constant 0.000000e+00 : f32
      %select_n3A_210 = arith.select %eq3A_207, %jit3A_208, %jit3A_209 : f32
      %get3A_211 = arith.constant 144 : index
      %get3A_212 = tpu.vector_load %arg10[%get3A_211] {strides = array<i32>} : memref<256xf32, #tpu.memory_space<vmem>>, vector<16xf32>,
      %mul3A_213 = vector.broadcast %select_n3A_210 : f32 to vector<16xf32>
      %mul3A_214 = arith.mulf %get3A_212, %mul3A_213 : vector<16xf32>
      %sub3A_215 = arith.constant 1.000000e+00 : f32
      %sub3A_216 = arith.subf %select_n3A_210, %sub3A_215 : f32
      %mul3A_217 = arith.constant 1.000000e+30 : f32
      %mul3A_218 = arith.mulf %sub3A_216, %mul3A_217 : f32
      %add3A_219 = vector.broadcast %mul3A_218 : f32 to vector<16xf32>
      %add3A_220 = arith.addf %mul3A_214, %add3A_219 : vector<16xf32>
      %max3A_221 = arith.maximumf %max3A_205, %add3A_220 : vector<16xf32>
      %eq3A_222 = arith.constant 2 : i32
      %eq3A_223 = arith.cmpi eq, %select_n3A_50, %eq3A_222 : i32
      %jit3A_224 = arith.constant 1.000000e+00 : f32
      %jit3A_225 = arith.constant 0.000000e+00 : f32
      %select_n3A_226 = arith.select %eq3A_223, %jit3A_224, %jit3A_225 : f32
      %get3A_227 = arith.constant 176 : index
      %get3A_228 = tpu.vector_load %arg10[%get3A_227] {strides = array<i32>} : memref<256xf32, #tpu.memory_space<vmem>>, vector<16xf32>,
      %mul3A_229 = vector.broadcast %select_n3A_226 : f32 to vector<16xf32>
      %mul3A_230 = arith.mulf %get3A_228, %mul3A_229 : vector<16xf32>
      %sub3A_231 = arith.constant 1.000000e+00 : f32
      %sub3A_232 = arith.subf %select_n3A_226, %sub3A_231 : f32
      %mul3A_233 = arith.constant 1.000000e+30 : f32
      %mul3A_234 = arith.mulf %sub3A_232, %mul3A_233 : f32
      %add3A_235 = vector.broadcast %mul3A_234 : f32 to vector<16xf32>
      %add3A_236 = arith.addf %mul3A_230, %add3A_235 : vector<16xf32>
      %max3A_237 = arith.maximumf %max3A_221, %add3A_236 : vector<16xf32>
      %eq3A_238 = arith.constant 3 : i32
      %eq3A_239 = arith.cmpi eq, %select_n3A_50, %eq3A_238 : i32
      %jit3A_240 = arith.constant 1.000000e+00 : f32
      %jit3A_241 = arith.constant 0.000000e+00 : f32
      %select_n3A_242 = arith.select %eq3A_239, %jit3A_240, %jit3A_241 : f32
      %get3A_243 = arith.constant 208 : index
      %get3A_244 = tpu.vector_load %arg10[%get3A_243] {strides = array<i32>} : memref<256xf32, #tpu.memory_space<vmem>>, vector<16xf32>,
      %mul3A_245 = vector.broadcast %select_n3A_242 : f32 to vector<16xf32>
      %mul3A_246 = arith.mulf %get3A_244, %mul3A_245 : vector<16xf32>
      %sub3A_247 = arith.constant 1.000000e+00 : f32
      %sub3A_248 = arith.subf %select_n3A_242, %sub3A_247 : f32
      %mul3A_249 = arith.constant 1.000000e+30 : f32
      %mul3A_250 = arith.mulf %sub3A_248, %mul3A_249 : f32
      %add3A_251 = vector.broadcast %mul3A_250 : f32 to vector<16xf32>
      %add3A_252 = arith.addf %mul3A_246, %add3A_251 : vector<16xf32>
      %max3A_253 = arith.maximumf %max3A_237, %add3A_252 : vector<16xf32>
      %eq3A_254 = arith.constant 3 : i32
      %eq3A_255 = arith.cmpi eq, %select_n3A_50, %eq3A_254 : i32
      %jit3A_256 = arith.constant 1.000000e+00 : f32
      %jit3A_257 = arith.constant 0.000000e+00 : f32
      %select_n3A_258 = arith.select %eq3A_255, %jit3A_256, %jit3A_257 : f32
      %get3A_259 = arith.constant 240 : index
      %get3A_260 = tpu.vector_load %arg10[%get3A_259] {strides = array<i32>} : memref<256xf32, #tpu.memory_space<vmem>>, vector<16xf32>,
      %mul3A_261 = vector.broadcast %select_n3A_258 : f32 to vector<16xf32>
      %mul3A_262 = arith.mulf %get3A_260, %mul3A_261 : vector<16xf32>
      %sub3A_263 = arith.constant 1.000000e+00 : f32
      %sub3A_264 = arith.subf %select_n3A_258, %sub3A_263 : f32
      %mul3A_265 = arith.constant 1.000000e+30 : f32
      %mul3A_266 = arith.mulf %sub3A_264, %mul3A_265 : f32
      %add3A_267 = vector.broadcast %mul3A_266 : f32 to vector<16xf32>
      %add3A_268 = arith.addf %mul3A_262, %add3A_267 : vector<16xf32>
      %max3A_269 = arith.maximumf %max3A_253, %add3A_268 : vector<16xf32>
      %reduce_max3A_270 = arith.constant true
      %reduce_max3A_271 = vector.broadcast %reduce_max3A_270 : i1 to vector<16xi1>
      %reduce_max3A_272 = tpu.scan <max>, %max3A_269 masked %reduce_max3A_271 : vector<16xf32>, vector<16xi1> -> vector<16xf32>
      %reduce_max3A_273 = vector.extract %reduce_max3A_272[15] : f32 from vector<16xf32>
      %eq3A_274 = arith.constant 0.000000e+00 : f32
      %eq3A_275 = arith.cmpf oeq, %reduce_max3A_273, %eq3A_274 : f32
      %jit3A_276 = arith.constant 1.000000e+00 : f32
      %select_n3A_277 = arith.select %eq3A_275, %jit3A_276, %reduce_max3A_273 : f32
      %broadcast_in_dim3A_278 = arith.constant 1.000000e+00 : f32
      %broadcast_in_dim3A_279 = vector.broadcast %broadcast_in_dim3A_278 : f32 to vector<16xf32>
      %mul3A_280 = vector.broadcast %select_n3A_140 : f32 to vector<16xf32>
      %mul3A_281 = arith.mulf %broadcast_in_dim3A_279, %mul3A_280 : vector<16xf32>
      %mul3A_282 = vector.broadcast %select_n3A_277 : f32 to vector<16xf32>
      %mul3A_283 = arith.mulf %broadcast_in_dim3A_279, %mul3A_282 : vector<16xf32>
      %div3A_284 = arith.divf %mul3A_281, %mul3A_283 : vector<16xf32>
      %scan3A = arith.constant 0 : i32
      %scan3A_285 = arith.constant 0 : i32
      %scan3A_286 = arith.constant 32 : i32
      %scan3A_287 = arith.addi %scan3A_285, %scan3A_286 : i32
      %scan3A_288 = arith.constant 1 : i32
      %scan3A_289 = scf.for %scan3A_299 = %scan3A_285 to %scan3A_287 step %scan3A_288 iter_args(%scan3A_300 = %scan3A) -> (i32)  : i32 {
        %get3A_301 = arith.index_cast %scan3A_299 : i32 to index
        %get3A_302 = arith.constant 0 : index
        %get3A_303 = tpu.vector_load %arg7[%get3A_301, %get3A_302] {strides = array<i32>} : memref<32x64xf32, #tpu.memory_space<vmem>>, vector<16xf32>,
        %add3A_304 = arith.addi %mul3A_67, %scan3A_299 : i32
        %get3A_305 = arith.index_cast %add3A_304 : i32 to index
        %get3A_306 = arith.constant 0 : index
        %get3A_307 = tpu.vector_load %arg4[%get3A_305, %get3A_306] {strides = array<i32>} : memref<64x64xf32, #tpu.memory_space<vmem>>, vector<16xf32>,
        %mul3A_308 = arith.mulf %get3A_303, %div3A_284 : vector<16xf32>
        %sub3A_309 = arith.constant 1.000000e+00 : f32
        %sub3A_310 = arith.subf %sub3A_309, %select_n3A_140 : f32
        %mul3A_311 = vector.broadcast %sub3A_310 : f32 to vector<16xf32>
        %mul3A_312 = arith.mulf %get3A_307, %mul3A_311 : vector<16xf32>
        %add3A_313 = arith.addf %mul3A_308, %mul3A_312 : vector<16xf32>
        %swap3A = arith.index_cast %scan3A_299 : i32 to index
        %swap3A_314 = arith.constant 0 : index
        %swap3A_315 = tpu.vector_load %arg7[%swap3A, %swap3A_314] {strides = array<i32>} : memref<32x64xf32, #tpu.memory_space<vmem>>, vector<16xf32>,
        tpu.vector_store %arg7[%swap3A, %swap3A_314], %add3A_313 {strides = array<i32>} : memref<32x64xf32, #tpu.memory_space<vmem>>, vector<16xf32>,
        %get3A_316 = arith.index_cast %scan3A_299 : i32 to index
        %get3A_317 = arith.constant 16 : index
        %get3A_318 = tpu.vector_load %arg7[%get3A_316, %get3A_317] {strides = array<i32>} : memref<32x64xf32, #tpu.memory_space<vmem>>, vector<16xf32>,
        %add3A_319 = arith.addi %mul3A_67, %scan3A_299 : i32
        %get3A_320 = arith.index_cast %add3A_319 : i32 to index
        %get3A_321 = arith.constant 16 : index
        %get3A_322 = tpu.vector_load %arg4[%get3A_320, %get3A_321] {strides = array<i32>} : memref<64x64xf32, #tpu.memory_space<vmem>>, vector<16xf32>,
        %mul3A_323 = arith.mulf %get3A_318, %div3A_284 : vector<16xf32>
        %sub3A_324 = arith.constant 1.000000e+00 : f32
        %sub3A_325 = arith.subf %sub3A_324, %select_n3A_140 : f32
        %mul3A_326 = vector.broadcast %sub3A_325 : f32 to vector<16xf32>
        %mul3A_327 = arith.mulf %get3A_322, %mul3A_326 : vector<16xf32>
        %add3A_328 = arith.addf %mul3A_323, %mul3A_327 : vector<16xf32>
        %swap3A_329 = arith.index_cast %scan3A_299 : i32 to index
        %swap3A_330 = arith.constant 16 : index
        %swap3A_331 = tpu.vector_load %arg7[%swap3A_329, %swap3A_330] {strides = array<i32>} : memref<32x64xf32, #tpu.memory_space<vmem>>, vector<16xf32>,
        tpu.vector_store %arg7[%swap3A_329, %swap3A_330], %add3A_328 {strides = array<i32>} : memref<32x64xf32, #tpu.memory_space<vmem>>, vector<16xf32>,
        %get3A_332 = arith.index_cast %scan3A_299 : i32 to index
        %get3A_333 = arith.constant 32 : index
        %get3A_334 = tpu.vector_load %arg7[%get3A_332, %get3A_333] {strides = array<i32>} : memref<32x64xf32, #tpu.memory_space<vmem>>, vector<16xf32>,
        %add3A_335 = arith.addi %mul3A_67, %scan3A_299 : i32
        %get3A_336 = arith.index_cast %add3A_335 : i32 to index
        %get3A_337 = arith.constant 32 : index
        %get3A_338 = tpu.vector_load %arg4[%get3A_336, %get3A_337] {strides = array<i32>} : memref<64x64xf32, #tpu.memory_space<vmem>>, vector<16xf32>,
        %mul3A_339 = arith.mulf %get3A_334, %div3A_284 : vector<16xf32>
        %sub3A_340 = arith.constant 1.000000e+00 : f32
        %sub3A_341 = arith.subf %sub3A_340, %select_n3A_140 : f32
        %mul3A_342 = vector.broadcast %sub3A_341 : f32 to vector<16xf32>
        %mul3A_343 = arith.mulf %get3A_338, %mul3A_342 : vector<16xf32>
        %add3A_344 = arith.addf %mul3A_339, %mul3A_343 : vector<16xf32>
        %swap3A_345 = arith.index_cast %scan3A_299 : i32 to index
        %swap3A_346 = arith.constant 32 : index
        %swap3A_347 = tpu.vector_load %arg7[%swap3A_345, %swap3A_346] {strides = array<i32>} : memref<32x64xf32, #tpu.memory_space<vmem>>, vector<16xf32>,
        tpu.vector_store %arg7[%swap3A_345, %swap3A_346], %add3A_344 {strides = array<i32>} : memref<32x64xf32, #tpu.memory_space<vmem>>, vector<16xf32>,
        %get3A_348 = arith.index_cast %scan3A_299 : i32 to index
        %get3A_349 = arith.constant 48 : index
        %get3A_350 = tpu.vector_load %arg7[%get3A_348, %get3A_349] {strides = array<i32>} : memref<32x64xf32, #tpu.memory_space<vmem>>, vector<16xf32>,
        %add3A_351 = arith.addi %mul3A_67, %scan3A_299 : i32
        %get3A_352 = arith.index_cast %add3A_351 : i32 to index
        %get3A_353 = arith.constant 48 : index
        %get3A_354 = tpu.vector_load %arg4[%get3A_352, %get3A_353] {strides = array<i32>} : memref<64x64xf32, #tpu.memory_space<vmem>>, vector<16xf32>,
        %mul3A_355 = arith.mulf %get3A_350, %div3A_284 : vector<16xf32>
        %sub3A_356 = arith.constant 1.000000e+00 : f32
        %sub3A_357 = arith.subf %sub3A_356, %select_n3A_140 : f32
        %mul3A_358 = vector.broadcast %sub3A_357 : f32 to vector<16xf32>
        %mul3A_359 = arith.mulf %get3A_354, %mul3A_358 : vector<16xf32>
        %add3A_360 = arith.addf %mul3A_355, %mul3A_359 : vector<16xf32>
        %swap3A_361 = arith.index_cast %scan3A_299 : i32 to index
        %swap3A_362 = arith.constant 48 : index
        %swap3A_363 = tpu.vector_load %arg7[%swap3A_361, %swap3A_362] {strides = array<i32>} : memref<32x64xf32, #tpu.memory_space<vmem>>, vector<16xf32>,
        tpu.vector_store %arg7[%swap3A_361, %swap3A_362], %add3A_360 {strides = array<i32>} : memref<32x64xf32, #tpu.memory_space<vmem>>, vector<16xf32>,
        %scan3A_364 = arith.constant 0 : i32
        scf.yield %scan3A_364 : i32
      }
      %scan3A_290 = arith.constant 32 : i32
      "tpu.region"() ({
        %run_scoped3A = tpu.sem_alloc : memref<!tpu.dma_semaphore, #tpu.memory_space<semaphore_mem>>
        %dma_start3A = arith.constant 0 : i32
        %dma_start3A_299 = tpu.memref_slice %arg3[%select_n3A_50, %select_n3A_85, %mul3A_67, %dma_start3A] : memref<4x5x64x64xf32, #tpu.memory_space<hbm>> -> memref<1x1x32x64xf32, #tpu.memory_space<hbm>>
        %dma_start3A_300 = tpu.memref_squeeze %dma_start3A_299 : memref<1x1x32x64xf32, #tpu.memory_space<hbm>> -> memref<32x64xf32, #tpu.memory_space<hbm>>
        %dma_start3A_301 = arith.constant 0 : i32
        %dma_start3A_302 = tpu.memref_slice %arg3[%select_n3A_50, %select_n3A_85, %mul3A_67, %dma_start3A_301] : memref<4x5x64x64xf32, #tpu.memory_space<hbm>> -> memref<1x1x32x64xf32, #tpu.memory_space<hbm>>
        %dma_start3A_303 = tpu.memref_squeeze %dma_start3A_302 : memref<1x1x32x64xf32, #tpu.memory_space<hbm>> -> memref<32x64xf32, #tpu.memory_space<hbm>>
        tpu.enqueue_dma source(%arg7 : memref<32x64xf32, #tpu.memory_space<vmem>>) target(%dma_start3A_303 : memref<32x64xf32, #tpu.memory_space<hbm>>) target_semaphore(%run_scoped3A : memref<!tpu.dma_semaphore, #tpu.memory_space<semaphore_mem>>)
        %dma_wait3A = arith.constant 0 : i32
        %dma_wait3A_304 = tpu.memref_slice %arg3[%select_n3A_50, %select_n3A_85, %mul3A_67, %dma_wait3A] : memref<4x5x64x64xf32, #tpu.memory_space<hbm>> -> memref<1x1x32x64xf32, #tpu.memory_space<hbm>>
        %dma_wait3A_305 = tpu.memref_squeeze %dma_wait3A_304 : memref<1x1x32x64xf32, #tpu.memory_space<hbm>> -> memref<32x64xf32, #tpu.memory_space<hbm>>
        %dma_wait3A_306 = arith.constant 0 : i32
        %dma_wait3A_307 = tpu.memref_slice %arg3[%select_n3A_50, %select_n3A_85, %mul3A_67, %dma_wait3A_306] : memref<4x5x64x64xf32, #tpu.memory_space<hbm>> -> memref<1x1x32x64xf32, #tpu.memory_space<hbm>>
        %dma_wait3A_308 = tpu.memref_squeeze %dma_wait3A_307 : memref<1x1x32x64xf32, #tpu.memory_space<hbm>> -> memref<32x64xf32, #tpu.memory_space<hbm>>
        tpu.wait_dma2 semaphore(%run_scoped3A : memref<!tpu.dma_semaphore, #tpu.memory_space<semaphore_mem>>) src(%arg7 : memref<32x64xf32, #tpu.memory_space<vmem>>) dst(%dma_wait3A_308 : memref<32x64xf32, #tpu.memory_space<hbm>>)
        tpu.yield
      }) : () -> ()
      %eq3A_291 = arith.constant 0 : i32
      %eq3A_292 = arith.cmpi eq, %arg0, %eq3A_291 : i32
      %lt3A_293 = arith.constant 8 : i32
      %lt3A_294 = arith.cmpi slt, %arg1, %lt3A_293 : i32
      %and3A_295 = arith.andi %eq3A_292, %lt3A_294 : i1
      %convert_element_type3A_296 = arith.extui %and3A_295 : i1 to i32
      %cond3A_297 = arith.constant 0 : i32
      %cond3A_298 = arith.cmpi ne, %convert_element_type3A_296, %cond3A_297 : i32
      scf.if %cond3A_298 {
        %run_scoped3A = arith.constant 4 : i32
        "tpu.region"() ({
          %run_scoped3A_482 = tpu.sem_alloc : memref<!tpu.dma_semaphore, #tpu.memory_space<semaphore_mem>>
          %dma_start3A = arith.constant 0 : i32
          %dma_start3A_483 = arith.constant 0 : i32
          %dma_start3A_484 = tpu.memref_slice %arg6[%dma_start3A, %dma_start3A_483] : memref<40x64xf32, #tpu.memory_space<vmem>> -> memref<32x64xf32, #tpu.memory_space<vmem>>
          %dma_start3A_485 = arith.constant 0 : i32
          %dma_start3A_486 = tpu.memref_slice %arg3[%select_n3A_50, %run_scoped3A, %mul3A_67, %dma_start3A_485] : memref<4x5x64x64xf32, #tpu.memory_space<hbm>> -> memref<1x1x32x64xf32, #tpu.memory_space<hbm>>
          %dma_start3A_487 = tpu.memref_squeeze %dma_start3A_486 : memref<1x1x32x64xf32, #tpu.memory_space<hbm>> -> memref<32x64xf32, #tpu.memory_space<hbm>>
          %dma_start3A_488 = arith.constant 0 : i32
          %dma_start3A_489 = arith.constant 0 : i32
          %dma_start3A_490 = tpu.memref_slice %arg6[%dma_start3A_488, %dma_start3A_489] : memref<40x64xf32, #tpu.memory_space<vmem>> -> memref<32x64xf32, #tpu.memory_space<vmem>>
          %dma_start3A_491 = arith.constant 0 : i32
          %dma_start3A_492 = tpu.memref_slice %arg3[%select_n3A_50, %run_scoped3A, %mul3A_67, %dma_start3A_491] : memref<4x5x64x64xf32, #tpu.memory_space<hbm>> -> memref<1x1x32x64xf32, #tpu.memory_space<hbm>>
          %dma_start3A_493 = tpu.memref_squeeze %dma_start3A_492 : memref<1x1x32x64xf32, #tpu.memory_space<hbm>> -> memref<32x64xf32, #tpu.memory_space<hbm>>
          tpu.enqueue_dma source(%dma_start3A_493 : memref<32x64xf32, #tpu.memory_space<hbm>>) target(%dma_start3A_490 : memref<32x64xf32, #tpu.memory_space<vmem>>) target_semaphore(%run_scoped3A_482 : memref<!tpu.dma_semaphore, #tpu.memory_space<semaphore_mem>>)
          %dma_wait3A = arith.constant 0 : i32
          %dma_wait3A_494 = arith.constant 0 : i32
          %dma_wait3A_495 = tpu.memref_slice %arg6[%dma_wait3A, %dma_wait3A_494] : memref<40x64xf32, #tpu.memory_space<vmem>> -> memref<32x64xf32, #tpu.memory_space<vmem>>
          %dma_wait3A_496 = arith.constant 0 : i32
          %dma_wait3A_497 = tpu.memref_slice %arg3[%select_n3A_50, %run_scoped3A, %mul3A_67, %dma_wait3A_496] : memref<4x5x64x64xf32, #tpu.memory_space<hbm>> -> memref<1x1x32x64xf32, #tpu.memory_space<hbm>>
          %dma_wait3A_498 = tpu.memref_squeeze %dma_wait3A_497 : memref<1x1x32x64xf32, #tpu.memory_space<hbm>> -> memref<32x64xf32, #tpu.memory_space<hbm>>
          %dma_wait3A_499 = arith.constant 0 : i32
          %dma_wait3A_500 = arith.constant 0 : i32
          %dma_wait3A_501 = tpu.memref_slice %arg6[%dma_wait3A_499, %dma_wait3A_500] : memref<40x64xf32, #tpu.memory_space<vmem>> -> memref<32x64xf32, #tpu.memory_space<vmem>>
          %dma_wait3A_502 = arith.constant 0 : i32
          %dma_wait3A_503 = tpu.memref_slice %arg3[%select_n3A_50, %run_scoped3A, %mul3A_67, %dma_wait3A_502] : memref<4x5x64x64xf32, #tpu.memory_space<hbm>> -> memref<1x1x32x64xf32, #tpu.memory_space<hbm>>
          %dma_wait3A_504 = tpu.memref_squeeze %dma_wait3A_503 : memref<1x1x32x64xf32, #tpu.memory_space<hbm>> -> memref<32x64xf32, #tpu.memory_space<hbm>>
          tpu.wait_dma2 semaphore(%run_scoped3A_482 : memref<!tpu.dma_semaphore, #tpu.memory_space<semaphore_mem>>) src(%dma_wait3A_504 : memref<32x64xf32, #tpu.memory_space<hbm>>) dst(%dma_wait3A_501 : memref<32x64xf32, #tpu.memory_space<vmem>>)
          tpu.yield
        }) : () -> ()
        %get3A_299 = arith.constant 0 : index
        %get3A_300 = tpu.vector_load %arg11[%get3A_299] {strides = array<i32>} : memref<256xf32, #tpu.memory_space<vmem>>, vector<16xf32>,
        %get3A_301 = arith.constant 32 : index
        %get3A_302 = tpu.vector_load %arg11[%get3A_301] {strides = array<i32>} : memref<256xf32, #tpu.memory_space<vmem>>, vector<16xf32>,
        %max3A_303 = arith.maximumf %get3A_300, %get3A_302 : vector<16xf32>
        %get3A_304 = arith.constant 64 : index
        %get3A_305 = tpu.vector_load %arg11[%get3A_304] {strides = array<i32>} : memref<256xf32, #tpu.memory_space<vmem>>, vector<16xf32>,
        %max3A_306 = arith.maximumf %max3A_303, %get3A_305 : vector<16xf32>
        %get3A_307 = arith.constant 96 : index
        %get3A_308 = tpu.vector_load %arg11[%get3A_307] {strides = array<i32>} : memref<256xf32, #tpu.memory_space<vmem>>, vector<16xf32>,
        %max3A_309 = arith.maximumf %max3A_306, %get3A_308 : vector<16xf32>
        %get3A_310 = arith.constant 128 : index
        %get3A_311 = tpu.vector_load %arg11[%get3A_310] {strides = array<i32>} : memref<256xf32, #tpu.memory_space<vmem>>, vector<16xf32>,
        %max3A_312 = arith.maximumf %max3A_309, %get3A_311 : vector<16xf32>
        %get3A_313 = arith.constant 160 : index
        %get3A_314 = tpu.vector_load %arg11[%get3A_313] {strides = array<i32>} : memref<256xf32, #tpu.memory_space<vmem>>, vector<16xf32>,
        %max3A_315 = arith.maximumf %max3A_312, %get3A_314 : vector<16xf32>
        %get3A_316 = arith.constant 192 : index
        %get3A_317 = tpu.vector_load %arg11[%get3A_316] {strides = array<i32>} : memref<256xf32, #tpu.memory_space<vmem>>, vector<16xf32>,
        %max3A_318 = arith.maximumf %max3A_315, %get3A_317 : vector<16xf32>
        %get3A_319 = arith.constant 224 : index
        %get3A_320 = tpu.vector_load %arg11[%get3A_319] {strides = array<i32>} : memref<256xf32, #tpu.memory_space<vmem>>, vector<16xf32>,
        %max3A_321 = arith.maximumf %max3A_318, %get3A_320 : vector<16xf32>
        %reduce_max3A_322 = arith.constant true
        %reduce_max3A_323 = vector.broadcast %reduce_max3A_322 : i1 to vector<16xi1>
        %reduce_max3A_324 = tpu.scan <max>, %max3A_321 masked %reduce_max3A_323 : vector<16xf32>, vector<16xi1> -> vector<16xf32>
        %reduce_max3A_325 = vector.extract %reduce_max3A_324[15] : f32 from vector<16xf32>
        %gt3A_326 = arith.constant 0.000000e+00 : f32
        %gt3A_327 = arith.cmpf ogt, %reduce_max3A_325, %gt3A_326 : f32
        %jit3A_328 = arith.constant 1.000000e+00 : f32
        %jit3A_329 = arith.constant 0.000000e+00 : f32
        %select_n3A_330 = arith.select %gt3A_327, %jit3A_328, %jit3A_329 : f32
        %broadcast_in_dim3A_331 = arith.constant -1.000000e+30 : f32
        %broadcast_in_dim3A_332 = vector.broadcast %broadcast_in_dim3A_331 : f32 to vector<16xf32>
        %eq3A_333 = arith.constant 0 : i32
        %eq3A_334 = arith.cmpi eq, %select_n3A_50, %eq3A_333 : i32
        %jit3A_335 = arith.constant 1.000000e+00 : f32
        %jit3A_336 = arith.constant 0.000000e+00 : f32
        %select_n3A_337 = arith.select %eq3A_334, %jit3A_335, %jit3A_336 : f32
        %get3A_338 = arith.constant 16 : index
        %get3A_339 = tpu.vector_load %arg11[%get3A_338] {strides = array<i32>} : memref<256xf32, #tpu.memory_space<vmem>>, vector<16xf32>,
        %mul3A_340 = vector.broadcast %select_n3A_337 : f32 to vector<16xf32>
        %mul3A_341 = arith.mulf %get3A_339, %mul3A_340 : vector<16xf32>
        %sub3A_342 = arith.constant 1.000000e+00 : f32
        %sub3A_343 = arith.subf %select_n3A_337, %sub3A_342 : f32
        %mul3A_344 = arith.constant 1.000000e+30 : f32
        %mul3A_345 = arith.mulf %sub3A_343, %mul3A_344 : f32
        %add3A_346 = vector.broadcast %mul3A_345 : f32 to vector<16xf32>
        %add3A_347 = arith.addf %mul3A_341, %add3A_346 : vector<16xf32>
        %max3A_348 = arith.maximumf %broadcast_in_dim3A_332, %add3A_347 : vector<16xf32>
        %eq3A_349 = arith.constant 0 : i32
        %eq3A_350 = arith.cmpi eq, %select_n3A_50, %eq3A_349 : i32
        %jit3A_351 = arith.constant 1.000000e+00 : f32
        %jit3A_352 = arith.constant 0.000000e+00 : f32
        %select_n3A_353 = arith.select %eq3A_350, %jit3A_351, %jit3A_352 : f32
        %get3A_354 = arith.constant 48 : index
        %get3A_355 = tpu.vector_load %arg11[%get3A_354] {strides = array<i32>} : memref<256xf32, #tpu.memory_space<vmem>>, vector<16xf32>,
        %mul3A_356 = vector.broadcast %select_n3A_353 : f32 to vector<16xf32>
        %mul3A_357 = arith.mulf %get3A_355, %mul3A_356 : vector<16xf32>
        %sub3A_358 = arith.constant 1.000000e+00 : f32
        %sub3A_359 = arith.subf %select_n3A_353, %sub3A_358 : f32
        %mul3A_360 = arith.constant 1.000000e+30 : f32
        %mul3A_361 = arith.mulf %sub3A_359, %mul3A_360 : f32
        %add3A_362 = vector.broadcast %mul3A_361 : f32 to vector<16xf32>
        %add3A_363 = arith.addf %mul3A_357, %add3A_362 : vector<16xf32>
        %max3A_364 = arith.maximumf %max3A_348, %add3A_363 : vector<16xf32>
        %eq3A_365 = arith.constant 1 : i32
        %eq3A_366 = arith.cmpi eq, %select_n3A_50, %eq3A_365 : i32
        %jit3A_367 = arith.constant 1.000000e+00 : f32
        %jit3A_368 = arith.constant 0.000000e+00 : f32
        %select_n3A_369 = arith.select %eq3A_366, %jit3A_367, %jit3A_368 : f32
        %get3A_370 = arith.constant 80 : index
        %get3A_371 = tpu.vector_load %arg11[%get3A_370] {strides = array<i32>} : memref<256xf32, #tpu.memory_space<vmem>>, vector<16xf32>,
        %mul3A_372 = vector.broadcast %select_n3A_369 : f32 to vector<16xf32>
        %mul3A_373 = arith.mulf %get3A_371, %mul3A_372 : vector<16xf32>
        %sub3A_374 = arith.constant 1.000000e+00 : f32
        %sub3A_375 = arith.subf %select_n3A_369, %sub3A_374 : f32
        %mul3A_376 = arith.constant 1.000000e+30 : f32
        %mul3A_377 = arith.mulf %sub3A_375, %mul3A_376 : f32
        %add3A_378 = vector.broadcast %mul3A_377 : f32 to vector<16xf32>
        %add3A_379 = arith.addf %mul3A_373, %add3A_378 : vector<16xf32>
        %max3A_380 = arith.maximumf %max3A_364, %add3A_379 : vector<16xf32>
        %eq3A_381 = arith.constant 1 : i32
        %eq3A_382 = arith.cmpi eq, %select_n3A_50, %eq3A_381 : i32
        %jit3A_383 = arith.constant 1.000000e+00 : f32
        %jit3A_384 = arith.constant 0.000000e+00 : f32
        %select_n3A_385 = arith.select %eq3A_382, %jit3A_383, %jit3A_384 : f32
        %get3A_386 = arith.constant 112 : index
        %get3A_387 = tpu.vector_load %arg11[%get3A_386] {strides = array<i32>} : memref<256xf32, #tpu.memory_space<vmem>>, vector<16xf32>,
        %mul3A_388 = vector.broadcast %select_n3A_385 : f32 to vector<16xf32>
        %mul3A_389 = arith.mulf %get3A_387, %mul3A_388 : vector<16xf32>
        %sub3A_390 = arith.constant 1.000000e+00 : f32
        %sub3A_391 = arith.subf %select_n3A_385, %sub3A_390 : f32
        %mul3A_392 = arith.constant 1.000000e+30 : f32
        %mul3A_393 = arith.mulf %sub3A_391, %mul3A_392 : f32
        %add3A_394 = vector.broadcast %mul3A_393 : f32 to vector<16xf32>
        %add3A_395 = arith.addf %mul3A_389, %add3A_394 : vector<16xf32>
        %max3A_396 = arith.maximumf %max3A_380, %add3A_395 : vector<16xf32>
        %eq3A_397 = arith.constant 2 : i32
        %eq3A_398 = arith.cmpi eq, %select_n3A_50, %eq3A_397 : i32
        %jit3A_399 = arith.constant 1.000000e+00 : f32
        %jit3A_400 = arith.constant 0.000000e+00 : f32
        %select_n3A_401 = arith.select %eq3A_398, %jit3A_399, %jit3A_400 : f32
        %get3A_402 = arith.constant 144 : index
        %get3A_403 = tpu.vector_load %arg11[%get3A_402] {strides = array<i32>} : memref<256xf32, #tpu.memory_space<vmem>>, vector<16xf32>,
        %mul3A_404 = vector.broadcast %select_n3A_401 : f32 to vector<16xf32>
        %mul3A_405 = arith.mulf %get3A_403, %mul3A_404 : vector<16xf32>
        %sub3A_406 = arith.constant 1.000000e+00 : f32
        %sub3A_407 = arith.subf %select_n3A_401, %sub3A_406 : f32
        %mul3A_408 = arith.constant 1.000000e+30 : f32
        %mul3A_409 = arith.mulf %sub3A_407, %mul3A_408 : f32
        %add3A_410 = vector.broadcast %mul3A_409 : f32 to vector<16xf32>
        %add3A_411 = arith.addf %mul3A_405, %add3A_410 : vector<16xf32>
        %max3A_412 = arith.maximumf %max3A_396, %add3A_411 : vector<16xf32>
        %eq3A_413 = arith.constant 2 : i32
        %eq3A_414 = arith.cmpi eq, %select_n3A_50, %eq3A_413 : i32
        %jit3A_415 = arith.constant 1.000000e+00 : f32
        %jit3A_416 = arith.constant 0.000000e+00 : f32
        %select_n3A_417 = arith.select %eq3A_414, %jit3A_415, %jit3A_416 : f32
        %get3A_418 = arith.constant 176 : index
        %get3A_419 = tpu.vector_load %arg11[%get3A_418] {strides = array<i32>} : memref<256xf32, #tpu.memory_space<vmem>>, vector<16xf32>,
        %mul3A_420 = vector.broadcast %select_n3A_417 : f32 to vector<16xf32>
        %mul3A_421 = arith.mulf %get3A_419, %mul3A_420 : vector<16xf32>
        %sub3A_422 = arith.constant 1.000000e+00 : f32
        %sub3A_423 = arith.subf %select_n3A_417, %sub3A_422 : f32
        %mul3A_424 = arith.constant 1.000000e+30 : f32
        %mul3A_425 = arith.mulf %sub3A_423, %mul3A_424 : f32
        %add3A_426 = vector.broadcast %mul3A_425 : f32 to vector<16xf32>
        %add3A_427 = arith.addf %mul3A_421, %add3A_426 : vector<16xf32>
        %max3A_428 = arith.maximumf %max3A_412, %add3A_427 : vector<16xf32>
        %eq3A_429 = arith.constant 3 : i32
        %eq3A_430 = arith.cmpi eq, %select_n3A_50, %eq3A_429 : i32
        %jit3A_431 = arith.constant 1.000000e+00 : f32
        %jit3A_432 = arith.constant 0.000000e+00 : f32
        %select_n3A_433 = arith.select %eq3A_430, %jit3A_431, %jit3A_432 : f32
        %get3A_434 = arith.constant 208 : index
        %get3A_435 = tpu.vector_load %arg11[%get3A_434] {strides = array<i32>} : memref<256xf32, #tpu.memory_space<vmem>>, vector<16xf32>,
        %mul3A_436 = vector.broadcast %select_n3A_433 : f32 to vector<16xf32>
        %mul3A_437 = arith.mulf %get3A_435, %mul3A_436 : vector<16xf32>
        %sub3A_438 = arith.constant 1.000000e+00 : f32
        %sub3A_439 = arith.subf %select_n3A_433, %sub3A_438 : f32
        %mul3A_440 = arith.constant 1.000000e+30 : f32
        %mul3A_441 = arith.mulf %sub3A_439, %mul3A_440 : f32
        %add3A_442 = vector.broadcast %mul3A_441 : f32 to vector<16xf32>
        %add3A_443 = arith.addf %mul3A_437, %add3A_442 : vector<16xf32>
        %max3A_444 = arith.maximumf %max3A_428, %add3A_443 : vector<16xf32>
        %eq3A_445 = arith.constant 3 : i32
        %eq3A_446 = arith.cmpi eq, %select_n3A_50, %eq3A_445 : i32
        %jit3A_447 = arith.constant 1.000000e+00 : f32
        %jit3A_448 = arith.constant 0.000000e+00 : f32
        %select_n3A_449 = arith.select %eq3A_446, %jit3A_447, %jit3A_448 : f32
        %get3A_450 = arith.constant 240 : index
        %get3A_451 = tpu.vector_load %arg11[%get3A_450] {strides = array<i32>} : memref<256xf32, #tpu.memory_space<vmem>>, vector<16xf32>,
        %mul3A_452 = vector.broadcast %select_n3A_449 : f32 to vector<16xf32>
        %mul3A_453 = arith.mulf %get3A_451, %mul3A_452 : vector<16xf32>
        %sub3A_454 = arith.constant 1.000000e+00 : f32
        %sub3A_455 = arith.subf %select_n3A_449, %sub3A_454 : f32
        %mul3A_456 = arith.constant 1.000000e+30 : f32
        %mul3A_457 = arith.mulf %sub3A_455, %mul3A_456 : f32
        %add3A_458 = vector.broadcast %mul3A_457 : f32 to vector<16xf32>
        %add3A_459 = arith.addf %mul3A_453, %add3A_458 : vector<16xf32>
        %max3A_460 = arith.maximumf %max3A_444, %add3A_459 : vector<16xf32>
        %reduce_max3A_461 = arith.constant true
        %reduce_max3A_462 = vector.broadcast %reduce_max3A_461 : i1 to vector<16xi1>
        %reduce_max3A_463 = tpu.scan <max>, %max3A_460 masked %reduce_max3A_462 : vector<16xf32>, vector<16xi1> -> vector<16xf32>
        %reduce_max3A_464 = vector.extract %reduce_max3A_463[15] : f32 from vector<16xf32>
        %eq3A_465 = arith.constant 0.000000e+00 : f32
        %eq3A_466 = arith.cmpf oeq, %reduce_max3A_464, %eq3A_465 : f32
        %jit3A_467 = arith.constant 1.000000e+00 : f32
        %select_n3A_468 = arith.select %eq3A_466, %jit3A_467, %reduce_max3A_464 : f32
        %mul3A_469 = vector.broadcast %select_n3A_330 : f32 to vector<16xf32>
        %mul3A_470 = arith.mulf %broadcast_in_dim3A_279, %mul3A_469 : vector<16xf32>
        %mul3A_471 = vector.broadcast %select_n3A_468 : f32 to vector<16xf32>
        %mul3A_472 = arith.mulf %broadcast_in_dim3A_279, %mul3A_471 : vector<16xf32>
        %div3A_473 = arith.divf %mul3A_470, %mul3A_472 : vector<16xf32>
        %scan3A_474 = arith.constant 0 : i32
        %scan3A_475 = arith.constant 0 : i32
        %scan3A_476 = arith.constant 32 : i32
        %scan3A_477 = arith.addi %scan3A_475, %scan3A_476 : i32
        %scan3A_478 = arith.constant 1 : i32
        %scan3A_479 = scf.for %scan3A_482 = %scan3A_475 to %scan3A_477 step %scan3A_478 iter_args(%scan3A_483 = %scan3A_474) -> (i32)  : i32 {
          %get3A_484 = arith.index_cast %scan3A_482 : i32 to index
          %get3A_485 = arith.constant 0 : index
          %get3A_486 = tpu.vector_load %arg6[%get3A_484, %get3A_485] {strides = array<i32>} : memref<40x64xf32, #tpu.memory_space<vmem>>, vector<16xf32>,
          %mul3A_487 = arith.mulf %get3A_486, %div3A_473 : vector<16xf32>
          %get3A_488 = arith.index_cast %scan3A_482 : i32 to index
          %get3A_489 = arith.constant 0 : index
          %get3A_490 = tpu.vector_load %arg8[%get3A_488, %get3A_489] {strides = array<i32>} : memref<32x64xf32, #tpu.memory_space<vmem>>, vector<16xf32>,
          %sub3A_491 = arith.constant 1.000000e+00 : f32
          %sub3A_492 = arith.subf %sub3A_491, %select_n3A_330 : f32
          %mul3A_493 = vector.broadcast %sub3A_492 : f32 to vector<16xf32>
          %mul3A_494 = arith.mulf %get3A_490, %mul3A_493 : vector<16xf32>
          %add3A_495 = arith.addf %mul3A_487, %mul3A_494 : vector<16xf32>
          %get3A_496 = arith.index_cast %scan3A_482 : i32 to index
          %get3A_497 = arith.constant 0 : index
          %get3A_498 = tpu.vector_load %arg7[%get3A_496, %get3A_497] {strides = array<i32>} : memref<32x64xf32, #tpu.memory_space<vmem>>, vector<16xf32>,
          %mul3A_499 = arith.mulf %get3A_498, %add3A_495 : vector<16xf32>
          %swap3A = arith.index_cast %scan3A_482 : i32 to index
          %swap3A_500 = arith.constant 0 : index
          %swap3A_501 = tpu.vector_load %arg8[%swap3A, %swap3A_500] {strides = array<i32>} : memref<32x64xf32, #tpu.memory_space<vmem>>, vector<16xf32>,
          tpu.vector_store %arg8[%swap3A, %swap3A_500], %mul3A_499 {strides = array<i32>} : memref<32x64xf32, #tpu.memory_space<vmem>>, vector<16xf32>,
          %get3A_502 = arith.index_cast %scan3A_482 : i32 to index
          %get3A_503 = arith.constant 16 : index
          %get3A_504 = tpu.vector_load %arg6[%get3A_502, %get3A_503] {strides = array<i32>} : memref<40x64xf32, #tpu.memory_space<vmem>>, vector<16xf32>,
          %mul3A_505 = arith.mulf %get3A_504, %div3A_473 : vector<16xf32>
          %get3A_506 = arith.index_cast %scan3A_482 : i32 to index
          %get3A_507 = arith.constant 16 : index
          %get3A_508 = tpu.vector_load %arg8[%get3A_506, %get3A_507] {strides = array<i32>} : memref<32x64xf32, #tpu.memory_space<vmem>>, vector<16xf32>,
          %sub3A_509 = arith.constant 1.000000e+00 : f32
          %sub3A_510 = arith.subf %sub3A_509, %select_n3A_330 : f32
          %mul3A_511 = vector.broadcast %sub3A_510 : f32 to vector<16xf32>
          %mul3A_512 = arith.mulf %get3A_508, %mul3A_511 : vector<16xf32>
          %add3A_513 = arith.addf %mul3A_505, %mul3A_512 : vector<16xf32>
          %get3A_514 = arith.index_cast %scan3A_482 : i32 to index
          %get3A_515 = arith.constant 16 : index
          %get3A_516 = tpu.vector_load %arg7[%get3A_514, %get3A_515] {strides = array<i32>} : memref<32x64xf32, #tpu.memory_space<vmem>>, vector<16xf32>,
          %mul3A_517 = arith.mulf %get3A_516, %add3A_513 : vector<16xf32>
          %swap3A_518 = arith.index_cast %scan3A_482 : i32 to index
          %swap3A_519 = arith.constant 16 : index
          %swap3A_520 = tpu.vector_load %arg8[%swap3A_518, %swap3A_519] {strides = array<i32>} : memref<32x64xf32, #tpu.memory_space<vmem>>, vector<16xf32>,
          tpu.vector_store %arg8[%swap3A_518, %swap3A_519], %mul3A_517 {strides = array<i32>} : memref<32x64xf32, #tpu.memory_space<vmem>>, vector<16xf32>,
          %get3A_521 = arith.index_cast %scan3A_482 : i32 to index
          %get3A_522 = arith.constant 32 : index
          %get3A_523 = tpu.vector_load %arg6[%get3A_521, %get3A_522] {strides = array<i32>} : memref<40x64xf32, #tpu.memory_space<vmem>>, vector<16xf32>,
          %mul3A_524 = arith.mulf %get3A_523, %div3A_473 : vector<16xf32>
          %get3A_525 = arith.index_cast %scan3A_482 : i32 to index
          %get3A_526 = arith.constant 32 : index
          %get3A_527 = tpu.vector_load %arg8[%get3A_525, %get3A_526] {strides = array<i32>} : memref<32x64xf32, #tpu.memory_space<vmem>>, vector<16xf32>,
          %sub3A_528 = arith.constant 1.000000e+00 : f32
          %sub3A_529 = arith.subf %sub3A_528, %select_n3A_330 : f32
          %mul3A_530 = vector.broadcast %sub3A_529 : f32 to vector<16xf32>
          %mul3A_531 = arith.mulf %get3A_527, %mul3A_530 : vector<16xf32>
          %add3A_532 = arith.addf %mul3A_524, %mul3A_531 : vector<16xf32>
          %get3A_533 = arith.index_cast %scan3A_482 : i32 to index
          %get3A_534 = arith.constant 32 : index
          %get3A_535 = tpu.vector_load %arg7[%get3A_533, %get3A_534] {strides = array<i32>} : memref<32x64xf32, #tpu.memory_space<vmem>>, vector<16xf32>,
          %mul3A_536 = arith.mulf %get3A_535, %add3A_532 : vector<16xf32>
          %swap3A_537 = arith.index_cast %scan3A_482 : i32 to index
          %swap3A_538 = arith.constant 32 : index
          %swap3A_539 = tpu.vector_load %arg8[%swap3A_537, %swap3A_538] {strides = array<i32>} : memref<32x64xf32, #tpu.memory_space<vmem>>, vector<16xf32>,
          tpu.vector_store %arg8[%swap3A_537, %swap3A_538], %mul3A_536 {strides = array<i32>} : memref<32x64xf32, #tpu.memory_space<vmem>>, vector<16xf32>,
          %get3A_540 = arith.index_cast %scan3A_482 : i32 to index
          %get3A_541 = arith.constant 48 : index
          %get3A_542 = tpu.vector_load %arg6[%get3A_540, %get3A_541] {strides = array<i32>} : memref<40x64xf32, #tpu.memory_space<vmem>>, vector<16xf32>,
          %mul3A_543 = arith.mulf %get3A_542, %div3A_473 : vector<16xf32>
          %get3A_544 = arith.index_cast %scan3A_482 : i32 to index
          %get3A_545 = arith.constant 48 : index
          %get3A_546 = tpu.vector_load %arg8[%get3A_544, %get3A_545] {strides = array<i32>} : memref<32x64xf32, #tpu.memory_space<vmem>>, vector<16xf32>,
          %sub3A_547 = arith.constant 1.000000e+00 : f32
          %sub3A_548 = arith.subf %sub3A_547, %select_n3A_330 : f32
          %mul3A_549 = vector.broadcast %sub3A_548 : f32 to vector<16xf32>
          %mul3A_550 = arith.mulf %get3A_546, %mul3A_549 : vector<16xf32>
          %add3A_551 = arith.addf %mul3A_543, %mul3A_550 : vector<16xf32>
          %get3A_552 = arith.index_cast %scan3A_482 : i32 to index
          %get3A_553 = arith.constant 48 : index
          %get3A_554 = tpu.vector_load %arg7[%get3A_552, %get3A_553] {strides = array<i32>} : memref<32x64xf32, #tpu.memory_space<vmem>>, vector<16xf32>,
          %mul3A_555 = arith.mulf %get3A_554, %add3A_551 : vector<16xf32>
          %swap3A_556 = arith.index_cast %scan3A_482 : i32 to index
          %swap3A_557 = arith.constant 48 : index
          %swap3A_558 = tpu.vector_load %arg8[%swap3A_556, %swap3A_557] {strides = array<i32>} : memref<32x64xf32, #tpu.memory_space<vmem>>, vector<16xf32>,
          tpu.vector_store %arg8[%swap3A_556, %swap3A_557], %mul3A_555 {strides = array<i32>} : memref<32x64xf32, #tpu.memory_space<vmem>>, vector<16xf32>,
          %scan3A_559 = arith.constant 0 : i32
          scf.yield %scan3A_559 : i32
        }
        %scan3A_480 = arith.constant 32 : i32
        %run_scoped3A_481 = arith.constant 4 : i32
        "tpu.region"() ({
          %run_scoped3A_482 = tpu.sem_alloc : memref<!tpu.dma_semaphore, #tpu.memory_space<semaphore_mem>>
          %dma_start3A = arith.constant 0 : i32
          %dma_start3A_483 = tpu.memref_slice %arg3[%select_n3A_50, %run_scoped3A_481, %mul3A_67, %dma_start3A] : memref<4x5x64x64xf32, #tpu.memory_space<hbm>> -> memref<1x1x32x64xf32, #tpu.memory_space<hbm>>
          %dma_start3A_484 = tpu.memref_squeeze %dma_start3A_483 : memref<1x1x32x64xf32, #tpu.memory_space<hbm>> -> memref<32x64xf32, #tpu.memory_space<hbm>>
          %dma_start3A_485 = arith.constant 0 : i32
          %dma_start3A_486 = tpu.memref_slice %arg3[%select_n3A_50, %run_scoped3A_481, %mul3A_67, %dma_start3A_485] : memref<4x5x64x64xf32, #tpu.memory_space<hbm>> -> memref<1x1x32x64xf32, #tpu.memory_space<hbm>>
          %dma_start3A_487 = tpu.memref_squeeze %dma_start3A_486 : memref<1x1x32x64xf32, #tpu.memory_space<hbm>> -> memref<32x64xf32, #tpu.memory_space<hbm>>
          tpu.enqueue_dma source(%arg8 : memref<32x64xf32, #tpu.memory_space<vmem>>) target(%dma_start3A_487 : memref<32x64xf32, #tpu.memory_space<hbm>>) target_semaphore(%run_scoped3A_482 : memref<!tpu.dma_semaphore, #tpu.memory_space<semaphore_mem>>)
          %dma_wait3A = arith.constant 0 : i32
          %dma_wait3A_488 = tpu.memref_slice %arg3[%select_n3A_50, %run_scoped3A_481, %mul3A_67, %dma_wait3A] : memref<4x5x64x64xf32, #tpu.memory_space<hbm>> -> memref<1x1x32x64xf32, #tpu.memory_space<hbm>>
          %dma_wait3A_489 = tpu.memref_squeeze %dma_wait3A_488 : memref<1x1x32x64xf32, #tpu.memory_space<hbm>> -> memref<32x64xf32, #tpu.memory_space<hbm>>
          %dma_wait3A_490 = arith.constant 0 : i32
          %dma_wait3A_491 = tpu.memref_slice %arg3[%select_n3A_50, %run_scoped3A_481, %mul3A_67, %dma_wait3A_490] : memref<4x5x64x64xf32, #tpu.memory_space<hbm>> -> memref<1x1x32x64xf32, #tpu.memory_space<hbm>>
          %dma_wait3A_492 = tpu.memref_squeeze %dma_wait3A_491 : memref<1x1x32x64xf32, #tpu.memory_space<hbm>> -> memref<32x64xf32, #tpu.memory_space<hbm>>
          tpu.wait_dma2 semaphore(%run_scoped3A_482 : memref<!tpu.dma_semaphore, #tpu.memory_space<semaphore_mem>>) src(%arg8 : memref<32x64xf32, #tpu.memory_space<vmem>>) dst(%dma_wait3A_492 : memref<32x64xf32, #tpu.memory_space<hbm>>)
          tpu.yield
        }) : () -> ()
      } else {
      }
    } else {
    }
    return
  }
}

</mosaic_0001>

<sc_bundles>
// kernel: kernel.3.cloned.1.call-start
scs
__scs_entry_jumppad:
0x0: {  	(pc) =	sbr.rel $0x88, $3  }
0x1: {  	(tag) =	ssettag $0x0;
	lr =	simm.s32 $0x1  }
0x2: {  	[smem:$0x3FA0] =	sst lr;
	_ =	strace $0xD0000000  }
0x3: {  	_ = 	snop  }
0x4: {  	_ = 	snop  }
0x5: {  	_ = 	snop  }
0x6: {  	_ = 	snop  }
0x7: {  	_ = 	snop  }
__scs_overlays_trampoline_lowered:
0x8: {  	[smem:$0x3FAF] =	sst s0  }
0x9: {  	[smem:$0x3FB0] =	sst s1  }
0xa: {  	[smem:$0x3FB1] =	sst s2  }
0xb: {  	[smem:$0x3FB2] =	sst s3  }
0xc: {  	[smem:$0x3FB3] =	sst s4  }
0xd: {  	[smem:$0x3FB4] =	sst s5  }
0xe: {  	[smem:$0x3FB5] =	sst s6  }
0xf: {  	[smem:$0x3FB6] =	sst s7  }
0x10: {  	[smem:$0x3FB7] =	sst s8  }
0x11: {  	[smem:$0x3FB8] =	sst s9;
	s0 =	simm.s32 @!p0 $0x0  }
0x12: {  	s1 =	sld [smem:$0x3F9E];
	s0 =	simm.s32 @p0 $0x1  }
0x13: {  	[smem:$0x3FB9] =	sst s0;
	s0 =	simm.s32 @!p1 $0x0  }
0x14: {  	s2 =	sld [smem:$0x3F9D];
	s0 =	simm.s32 @p1 $0x1  }
0x15: {  	[smem:$0x3FBA] =	sst s0;
	s0 =	simm.s32 @!p2 $0x0  }
0x16: {  	s3 =	sld [smem:$0x3FDB];
	s0 =	simm.s32 @p2 $0x1  }
0x17: {  	s4 =	simm.s32 $0x1BF5;
	[smem:$0x3FBC] =	sst s0  }
0x18: {  	s0 =	sld [smem:$0x3F9F];
	_ =	swait.ge [sflag:s4], $0x0  }
0x19: {  	s7 =	sld [smem:$0x3FA0]  }
0x1a: {  	s8 =	sadd.s32 $0xFFFFE003, lr  }
0x1b: {  	s9 =	sadd.s32 $0xFFFFFEF7, lr;
	s5 =	simm.s32 $0xFFFFFFFF;
	p2 =	slt.u32 s8, $0xFFFFF086  }
0x1c: {  	p1 =	slt.u32 s9, $0xF7A;
	s5 =	simm.s32 @!p2 $0x0  }
0x1d: {  	s5 =	simm.s32 @p1 $0x1;
	p0 =	seq.s32 s7, s2  }
0x1e: {  	s7 =	smul.u32 @!p0 $0xF7A, s2;
	p2 =	seq.s32 @!p0 s5, $0x0  }
0x1f: {  	s9 =	smul.u32 $0xF7A, s1;
	s8 =	simm.s32 @!p0 $0x1BF5;
	p2 =	por !p2, p0  }
0x20: {  	[sflag:s8] =	ssyncset.s32 @!p0 $0xFFFFF086;
	s6 =	sadd.s32 @!p0 s3, s7;
	s7 =	simm.s32 @!p0 $0x108  }
0x21: {  	s3 =	sadd.s32 s3, s9;
	s6 =	sadd.s32 @!p0 $0x88, s6;
	s7 =	simm.s32 @p2 $0x1082  }
0x22: {  	[simem:s7], [sflag:s8] =	dma.local @!p0 [hbm:s6], $0xF7A  }
0x23: {  	s9 =	sor.u32 $0xD0000000, s2;
	s6 =	simm.s32 $0x108;
	_ =	swait.ge @!p0 [sflag:s8], $0x0  }
0x24: {  	s3 =	sadd.s32 $0x88, s3;
	s6 =	simm.s32 @!p1 $0x1082;
	[sflag:s4] =	ssyncset.s32 $0xFFFFF086  }
0x25: {  	[simem:s6], [sflag:s4] =	dma.local [hbm:s3], $0xF7A  }
0x26: {  	[smem:$0x3FA0] =	sst s1;
	(tag) =	ssettag s2;
	_ =	strace s9  }
0x27: {  	s1 =	sld [smem:$0x3FB0]  }
0x28: {  	s2 =	sld [smem:$0x3FB1]  }
0x29: {  	s4 =	sld [smem:$0x3FB3]  }
0x2a: {  	p0 =	seq.s32 s5, $0x0;
	s5 =	sld [smem:$0x3FB4]  }
0x2b: {  	s6 =	sld [smem:$0x3FB5]  }
0x2c: {  	s7 =	sld [smem:$0x3FB6]  }
0x2d: {  	s3 =	simm.s32 $0x108;
	s8 =	sld [smem:$0x3FB7]  }
0x2e: {  	s3 =	simm.s32 @!p0 $0x1082;
	s9 =	sld [smem:$0x3FB8]  }
0x2f: {  	lr =	sadd.s32 s0, s3;
	s0 =	sld [smem:$0x3FAF]  }
0x30: {  	s3 =	sld [smem:$0x3FB2]  }
0x31: {  	[smem:$0x3FBB] =	sst s10  }
0x32: {  	s10 =	sld [smem:$0x3FB9];
	_ =	sdelay $0x3  }
0x33: {  	p0 =	seq.s32 s10, $0x1;
	s10 =	sld [smem:$0x3FBB];
	_ =	sdelay $0x3  }
0x34: {  	[smem:$0x3FBB] =	sst s10  }
0x35: {  	s10 =	sld [smem:$0x3FBA];
	_ =	sdelay $0x3  }
0x36: {  	p1 =	seq.s32 s10, $0x1;
	s10 =	sld [smem:$0x3FBB];
	_ =	sdelay $0x3  }
0x37: {  	[smem:$0x3FBB] =	sst s10  }
0x38: {  	s10 =	sld [smem:$0x3FBC]  }
0x39: {  	_ = 	snop;
	(pc) =	sbr.ind lr, $3  }
0x3a: {  	_ = 	snop  }
0x3b: {  	_ = 	snop  }
0x3c: {  	p2 =	seq.s32 s10, $0x1;
	s10 =	sld [smem:$0x3FBB]  }
0x3d: {  	_ =	shalt  }
0x3e: {  	_ =	shalt  }
0x3f: {  	_ =	shalt  }
0x40: {  	_ =	shalt  }
0x41: {  	_ =	shalt  }
0x42: {  	_ =	shalt  }
0x43: {  	_ =	shalt  }
0x44: {  	_ =	shalt  }
0x45: {  	_ =	shalt  }
0x46: {  	_ =	shalt  }
0x47: {  	_ =	shalt  }
0x48: {  	_ =	shalt  }
0x49: {  	_ =	shalt  }
0x4a: {  	_ =	shalt  }
0x4b: {  	_ =	shalt  }
0x4c: {  	_ =	shalt  }
0x4d: {  	_ =	shalt  }
0x4e: {  	_ =	shalt  }
0x4f: {  	_ =	shalt  }
0x50: {  	_ =	shalt  }
0x51: {  	_ =	shalt  }
0x52: {  	_ =	shalt  }
0x53: {  	_ =	shalt  }
0x54: {  	_ =	shalt  }
0x55: {  	_ =	shalt  }
0x56: {  	_ =	shalt  }
0x57: {  	_ =	shalt  }
0x58: {  	_ =	shalt  }
0x59: {  	_ =	shalt  }
0x5a: {  	_ =	shalt  }
0x5b: {  	_ =	shalt  }
0x5c: {  	_ =	shalt  }
0x5d: {  	_ =	shalt  }
0x5e: {  	_ =	shalt  }
0x5f: {  	_ =	shalt  }
0x60: {  	_ =	shalt  }
0x61: {  	_ =	shalt  }
0x62: {  	_ =	shalt  }
0x63: {  	_ =	shalt  }
0x64: {  	_ =	shalt  }
0x65: {  	_ =	shalt  }
0x66: {  	_ =	shalt  }
0x67: {  	_ =	shalt  }
0x68: {  	_ =	shalt  }
0x69: {  	_ =	shalt  }
0x6a: {  	_ =	shalt  }
0x6b: {  	_ =	shalt  }
0x6c: {  	_ =	shalt  }
0x6d: {  	_ =	shalt  }
0x6e: {  	_ =	shalt  }
0x6f: {  	_ =	shalt  }
0x70: {  	_ =	shalt  }
0x71: {  	_ =	shalt  }
0x72: {  	_ =	shalt  }
0x73: {  	_ =	shalt  }
0x74: {  	_ =	shalt  }
0x75: {  	_ =	shalt  }
0x76: {  	_ =	shalt  }
0x77: {  	_ =	shalt  }
0x78: {  	_ =	shalt  }
0x79: {  	_ =	shalt  }
0x7a: {  	_ =	shalt  }
0x7b: {  	_ =	shalt  }
0x7c: {  	_ =	shalt  }
0x7d: {  	_ =	shalt  }
0x7e: {  	_ =	shalt  }
0x7f: {  	_ =	shalt  }
0x80: {  	_ =	shalt  }
0x81: {  	_ =	shalt  }
0x82: {  	_ =	shalt  }
0x83: {  	_ =	shalt  }
0x84: {  	_ =	shalt  }
0x85: {  	_ =	shalt  }
0x86: {  	_ =	shalt  }
0x87: {  	_ =	shalt  }
.Lfunc_end0:
.L_simem_size_0:
called_computation_lowered:
.L_overlay_start_0:
0x88: {  	s2 =	sld [smem:$0x3FD9]  }
0x89: {  	s3 =	sld [smem:$0x3FFE];
	_ =	sdelay $0x1  }
0x8a: {  	s1 =	srdreg.scid  }
0x8b: {  	s0 =	sand.u32 $0x1, s1  }
0x8c: {  	s18 =	sshll.u32 s0, $0xA;
	s2 =	sadd.s32 s3, s2  }
0x8d: {  	s2 =	sadd.s32 s2, s18  }
0x8e: {  	[smem:$0x3FC7] =	sst s2  }
0x8f: {  	_ = 	snop  }
0x90: {  	s2 =	sld [smem:$0x3FC9]  }
0x91: {  	s19 =	sld [smem:$0x3FD0];
	(tm) =	ssettm $0x1  }
0x92: {  	s4 =	sld [smem:$0x3FFB];
	_ =	sdelay $0x3  }
0x93: {  	_ =	strace s4  }
0x94: {  	s4 =	sld [smem:$0x3FFC];
	_ =	sdelay $0x3  }
0x95: {  	_ =	strace s4  }
0x96: {  	s4 =	sld [smem:$0x3FFD];
	_ =	sdelay $0x3  }
0x97: {  	_ =	strace s4  }
0x98: {  	_ =	strace $0x8FFFFFFF  }
0x99: {  	s20 =	sld [smem:$0x3FDB];
	_ =	sdelay $0x1  }
0x9a: {  	s5 =	simm.s32 $_scs_section_size  }
0x9b: {  	s6 =	simm.s32 $_size__tile_overlayer_lowered;
	s7 =	simm.s32 $_tile_overlayer_lowered  }
0x9c: {  	s23 =	simm.s32 $0x1BFF;
	s22 =	sshll.u32 s7, $0x1;
	s4 =	sadd.s32 s5, s20  }
0x9d: {  	s8 =	simm.s32 $0x0;
	s21 =	sshll.u32 s6, $0x1;
	s6 =	sadd.s32 s22, s4  }
0x9e: {  	[timem:s8], [sflag:s23] =	dma.local [hbm:s6], s21  }
0x9f: {  	_ =	swait.ge [sflag:s23], s21  }
0xa0: {  	s5 =	ssub.s32 $0x0, s21;
	[sflag:s23] =	ssyncset.done $0x0  }
0xa1: {  	[sflag:s23] =	ssyncadd.s32 s5;
	_ =	sdelay $0x1  }
0xa2: {  	s24 =	simm.s32 $0x1B8B  }
0xa3: {  	_ =	swait.ge [sflag:s24], $0x1  }
0xa4: {  	[sflag:s24] =	ssyncset.done $0x0  }
0xa5: {  	s25 =	simm.s32 $0x1B8E;
	[sflag:s24] =	ssyncadd.s32 $0xFFFFFFFF  }
0xa6: {  	s26 =	simm.s32 $execute0_lowered;
	[smem:$0x3FD2] =	sst s25  }
0xa7: {  	s5 =	sshll.u32 s26, $0x1;
	_ =	strace $0x80000046;
	[dreg:$0x1] =	wrdreg $0xFFFFFFFF  }
0xa8: {  	s28 =	simm.s32 $_size_execute0_lowered;
	s4 =	sadd.s32 s4, s5;
	[dreg:$0x0] =	wrdreg $0x0  }
0xa9: {  	s5 =	sshll.u32 s28, $0x1;
	[dreg:$0x2] =	wrdreg s4  }
0xaa: {  	[dreg:$0x3] =	wrdreg s5  }
0xab: {  	[dreg:$0x4] =	wrdreg $0xC0  }
0xac: {  	_ =	task [dreg:s8], $0x5FFFF  }
0xad: {  	[dreg:$0x1] =	wrdreg $0xFFFFFFFF  }
0xae: {  	[dreg:$0x0] =	wrdreg $0x60  }
0xaf: {  	[dreg:$0x2] =	wrdreg s2  }
0xb0: {  	[dreg:$0x3] =	wrdreg s19  }
0xb1: {  	[dreg:$0x4] =	wrdreg $0x62000  }
0xb2: {  	[dreg:$0x5] =	wrdreg $0x9  }
0xb3: {  	_ =	task.clear_ibuf [dreg:s8], $0x6FFFF;
	_ =	strace $0x90000046  }
0xb4: {  	s29 =	simm.s32 $0x9;
	_ =	strace $0x80000048  }
0xb5: {  	_ =	swait.ge [sflag:s29], $0x1  }
0xb6: {  	[sflag:s29] =	ssyncadd.s32 $0xFFFFFFFF  }
0xb7: {  	_ =	strace $0x90000048  }
0xb8: {  	_ =	sfence  }
0xb9: {  	s30 =	sld [smem:$0x0];
	_ =	sdelay $0x2  }
0xba: {  	s31 =	sshll.u32 s1, $0xD;
	s1 =	sshrl.u32 s1, $0x2  }
0xbb: {  	s3 =	sand.u32 $0x4000, s31;
	s1 =	sadd.s32 s1, s30  }
0xbc: {  	s0 =	sor.u32 s3, s0;
	s1 =	sshll.u32 s1, $0x11  }
0xbd: {  	s0 =	sor.u32 s1, s0  }
0xbe: {  	s0 =	sadd.s32 $0x8F2B, s0  }
0xbf: {  	[sflag:s0] =	ssyncadd.remote.s32 $0x1  }
0xc0: {  	_ =	sfence.sel $0xFFFF  }
0xc1: {  	[dreg:$0x0] =	wrdreg $0xFFFFFFFF;
	(pc) =	sbr.abs _section_cstart, $3  }
0xc2: {  	[dreg:$0x1] =	wrdreg $0xFFFFFFFF  }
0xc3: {  	_ =	task.clear_ibuf [dreg:s8], $0x2FFFF;
	_ =	strace $0x9FFFFFFF  }
0xc4: {  	(tm) =	ssettm $0x7FFFFFFF  }
0xc5: {  	_ =	shalt  }
tec
execute0_lowered:
.L_overlay_start_1:
0x0: {  	(tag) =	ssettag $0x1  }
0x1: {  	s10 =	rddreg [dreg:$0x0]  }
0x2: {  	s1 =	rddreg [dreg:$0x1]  }
0x3: {  	s0 =	rddreg [dreg:$0x2];
	s3 =	srdreg.scid;
	s2 =	simm.s32 $0x0  }
0x4: {  	s25 =	stileid.u32;
	s12 =	simm.s32 $0x2;
	s15 =	simm.s32 $0x2000  }
0x5: {  	s21 =	simm.f32 $1.000000000e+00;
	s22 =	simm.f32 $1.000000000e+00;
	s23 =	simm.f32 $1.000000000e+00  }
0x6: {  	s20 =	sand.u32 $0x1, s3;
	[smem:$0x7FF] =	sst s2;
	s5 =	sand.u32 $0xC, s25  }
0x7: {  	p0 =	slt.u32 s25, $0x8;
	s11 =	sshrl.u32 s25, $0x1;
	s13 =	sshll.u32 s25, $0x5  }
0x8: {  	s7 =	sadd.s32 $0xFFFFFFF8, s25;
	s3 =	ssub.s32 $0x2, s20;
	_ =	strace $0x80000047  }
0x9: {  	p3 =	seq.s32 s20, $0x1;
	p1 =	seq.s32 s5, $0x8;
	p4 =	seq.s32 s20, $0x0  }
0xa: {  	s14 =	sand.u32 $0x3, s11;
	s12 =	simm.s32 @!p0 $0x1;
	s5 =	simm.s32 $0x2000  }
0xb: {  	s15 =	simm.s32 @!p0 $0x4000;
	s6 =	sshll.u32 s7, $0xC;
	s7 =	smul.u32 $0x1400, s7  }
0xc: {  	s11 =	sshll.u32 s11, $0xC;
	s29 =	sand.u32 $0x100, s13;
	s4 =	sshrl.u32 s3, $0x1  }
0xd: {  	p2 =	por !p1, !p3;
	p1 =	por p4, p0;
	s12 =	simm.s32 @p3 $0x3  }
0xe: {  	s15 =	simm.s32 @p3 $0x6000;
	s6 =	sadd.s32 s10, s6;
	s8 =	sshll.u32 s14, $0xF  }
0xf: {  	s19 =	smul.u32 $0xA000, s14;
	p3 =	por !p0, !p3;
	p5 =	seq.s32 s14, $0x0  }
0x10: {  	p4 =	por !p4, !p0;
	s18 =	ssub.s32 s3, s4;
	p2 =	por !p2, !p2  }
0x11: {  	s3 =	sand.u32 $0x20, s13;
	s4 =	simm.s32 $0x2;
	s9 =	sshll.u32 s12, $0xD  }
0x12: {  	s7 =	sadd.s32 s1, s7;
	p3 =	por !p3, !p3;
	s12 =	sshll.u32 s12, $0xA  }
0x13: {  	p4 =	por !p4, !p4;
	s16 =	sshll.u32 s3, $0x7;
	s9 =	sor.u32 s8, s9  }
0x14: {  	s15 =	sadd.s32 s15, s19;
	s18 =	smax.u32 s18, $0x1;
	s8 =	sor.u32 s16, s8  }
0x15: {  	s9 =	sshrl.u32 s9, $0x3;
	s28 =	sor.u32 s16, s19;
	s15 =	sor.u32 s16, s15  }
0x16: {  	s16 =	sadd.s32 $0xFFFFFFFC, s3;
	s19 =	sadd.s32 $0xFFFFFFFE, s3;
	s17 =	sshrl.u32 s8, $0x3  }
0x17: {  	s8 =	sadd.s32 s10, s9;
	s17 =	sadd.s32 s17, s10;
	s10 =	sadd.s32 s10, s11  }
0x18: {  	s17 =	sadd.s32 $0x400, s17;
	s11 =	sadd.s32 s12, s10;
	s10 =	simm.f32 $1.000000000e+00  }
0x19: {  	s9 =	sadd.s32 s13, s0;
	[dreg:$0x4] =	wrdreg s17;
	s10 =	simm.s32 @!p5 $0x0  }
0x1a: {  	s13 =	sadd.s32 s29, s0;
	s17 =	sadd.s32 $0x8000, s28;
	s30 =	sadd.f32 $-1.000000000e+00, s10  }
0x1b: {  	s15 =	sshrl.u32 s15, $0x3;
	p5 =	seq.s32 s14, $0x1;
	s17 =	sshrl.u32 s17, $0x3  }
0x1c: {  	s21 =	simm.s32 @!p5 $0x0;
	p5 =	seq.s32 s14, $0x2;
	s31 =	smul.f32 $1.000000020e+30, s30  }
0x1d: {  	s12 =	sadd.s32 s1, s17;
	s22 =	simm.s32 @!p5 $0x0;
	s26 =	sadd.f32 $-1.000000000e+00, s21  }
0x1e: {  	p5 =	seq.s32 s14, $0x3;
	s28 =	sadd.f32 $-1.000000000e+00, s22;
	v1 =	vmov s31;
	s31 =	sand.u32 $0x1, s25  }
0x1f: {  	v0 =	vmov s10;
	s23 =	simm.s32 @!p5 $0x0;
	s24 =	smul.f32 $1.000000020e+30, s26;
	s10 =	sshll.u32 s31, $0xC  }
.Ltmp0:
0x20: {  	s17 =	simm.s32 @!p0 $0x0;
	s29 =	sadd.f32 $-1.000000000e+00, s23;
	v10 =	vmov s10;
	(pc) =	sbr.rel .LBB2_1-.Ltmp0, $4  }
0x21: {  	s14 =	sadd.s32 s1, s15;
	s15 =	sadd.s32 $0x100, s0;
	s30 =	smul.f32 $1.000000020e+30, s28  }
0x22: {  	v8 =	vimm.f32 $0.0e+00;
	v2 =	vmov s21;
	s21 =	simm.s32 $0x5F80;
	s17 =	simm.s32 @p0 $0x1;
	s1 =	smul.f32 $1.000000020e+30, s29  }
0x23: {  	v9 =	vlaneseq.u32;
	v4 =	vmov s22;
	p5 =	sne.s32 s20, $0x0;
	s20 =	simm.s32 $0x1;
	s22 =	simm.s32 $0x3F80;
	v6 =	vmov s23  }
0x24: {  	[smem:$0x7FD] =	sst s17;
	s17 =	sadd.s32 $0x20, s3;
	s26 =	simm.s32 $0x0;
	v3 =	vmov s24;
	v5 =	vmov s30;
	v7 =	vmov s1  }
.LBB2_30:
0x25: {  	s26 =	sadd.s32 $0x1, s26  }
0x26: {  	p0 =	sne.s32 s26, s18  }
.Ltmp1:
0x27: {  	_ = 	snop;
	(pc) =	sbr.rel @!p0 .LBB2_31-.Ltmp1, $1  }
0x28: {  	_ =	sdelay $0x3  }
.LBB2_1:
0x29: {  	s0 =	simm.s32 @p2 $0x0;
	s1 =	simm.s32 @p2 $0x2  }
0x2a: {  	[tilespmem:s0], [sflag:$0x2] =	stream.linear.gather @p2 [hbm4b:s6+s0], $0x2000, $0x38;
	[tilespmem:$0x6220] =	vst v63  }
0x2b: {  	_ =	swait.ge @p2 [sflag:s1], $0x2000  }
0x2c: {  	[sflag:s1] =	ssyncset.done @p2 $0x0  }
.Ltmp2:
0x2d: {  	[sflag:s1] =	ssyncadd.s32 @p2 $0xFFFFE000;
	(pc) =	sbr.rel @p5 .LBB2_13-.Ltmp2, $4  }
0x2e: {  	[hbm4b:s7+s0] =	stream.linear.scatter @p2 [tilespmem:s0], [sflag:$0x2], $0x2000, $0x38;
	[tilespmem:$0x6220] =	vst v63  }
0x2f: {  	_ =	swait.ge @p2 [sflag:s1], $0x2000  }
0x30: {  	[sflag:s1] =	ssyncset.done @p2 $0x0  }
0x31: {  	[sflag:s1] =	ssyncadd.s32 @p2 $0xFFFFE000  }
0x32: {  	s0 =	simm.s32 $0x0  }
0x33: {  	[tilespmem:s0], [sflag:$0x1] =	stream.linear.gather [hbm4b:s8+s0], $0x2000, $0x38;
	[tilespmem:$0x6220] =	vst v63  }
0x34: {  	s1 =	simm.s32 $0x0;
	s0 =	simm.s32 $0x40  }
.LBB2_3:
0x35: {  	p6 =	sne.s32 s0, $0x2CC0;
	[tilespmem:s1+$0x2000] =	vst v8;
	s1 =	smov.u32 s0;
	s0 =	sadd.s32 $0x40, s0  }
.Ltmp3:
0x36: {  	(pc) =	sbr.rel @p6 .LBB2_3-.Ltmp3, $2  }
0x37: {  	_ =	sdelay $0x2  }
0x38: {  	s1 =	sshra.s32 s1, $0x2  }
0x39: {  	[tilespmem:s1+$0x2000] =	vst v8;
	p6 =	sgt.s32 s16, $0x0;
	s0 =	smov.u32 s16  }
0x3a: {  	_ =	swait.ge [sflag:s20], $0x2000;
	s0 =	simm.s32 @!p6 $0x0  }
0x3b: {  	[sflag:s20] =	ssyncset.done $0x0;
	s0 =	smin.u32 s0, $0x3F  }
0x3c: {  	[sflag:s20] =	ssyncadd.s32 $0xFFFFE000;
	s0 =	sshll.u32 s0, $0x7  }
0x3d: {  	v11 =	vld [tilespmem:s0+$0x0]  }
0x3e: {  	s25 =	simm.s32 $0x4  }
0x3f: {  	v12 =	vadd.s32 s25, v9  }
0x40: {  	s1 =	simm.f32 $1.000000000e+00;
	p6 =	slt.u32 s16, $0x40  }
0x41: {  	s1 =	simm.s32 @!p6 $0x0  }
0x42: {  	v13 =	vmov s1;
	vm0 =	vgt.f32 v11, $0.0e+00  }
0x43: {  	v14 =	vnsel vm0, $0x0, v13  }
0x44: {  	[tilespmem:v12+s5+$0x0] =	vst.idx.msk $0xffff, v14  }
0x45: {  	v12 =	vld [tilespmem:s0+$0x10]  }
0x46: {  	s29 =	simm.s32 $0x14  }
0x47: {  	v14 =	vadd.s32 s29, v9;
	_ =	sdelay $0x2  }
0x48: {  	vm13 =	vgt.f32 v12, $0.0e+00  }
0x49: {  	v15 =	vnsel vm13, $0x0, v13  }
0x4a: {  	[tilespmem:v14+s5+$0x0] =	vst.idx.msk $0xffff, v15  }
0x4b: {  	v14 =	vld [tilespmem:s0+$0x20]  }
0x4c: {  	s10 =	simm.s32 $0x24  }
0x4d: {  	v15 =	vadd.s32 s10, v9;
	_ =	sdelay $0x2  }
0x4e: {  	vm14 =	vgt.f32 v14, $0.0e+00  }
0x4f: {  	p6 =	slt.s32 s16, s17;
	s1 =	simm.f32 $1.000000000e+00;
	v16 =	vnsel vm14, $0x0, v13  }
0x50: {  	s1 =	simm.s32 @!p6 $0x0;
	p6 =	sge.s32 s16, s3;
	[tilespmem:v15+s5+$0x0] =	vst.idx.msk $0xffff, v16  }
0x51: {  	s1 =	simm.s32 @!p6 $0x0;
	v15 =	vld [tilespmem:s0+$0x30]  }
0x52: {  	s23 =	simm.s32 $0x34;
	s10 =	sadd.f32 $-1.000000000e+00, s1  }
0x53: {  	v16 =	vadd.s32 s23, v9  }
0x54: {  	s30 =	sadd.s32 $0x1, s16;
	v17 =	vmul.f32 s1, v11;
	v12 =	vmul.f32 s1, v12;
	s24 =	smul.f32 $1.000000020e+30, s10  }
0x55: {  	p6 =	sgt.s32 s30, $0x0;
	v11 =	vimm.f32 $-1.000000020e+30;
	s10 =	smov.u32 s30;
	v14 =	vmul.f32 s1, v14  }
0x56: {  	s10 =	simm.s32 @!p6 $0x0;
	v17 =	vadd.f32 s24, v17;
	v18 =	vadd.f32 s24, v12;
	vm15 =	vgt.f32 v15, $0.0e+00  }
0x57: {  	s28 =	simm.s32 $0x7C;
	s29 =	smin.u32 s10, $0x3F;
	v14 =	vadd.f32 s24, v14;
	v15 =	vmul.f32 s1, v15;
	v13 =	vnsel vm15, $0x0, v13  }
0x58: {  	s25 =	simm.f32 $1.000000000e+00;
	p6 =	slt.s32 s30, s17;
	s31 =	sshll.u32 s29, $0x7;
	v12 =	vmax.f32 v11, v17;
	[tilespmem:v16+s5+$0x0] =	vst.idx.msk $0xffff, v13  }
0x59: {  	s25 =	simm.s32 @!p6 $0x0;
	s0 =	sadd.s32 $0x1, s30;
	v14 =	vmax.f32 v11, v14;
	s1 =	simm.s32 $0xC4;
	v13 =	vmax.f32 v11, v18;
	v16 =	vadd.f32 s24, v15;
	v15 =	vld [tilespmem:s31+$0x0]  }
.LBB2_5:
0x5a: {  	p6 =	slt.s32 s0, s17  }
0x5b: {  	p0 =	sge.s32 s30, s3;
	s24 =	sadd.s32 $0xFFFFFFD0, s28;
	s10 =	smov.u32 s1  }
0x5c: {  	v11 =	vmax.f32 v11, v16;
	s23 =	sadd.s32 $0x48, s1;
	s29 =	smov.u32 s25;
	s25 =	simm.f32 $1.000000000e+00  }
0x5d: {  	s29 =	simm.s32 @!p0 $0x0;
	s25 =	simm.s32 @!p6 $0x0;
	v16 =	vadd.s32 s24, v9;
	p6 =	sne.s32 s1, $0xB2C  }
0x5e: {  	p0 =	slt.u32 s30, $0x40;
	s24 =	simm.f32 $1.000000000e+00;
	s1 =	sadd.f32 $-1.000000000e+00, s29  }
0x5f: {  	s30 =	smov.u32 s0;
	s24 =	simm.s32 @!p0 $0x0  }
0x60: {  	v17 =	vmov s24;
	vm0 =	vgt.f32 v15, $0.0e+00;
	v15 =	vmul.f32 s29, v15;
	s1 =	smul.f32 $1.000000020e+30, s1  }
0x61: {  	v18 =	vnsel vm0, $0x0, v17  }
0x62: {  	[tilespmem:v16+s5+$0x0] =	vst.idx.msk $0xffff, v18;
	v15 =	vadd.f32 s1, v15  }
0x63: {  	v16 =	vld [tilespmem:s31+$0x10]  }
0x64: {  	s24 =	sadd.s32 $0xFFFFFFE0, s28;
	v12 =	vmax.f32 v12, v15  }
0x65: {  	v15 =	vadd.s32 s24, v9;
	_ =	sdelay $0x2  }
0x66: {  	vm0 =	vgt.f32 v16, $0.0e+00;
	v16 =	vmul.f32 s29, v16  }
0x67: {  	v18 =	vnsel vm0, $0x0, v17  }
0x68: {  	[tilespmem:v15+s5+$0x0] =	vst.idx.msk $0xffff, v18;
	v15 =	vadd.f32 s1, v16  }
0x69: {  	v16 =	vld [tilespmem:s31+$0x20]  }
0x6a: {  	s24 =	sadd.s32 $0xFFFFFFF0, s28;
	v13 =	vmax.f32 v13, v15  }
0x6b: {  	v15 =	vadd.s32 s24, v9;
	_ =	sdelay $0x2  }
0x6c: {  	vm0 =	vgt.f32 v16, $0.0e+00;
	v16 =	vmul.f32 s29, v16  }
0x6d: {  	v18 =	vnsel vm0, $0x0, v17  }
0x6e: {  	[tilespmem:v15+s5+$0x0] =	vst.idx.msk $0xffff, v18;
	v15 =	vadd.f32 s1, v16  }
0x6f: {  	v16 =	vld [tilespmem:s31+$0x30]  }
0x70: {  	v14 =	vmax.f32 v14, v15  }
0x71: {  	v15 =	vadd.s32 s28, v9;
	s28 =	smov.u32 s10;
	_ =	sdelay $0x1  }
.Ltmp4:
0x72: {  	p0 =	sgt.s32 s0, $0x0;
	s10 =	smov.u32 s0;
	(pc) =	sbr.rel @p6 .LBB2_5-.Ltmp4, $4  }
0x73: {  	s10 =	simm.s32 @!p0 $0x0;
	vm0 =	vgt.f32 v16, $0.0e+00;
	v16 =	vmul.f32 s29, v16  }
0x74: {  	s10 =	smin.u32 s10, $0x3F;
	v17 =	vnsel vm0, $0x0, v17  }
0x75: {  	s31 =	sshll.u32 s10, $0x7;
	[tilespmem:v15+s5+$0x0] =	vst.idx.msk $0xffff, v17;
	v16 =	vadd.f32 s1, v16  }
0x76: {  	s0 =	sadd.s32 $0x1, s0;
	s1 =	smov.u32 s23;
	v15 =	vld [tilespmem:s31+$0x0]  }
0x77: {  	s0 =	sadd.s32 $0xFFFFFFD0, s28  }
0x78: {  	v17 =	vadd.s32 s0, v9  }
0x79: {  	p0 =	slt.u32 s30, $0x40;
	s0 =	simm.f32 $1.000000000e+00  }
0x7a: {  	s0 =	simm.s32 @!p0 $0x0  }
0x7b: {  	v20 =	vmov s0;
	vm0 =	vgt.f32 v15, $0.0e+00  }
0x7c: {  	v18 =	vnsel vm0, $0x0, v20  }
0x7d: {  	[tilespmem:v17+s5+$0x0] =	vst.idx.msk $0xffff, v18  }
0x7e: {  	v17 =	vld [tilespmem:s31+$0x10]  }
0x7f: {  	s23 =	sadd.s32 $0xFFFFFFE0, s28  }
0x80: {  	v18 =	vadd.s32 s23, v9;
	_ =	sdelay $0x2  }
0x81: {  	vm13 =	vgt.f32 v17, $0.0e+00  }
0x82: {  	v19 =	vnsel vm13, $0x0, v20  }
0x83: {  	[tilespmem:v18+s5+$0x0] =	vst.idx.msk $0xffff, v19  }
0x84: {  	v18 =	vld [tilespmem:s31+$0x20]  }
0x85: {  	s24 =	sadd.s32 $0xFFFFFFF0, s28  }
0x86: {  	v19 =	vadd.s32 s24, v9;
	_ =	sdelay $0x2  }
0x87: {  	vm14 =	vgt.f32 v18, $0.0e+00  }
0x88: {  	v21 =	vnsel vm14, $0x0, v20  }
0x89: {  	[tilespmem:v19+s5+$0x0] =	vst.idx.msk $0xffff, v21  }
0x8a: {  	v19 =	vld [tilespmem:s31+$0x30];
	_ =	sdelay $0x1  }
0x8b: {  	v59 =	vadd.s32 s28, v9;
	s1 =	simm.s32 $0x0  }
0x8c: {  	v22 =	vadd.s32 s1, v9  }
0x8d: {  	s10 =	simm.s32 $0x1  }
0x8e: {  	v23 =	vadd.s32 s10, v9;
	vm15 =	vgt.f32 v19, $0.0e+00  }
0x8f: {  	s23 =	simm.s32 $0x2;
	v20 =	vnsel vm15, $0x0, v20  }
0x90: {  	v60 =	vadd.s32 s23, v9;
	[tilespmem:v59+s5+$0x0] =	vst.idx.msk $0xffff, v20  }
0x91: {  	s24 =	simm.s32 $0x3;
	v21 =	vld.idx.msk [tilespmem:v22+s5+$0x0], $0xffff  }
0x92: {  	v61 =	vadd.s32 s24, v9  }
0x93: {  	v23 =	vld.idx.msk [tilespmem:v23+s5+$0x0], $0xffff  }
0x94: {  	s31 =	simm.s32 $0x5  }
0x95: {  	s1 =	simm.s32 $0x4;
	v24 =	vadd.s32 s31, v9;
	v20 =	vld.idx.msk [tilespmem:v60+s5+$0x0], $0xffff  }
0x96: {  	v25 =	vadd.s32 s1, v9;
	v21 =	vmul.f32 $3.354626240e-04, v21  }
0x97: {  	s10 =	simm.s32 $0x6;
	v22 =	vld.idx.msk [tilespmem:v61+s5+$0x0], $0xffff  }
0x98: {  	v26 =	vadd.s32 s10, v9;
	v23 =	vmul.f32 $1.110899630e-02, v23;
	v21 =	vadd.f32 $0.0e+00, v21  }
0x99: {  	s23 =	simm.s32 $0x7  }
0x9a: {  	v62 =	vadd.s32 s23, v9;
	v24 =	vld.idx.msk [tilespmem:v24+s5+$0x0], $0xffff;
	v20 =	vmul.f32 $1.353352810e-01, v20;
	v21 =	vadd.f32 v23, v21  }
0x9b: {  	s24 =	simm.s32 $0x8;
	v25 =	vld.idx.msk [tilespmem:v25+s5+$0x0], $0xffff  }
0x9c: {  	v63 =	vadd.s32 s24, v9;
	v22 =	vmul.f32 $6.065306660e-01, v22;
	v20 =	vadd.f32 v20, v21  }
0x9d: {  	v26 =	vld.idx.msk [tilespmem:v26+s5+$0x0], $0xffff  }
0x9e: {  	v20 =	vadd.f32 v22, v20  }
0x9f: {  	v27 =	vld.idx.msk [tilespmem:v62+s5+$0x0], $0xffff  }
0xa0: {  	v28 =	vmul.f32 $6.065306660e-01, v24;
	v20 =	vadd.f32 v20, v25  }
0xa1: {  	v21 =	vld.idx.msk [tilespmem:v63+s5+$0x0], $0xffff  }
0xa2: {  	v29 =	vmul.f32 $1.353352810e-01, v26;
	v20 =	vadd.f32 v28, v20;
	_ =	sdelay $0x1  }
0xa3: {  	v22 =	vmul.f32 $1.110899630e-02, v27;
	v20 =	vadd.f32 v29, v20  }
0xa4: {  	s31 =	simm.s32 $0x10  }
0xa5: {  	v30 =	vadd.s32 s31, v9;
	v21 =	vmul.f32 $3.354626240e-04, v21;
	v20 =	vadd.f32 v22, v20  }
0xa6: {  	s1 =	simm.s32 $0x11  }
0xa7: {  	v31 =	vadd.s32 s1, v9;
	v20 =	vadd.f32 v21, v20  }
0xa8: {  	s28 =	simm.s32 $0x2BA0;
	s10 =	simm.s32 $0x12  }
0xa9: {  	v32 =	vadd.s32 s10, v9;
	[tilespmem:s28+$0xFFFFFFE0] =	vst v20  }
0xaa: {  	s23 =	simm.s32 $0x13;
	v22 =	vld.idx.msk [tilespmem:v30+s5+$0x0], $0xffff  }
0xab: {  	v33 =	vadd.s32 s23, v9  }
0xac: {  	v21 =	vld.idx.msk [tilespmem:v31+s5+$0x0], $0xffff  }
0xad: {  	s24 =	simm.s32 $0x15  }
0xae: {  	v34 =	vadd.s32 s24, v9;
	s31 =	simm.s32 $0x14;
	v20 =	vld.idx.msk [tilespmem:v32+s5+$0x0], $0xffff  }
0xaf: {  	v35 =	vadd.s32 s31, v9;
	v22 =	vmul.f32 $3.354626240e-04, v22  }
0xb0: {  	s10 =	simm.s32 $0x16;
	v23 =	vld.idx.msk [tilespmem:v33+s5+$0x0], $0xffff  }
0xb1: {  	v36 =	vadd.s32 s10, v9;
	v21 =	vmul.f32 $1.110899630e-02, v21;
	v22 =	vadd.f32 $0.0e+00, v22  }
0xb2: {  	s23 =	simm.s32 $0x17  }
0xb3: {  	v37 =	vadd.s32 s23, v9;
	v24 =	vld.idx.msk [tilespmem:v34+s5+$0x0], $0xffff;
	v20 =	vmul.f32 $1.353352810e-01, v20;
	v21 =	vadd.f32 v21, v22  }
0xb4: {  	s24 =	simm.s32 $0x18;
	v25 =	vld.idx.msk [tilespmem:v35+s5+$0x0], $0xffff  }
0xb5: {  	v38 =	vadd.s32 s24, v9;
	v23 =	vmul.f32 $6.065306660e-01, v23;
	v20 =	vadd.f32 v20, v21  }
0xb6: {  	v26 =	vld.idx.msk [tilespmem:v36+s5+$0x0], $0xffff  }
0xb7: {  	v20 =	vadd.f32 v23, v20  }
0xb8: {  	v22 =	vld.idx.msk [tilespmem:v37+s5+$0x0], $0xffff  }
0xb9: {  	v39 =	vmul.f32 $6.065306660e-01, v24;
	v20 =	vadd.f32 v20, v25  }
0xba: {  	v21 =	vld.idx.msk [tilespmem:v38+s5+$0x0], $0xffff  }
0xbb: {  	v40 =	vmul.f32 $1.353352810e-01, v26;
	v20 =	vadd.f32 v39, v20;
	_ =	sdelay $0x1  }
0xbc: {  	v22 =	vmul.f32 $1.110899630e-02, v22;
	v20 =	vadd.f32 v40, v20  }
0xbd: {  	s31 =	simm.s32 $0x20  }
0xbe: {  	v41 =	vadd.s32 s31, v9;
	v21 =	vmul.f32 $3.354626240e-04, v21;
	v20 =	vadd.f32 v22, v20  }
0xbf: {  	s1 =	simm.s32 $0x21  }
0xc0: {  	v42 =	vadd.s32 s1, v9;
	v20 =	vadd.f32 v21, v20  }
0xc1: {  	s10 =	simm.s32 $0x22  }
0xc2: {  	v43 =	vadd.s32 s10, v9;
	[tilespmem:s28+$0xFFFFFFF0] =	vst v20  }
0xc3: {  	s23 =	simm.s32 $0x23;
	v22 =	vld.idx.msk [tilespmem:v41+s5+$0x0], $0xffff  }
0xc4: {  	v44 =	vadd.s32 s23, v9  }
0xc5: {  	v21 =	vld.idx.msk [tilespmem:v42+s5+$0x0], $0xffff  }
0xc6: {  	s24 =	simm.s32 $0x25  }
0xc7: {  	v45 =	vadd.s32 s24, v9;
	s31 =	simm.s32 $0x24;
	v20 =	vld.idx.msk [tilespmem:v43+s5+$0x0], $0xffff  }
0xc8: {  	v46 =	vadd.s32 s31, v9;
	v22 =	vmul.f32 $3.354626240e-04, v22  }
0xc9: {  	s10 =	simm.s32 $0x26;
	v23 =	vld.idx.msk [tilespmem:v44+s5+$0x0], $0xffff  }
0xca: {  	v47 =	vadd.s32 s10, v9;
	v21 =	vmul.f32 $1.110899630e-02, v21;
	v22 =	vadd.f32 $0.0e+00, v22  }
0xcb: {  	s23 =	simm.s32 $0x27  }
0xcc: {  	v48 =	vadd.s32 s23, v9;
	v24 =	vld.idx.msk [tilespmem:v45+s5+$0x0], $0xffff;
	v20 =	vmul.f32 $1.353352810e-01, v20;
	v21 =	vadd.f32 v21, v22  }
0xcd: {  	s24 =	simm.s32 $0x28;
	v25 =	vld.idx.msk [tilespmem:v46+s5+$0x0], $0xffff  }
0xce: {  	v49 =	vadd.s32 s24, v9;
	v23 =	vmul.f32 $6.065306660e-01, v23;
	v20 =	vadd.f32 v20, v21  }
0xcf: {  	v26 =	vld.idx.msk [tilespmem:v47+s5+$0x0], $0xffff  }
0xd0: {  	v20 =	vadd.f32 v23, v20  }
0xd1: {  	v22 =	vld.idx.msk [tilespmem:v48+s5+$0x0], $0xffff  }
0xd2: {  	v50 =	vmul.f32 $6.065306660e-01, v24;
	v20 =	vadd.f32 v20, v25  }
0xd3: {  	v21 =	vld.idx.msk [tilespmem:v49+s5+$0x0], $0xffff  }
0xd4: {  	v51 =	vmul.f32 $1.353352810e-01, v26;
	v20 =	vadd.f32 v50, v20;
	_ =	sdelay $0x1  }
0xd5: {  	v22 =	vmul.f32 $1.110899630e-02, v22;
	v20 =	vadd.f32 v51, v20  }
0xd6: {  	s31 =	simm.s32 $0x30  }
0xd7: {  	v52 =	vadd.s32 s31, v9;
	v21 =	vmul.f32 $3.354626240e-04, v21;
	v20 =	vadd.f32 v22, v20  }
0xd8: {  	s1 =	simm.s32 $0x31  }
0xd9: {  	v53 =	vadd.s32 s1, v9;
	v20 =	vadd.f32 v21, v20  }
0xda: {  	s10 =	simm.s32 $0x32  }
0xdb: {  	v54 =	vadd.s32 s10, v9;
	[tilespmem:s28+$0x0] =	vst v20  }
0xdc: {  	s23 =	simm.s32 $0x33;
	v20 =	vld.idx.msk [tilespmem:v52+s5+$0x0], $0xffff  }
0xdd: {  	v55 =	vadd.s32 s23, v9  }
0xde: {  	v23 =	vld.idx.msk [tilespmem:v53+s5+$0x0], $0xffff  }
0xdf: {  	s24 =	simm.s32 $0x34  }
0xe0: {  	v56 =	vadd.s32 s24, v9;
	s31 =	simm.s32 $0x35;
	v21 =	vld.idx.msk [tilespmem:v54+s5+$0x0], $0xffff  }
0xe1: {  	v57 =	vadd.s32 s31, v9;
	v20 =	vmul.f32 $3.354626240e-04, v20  }
0xe2: {  	s1 =	simm.s32 $0x36;
	v22 =	vld.idx.msk [tilespmem:v55+s5+$0x0], $0xffff  }
0xe3: {  	v58 =	vadd.s32 s1, v9;
	v23 =	vmul.f32 $1.110899630e-02, v23;
	v20 =	vadd.f32 $0.0e+00, v20  }
0xe4: {  	s10 =	simm.s32 $0x37  }
0xe5: {  	v59 =	vadd.s32 s10, v9;
	v24 =	vld.idx.msk [tilespmem:v56+s5+$0x0], $0xffff;
	v21 =	vmul.f32 $1.353352810e-01, v21;
	v20 =	vadd.f32 v23, v20  }
0xe6: {  	p0 =	sge.s32 s30, s3;
	s23 =	simm.s32 $0x38;
	v25 =	vld.idx.msk [tilespmem:v57+s5+$0x0], $0xffff  }
0xe7: {  	s25 =	simm.s32 @!p0 $0x0;
	v60 =	vadd.s32 s23, v9;
	v22 =	vmul.f32 $6.065306660e-01, v22;
	v20 =	vadd.f32 v21, v20  }
0xe8: {  	s24 =	sadd.f32 $-1.000000000e+00, s25;
	v26 =	vld.idx.msk [tilespmem:v58+s5+$0x0], $0xffff  }
0xe9: {  	v20 =	vadd.f32 v22, v20  }
0xea: {  	v15 =	vmul.f32 s25, v15;
	s0 =	smul.f32 $1.000000020e+30, s24;
	v61 =	vld.idx.msk [tilespmem:v59+s5+$0x0], $0xffff  }
0xeb: {  	v17 =	vmul.f32 s25, v17;
	v62 =	vmul.f32 $6.065306660e-01, v25;
	v20 =	vadd.f32 v20, v24  }
0xec: {  	v18 =	vmul.f32 s25, v18;
	v15 =	vadd.f32 s0, v15;
	v19 =	vmul.f32 s25, v19;
	v21 =	vld.idx.msk [tilespmem:v60+s5+$0x0], $0xffff  }
0xed: {  	v17 =	vadd.f32 s0, v17;
	v63 =	vmul.f32 $1.353352810e-01, v26;
	v20 =	vadd.f32 v62, v20  }
0xee: {  	v16 =	vmax.f32 v11, v16;
	v18 =	vadd.f32 s0, v18;
	v19 =	vadd.f32 s0, v19  }
0xef: {  	v11 =	vmax.f32 v12, v15;
	v22 =	vmul.f32 $1.110899630e-02, v61;
	v20 =	vadd.f32 v63, v20  }
0xf0: {  	v12 =	vmax.f32 v13, v17;
	v13 =	vmax.f32 v14, v18;
	s25 =	simm.s32 $0x48;
	v14 =	vmax.f32 v16, v19  }
0xf1: {  	v16 =	vadd.s32 s25, v9;
	v21 =	vmul.f32 $3.354626240e-04, v21;
	v20 =	vadd.f32 v22, v20  }
0xf2: {  	s31 =	simm.s32 $0x49  }
0xf3: {  	s29 =	simm.s32 $0x80;
	s30 =	simm.s32 $0xC8;
	s0 =	simm.s32 $0x4A;
	v15 =	vadd.s32 s31, v9;
	v17 =	vadd.f32 v21, v20  }
.LBB2_7:
0xf4: {  	p6 =	sne.s32 s30, $0xB30  }
0xf5: {  	v18 =	vadd.s32 s0, v9;
	[tilespmem:s28+$0x10] =	vst v17;
	s28 =	sadd.s32 $0x80, s28;
	s31 =	smov.u32 s30;
	s30 =	sadd.s32 $0x48, s30  }
0xf6: {  	s0 =	sadd.s32 $0xFFFFFFCB, s29;
	v16 =	vld.idx.msk [tilespmem:v16+s5+$0x0], $0xffff  }
0xf7: {  	v17 =	vadd.s32 s0, v9  }
0xf8: {  	v15 =	vld.idx.msk [tilespmem:v15+s5+$0x0], $0xffff  }
0xf9: {  	s0 =	sadd.s32 $0xFFFFFFCD, s29  }
0xfa: {  	s1 =	sadd.s32 $0xFFFFFFCC, s29;
	v19 =	vadd.s32 s0, v9;
	v18 =	vld.idx.msk [tilespmem:v18+s5+$0x0], $0xffff  }
0xfb: {  	v20 =	vadd.s32 s1, v9  }
0xfc: {  	s0 =	sadd.s32 $0xFFFFFFCE, s29;
	v16 =	vmul.f32 $3.354626240e-04, v16;
	v17 =	vld.idx.msk [tilespmem:v17+s5+$0x0], $0xffff  }
0xfd: {  	v21 =	vadd.s32 s0, v9  }
0xfe: {  	s0 =	sadd.s32 $0xFFFFFFCF, s29;
	v16 =	vadd.f32 $0.0e+00, v16;
	v15 =	vmul.f32 $1.110899630e-02, v15  }
0xff: {  	v22 =	vadd.s32 s0, v9;
	v19 =	vld.idx.msk [tilespmem:v19+s5+$0x0], $0xffff  }
0x100: {  	s0 =	sadd.s32 $0xFFFFFFD0, s29;
	v15 =	vadd.f32 v15, v16;
	v16 =	vmul.f32 $1.353352810e-01, v18;
	v18 =	vld.idx.msk [tilespmem:v20+s5+$0x0], $0xffff  }
0x101: {  	v20 =	vadd.s32 s0, v9  }
0x102: {  	v15 =	vadd.f32 v16, v15;
	v16 =	vmul.f32 $6.065306660e-01, v17;
	v17 =	vld.idx.msk [tilespmem:v21+s5+$0x0], $0xffff;
	_ =	sdelay $0x1  }
0x103: {  	v15 =	vadd.f32 v16, v15;
	v16 =	vld.idx.msk [tilespmem:v22+s5+$0x0], $0xffff;
	_ =	sdelay $0x1  }
0x104: {  	v15 =	vadd.f32 v15, v18;
	v18 =	vmul.f32 $6.065306660e-01, v19;
	v19 =	vld.idx.msk [tilespmem:v20+s5+$0x0], $0xffff;
	_ =	sdelay $0x1  }
0x105: {  	v15 =	vadd.f32 v18, v15;
	v17 =	vmul.f32 $1.353352810e-01, v17;
	_ =	sdelay $0x1  }
0x106: {  	v15 =	vadd.f32 v17, v15;
	v16 =	vmul.f32 $1.110899630e-02, v16  }
0x107: {  	s0 =	sadd.s32 $0xFFFFFFD8, s29  }
0x108: {  	v17 =	vadd.s32 s0, v9;
	v15 =	vadd.f32 v16, v15;
	v16 =	vmul.f32 $3.354626240e-04, v19  }
0x109: {  	s0 =	sadd.s32 $0xFFFFFFD9, s29  }
0x10a: {  	v15 =	vadd.f32 v16, v15;
	v16 =	vadd.s32 s0, v9  }
0x10b: {  	s0 =	sadd.s32 $0xFFFFFFDA, s29  }
0x10c: {  	[tilespmem:s28+$0xFFFFFFE0] =	vst v15;
	v15 =	vadd.s32 s0, v9  }
0x10d: {  	s0 =	sadd.s32 $0xFFFFFFDB, s29;
	v17 =	vld.idx.msk [tilespmem:v17+s5+$0x0], $0xffff  }
0x10e: {  	v18 =	vadd.s32 s0, v9  }
0x10f: {  	v16 =	vld.idx.msk [tilespmem:v16+s5+$0x0], $0xffff  }
0x110: {  	s0 =	sadd.s32 $0xFFFFFFDD, s29  }
0x111: {  	s1 =	sadd.s32 $0xFFFFFFDC, s29;
	v19 =	vadd.s32 s0, v9;
	v15 =	vld.idx.msk [tilespmem:v15+s5+$0x0], $0xffff  }
0x112: {  	v20 =	vadd.s32 s1, v9  }
0x113: {  	s0 =	sadd.s32 $0xFFFFFFDE, s29;
	v17 =	vmul.f32 $3.354626240e-04, v17;
	v18 =	vld.idx.msk [tilespmem:v18+s5+$0x0], $0xffff  }
0x114: {  	v21 =	vadd.s32 s0, v9  }
0x115: {  	s0 =	sadd.s32 $0xFFFFFFDF, s29;
	v17 =	vadd.f32 $0.0e+00, v17;
	v16 =	vmul.f32 $1.110899630e-02, v16  }
0x116: {  	v22 =	vadd.s32 s0, v9;
	v19 =	vld.idx.msk [tilespmem:v19+s5+$0x0], $0xffff  }
0x117: {  	s0 =	sadd.s32 $0xFFFFFFE0, s29;
	v16 =	vadd.f32 v16, v17;
	v15 =	vmul.f32 $1.353352810e-01, v15;
	v17 =	vld.idx.msk [tilespmem:v20+s5+$0x0], $0xffff  }
0x118: {  	v20 =	vadd.s32 s0, v9  }
0x119: {  	v15 =	vadd.f32 v15, v16;
	v16 =	vmul.f32 $6.065306660e-01, v18;
	v18 =	vld.idx.msk [tilespmem:v21+s5+$0x0], $0xffff;
	_ =	sdelay $0x1  }
0x11a: {  	v15 =	vadd.f32 v16, v15;
	v16 =	vld.idx.msk [tilespmem:v22+s5+$0x0], $0xffff;
	_ =	sdelay $0x1  }
0x11b: {  	v15 =	vadd.f32 v15, v17;
	v17 =	vmul.f32 $6.065306660e-01, v19;
	v19 =	vld.idx.msk [tilespmem:v20+s5+$0x0], $0xffff;
	_ =	sdelay $0x1  }
0x11c: {  	v15 =	vadd.f32 v17, v15;
	v17 =	vmul.f32 $1.353352810e-01, v18;
	_ =	sdelay $0x1  }
0x11d: {  	v15 =	vadd.f32 v17, v15;
	v16 =	vmul.f32 $1.110899630e-02, v16  }
0x11e: {  	s0 =	sadd.s32 $0xFFFFFFE8, s29  }
0x11f: {  	v17 =	vadd.s32 s0, v9;
	v15 =	vadd.f32 v16, v15;
	v16 =	vmul.f32 $3.354626240e-04, v19  }
0x120: {  	s0 =	sadd.s32 $0xFFFFFFE9, s29  }
0x121: {  	v15 =	vadd.f32 v16, v15;
	v16 =	vadd.s32 s0, v9  }
0x122: {  	s0 =	sadd.s32 $0xFFFFFFEA, s29  }
0x123: {  	[tilespmem:s28+$0xFFFFFFF0] =	vst v15;
	v15 =	vadd.s32 s0, v9  }
0x124: {  	s0 =	sadd.s32 $0xFFFFFFEB, s29;
	v17 =	vld.idx.msk [tilespmem:v17+s5+$0x0], $0xffff  }
0x125: {  	v18 =	vadd.s32 s0, v9  }
0x126: {  	v16 =	vld.idx.msk [tilespmem:v16+s5+$0x0], $0xffff  }
0x127: {  	s0 =	sadd.s32 $0xFFFFFFED, s29  }
0x128: {  	s1 =	sadd.s32 $0xFFFFFFEC, s29;
	v19 =	vadd.s32 s0, v9;
	v15 =	vld.idx.msk [tilespmem:v15+s5+$0x0], $0xffff  }
0x129: {  	v20 =	vadd.s32 s1, v9  }
0x12a: {  	s0 =	sadd.s32 $0xFFFFFFEE, s29;
	v17 =	vmul.f32 $3.354626240e-04, v17;
	v18 =	vld.idx.msk [tilespmem:v18+s5+$0x0], $0xffff  }
0x12b: {  	v21 =	vadd.s32 s0, v9  }
0x12c: {  	s0 =	sadd.s32 $0xFFFFFFEF, s29;
	v17 =	vadd.f32 $0.0e+00, v17;
	v16 =	vmul.f32 $1.110899630e-02, v16  }
0x12d: {  	v22 =	vadd.s32 s0, v9;
	v19 =	vld.idx.msk [tilespmem:v19+s5+$0x0], $0xffff  }
0x12e: {  	s0 =	sadd.s32 $0xFFFFFFF0, s29;
	v16 =	vadd.f32 v16, v17;
	v15 =	vmul.f32 $1.353352810e-01, v15;
	v17 =	vld.idx.msk [tilespmem:v20+s5+$0x0], $0xffff  }
0x12f: {  	v20 =	vadd.s32 s0, v9  }
0x130: {  	v15 =	vadd.f32 v15, v16;
	v16 =	vmul.f32 $6.065306660e-01, v18;
	v18 =	vld.idx.msk [tilespmem:v21+s5+$0x0], $0xffff;
	_ =	sdelay $0x1  }
0x131: {  	v15 =	vadd.f32 v16, v15;
	v16 =	vld.idx.msk [tilespmem:v22+s5+$0x0], $0xffff;
	_ =	sdelay $0x1  }
0x132: {  	v15 =	vadd.f32 v15, v17;
	v17 =	vmul.f32 $6.065306660e-01, v19;
	v19 =	vld.idx.msk [tilespmem:v20+s5+$0x0], $0xffff;
	_ =	sdelay $0x1  }
0x133: {  	v15 =	vadd.f32 v17, v15;
	v17 =	vmul.f32 $1.353352810e-01, v18;
	_ =	sdelay $0x1  }
0x134: {  	v15 =	vadd.f32 v17, v15;
	v16 =	vmul.f32 $1.110899630e-02, v16  }
0x135: {  	s0 =	sadd.s32 $0xFFFFFFF8, s29  }
0x136: {  	v17 =	vadd.s32 s0, v9;
	s0 =	sadd.s32 $0xFFFFFFF9, s29;
	v15 =	vadd.f32 v16, v15;
	v16 =	vmul.f32 $3.354626240e-04, v19  }
0x137: {  	v18 =	vadd.s32 s0, v9;
	s0 =	sadd.s32 $0xFFFFFFFA, s29  }
0x138: {  	v15 =	vadd.f32 v16, v15;
	v16 =	vadd.s32 s0, v9;
	s0 =	sadd.s32 $0xFFFFFFFB, s29  }
0x139: {  	v19 =	vadd.s32 s0, v9;
	s0 =	sadd.s32 $0xFFFFFFFC, s29  }
0x13a: {  	[tilespmem:s28+$0x0] =	vst v15;
	v15 =	vadd.s32 s0, v9;
	s0 =	sadd.s32 $0xFFFFFFFD, s29  }
0x13b: {  	v17 =	vld.idx.msk [tilespmem:v17+s5+$0x0], $0xffff;
	v20 =	vadd.s32 s0, v9;
	s0 =	sadd.s32 $0xFFFFFFFE, s29  }
0x13c: {  	v18 =	vld.idx.msk [tilespmem:v18+s5+$0x0], $0xffff;
	v21 =	vadd.s32 s0, v9;
	s0 =	sadd.s32 $0xFFFFFFFF, s29  }
0x13d: {  	v16 =	vld.idx.msk [tilespmem:v16+s5+$0x0], $0xffff;
	v22 =	vadd.s32 s0, v9  }
0x13e: {  	v23 =	vadd.s32 s29, v9;
	s29 =	smov.u32 s31;
	v19 =	vld.idx.msk [tilespmem:v19+s5+$0x0], $0xffff  }
0x13f: {  	v15 =	vld.idx.msk [tilespmem:v15+s5+$0x0], $0xffff  }
0x140: {  	v20 =	vld.idx.msk [tilespmem:v20+s5+$0x0], $0xffff  }
0x141: {  	v17 =	vmul.f32 $3.354626240e-04, v17;
	v21 =	vld.idx.msk [tilespmem:v21+s5+$0x0], $0xffff  }
0x142: {  	v22 =	vld.idx.msk [tilespmem:v22+s5+$0x0], $0xffff  }
0x143: {  	v18 =	vmul.f32 $1.110899630e-02, v18;
	v17 =	vadd.f32 $0.0e+00, v17;
	v23 =	vld.idx.msk [tilespmem:v23+s5+$0x0], $0xffff;
	_ =	sdelay $0x1  }
0x144: {  	v16 =	vmul.f32 $1.353352810e-01, v16;
	v17 =	vadd.f32 v18, v17;
	_ =	sdelay $0x1  }
0x145: {  	v16 =	vadd.f32 v16, v17;
	v17 =	vmul.f32 $6.065306660e-01, v19;
	_ =	sdelay $0x1  }
0x146: {  	v16 =	vadd.f32 v17, v16;
	_ =	sdelay $0x1  }
0x147: {  	v15 =	vadd.f32 v16, v15;
	v16 =	vmul.f32 $6.065306660e-01, v20;
	_ =	sdelay $0x1  }
0x148: {  	v15 =	vadd.f32 v16, v15;
	v16 =	vmul.f32 $1.353352810e-01, v21;
	_ =	sdelay $0x1  }
0x149: {  	v17 =	vmul.f32 $1.110899630e-02, v22;
	v15 =	vadd.f32 v16, v15  }
.Ltmp5:
0x14a: {  	s0 =	sadd.s32 $0xFFFFFFC8, s29;
	(pc) =	sbr.rel @p6 .LBB2_7-.Ltmp5, $4  }
0x14b: {  	v18 =	vmul.f32 $3.354626240e-04, v23;
	v16 =	vadd.s32 s0, v9;
	v17 =	vadd.f32 v17, v15  }
0x14c: {  	s0 =	sadd.s32 $0xFFFFFFC9, s29  }
0x14d: {  	v15 =	vadd.s32 s0, v9;
	v17 =	vadd.f32 v18, v17  }
0x14e: {  	s0 =	sadd.s32 $0xFFFFFFCA, s29  }
0x14f: {  	_ =	sdelay $0x2  }
0x150: {  	v18 =	vadd.s32 s0, v9;
	[tilespmem:s28+$0x10] =	vst v17  }
0x151: {  	s24 =	sadd.s32 $0xFFFFFFCB, s29;
	v16 =	vld.idx.msk [tilespmem:v16+s5+$0x0], $0xffff  }
0x152: {  	v17 =	vadd.s32 s24, v9  }
0x153: {  	v15 =	vld.idx.msk [tilespmem:v15+s5+$0x0], $0xffff  }
0x154: {  	s25 =	sadd.s32 $0xFFFFFFCD, s29  }
0x155: {  	s1 =	sadd.s32 $0xFFFFFFCC, s29;
	v19 =	vadd.s32 s25, v9;
	v18 =	vld.idx.msk [tilespmem:v18+s5+$0x0], $0xffff  }
0x156: {  	v20 =	vadd.s32 s1, v9;
	v16 =	vmul.f32 $3.354626240e-04, v16  }
0x157: {  	s30 =	sadd.s32 $0xFFFFFFCE, s29;
	v17 =	vld.idx.msk [tilespmem:v17+s5+$0x0], $0xffff  }
0x158: {  	v21 =	vadd.s32 s30, v9;
	v15 =	vmul.f32 $1.110899630e-02, v15;
	v16 =	vadd.f32 $0.0e+00, v16  }
0x159: {  	s31 =	sadd.s32 $0xFFFFFFCF, s29  }
0x15a: {  	v22 =	vadd.s32 s31, v9;
	v19 =	vld.idx.msk [tilespmem:v19+s5+$0x0], $0xffff;
	v15 =	vadd.f32 v15, v16;
	v16 =	vmul.f32 $1.353352810e-01, v18  }
0x15b: {  	s1 =	sadd.s32 $0xFFFFFFD0, s29;
	v18 =	vld.idx.msk [tilespmem:v20+s5+$0x0], $0xffff  }
0x15c: {  	v20 =	vadd.s32 s1, v9;
	v15 =	vadd.f32 v16, v15;
	v16 =	vmul.f32 $6.065306660e-01, v17  }
0x15d: {  	v17 =	vld.idx.msk [tilespmem:v21+s5+$0x0], $0xffff  }
0x15e: {  	v15 =	vadd.f32 v16, v15  }
0x15f: {  	v16 =	vld.idx.msk [tilespmem:v22+s5+$0x0], $0xffff  }
0x160: {  	v15 =	vadd.f32 v15, v18;
	v18 =	vmul.f32 $6.065306660e-01, v19  }
0x161: {  	v19 =	vld.idx.msk [tilespmem:v20+s5+$0x0], $0xffff  }
0x162: {  	v17 =	vmul.f32 $1.353352810e-01, v17;
	v15 =	vadd.f32 v18, v15;
	_ =	sdelay $0x1  }
0x163: {  	v16 =	vmul.f32 $1.110899630e-02, v16;
	v15 =	vadd.f32 v17, v15  }
0x164: {  	s10 =	sadd.s32 $0xFFFFFFD8, s29  }
0x165: {  	v17 =	vadd.s32 s10, v9;
	v15 =	vadd.f32 v16, v15;
	v16 =	vmul.f32 $3.354626240e-04, v19  }
0x166: {  	s23 =	sadd.s32 $0xFFFFFFD9, s29  }
0x167: {  	v15 =	vadd.f32 v16, v15;
	v16 =	vadd.s32 s23, v9  }
0x168: {  	s28 =	sadd.s32 $0x80, s28;
	s24 =	sadd.s32 $0xFFFFFFDA, s29  }
0x169: {  	[tilespmem:s28+$0xFFFFFFE0] =	vst v15;
	v15 =	vadd.s32 s24, v9  }
0x16a: {  	s25 =	sadd.s32 $0xFFFFFFDB, s29;
	v17 =	vld.idx.msk [tilespmem:v17+s5+$0x0], $0xffff  }
0x16b: {  	v18 =	vadd.s32 s25, v9  }
0x16c: {  	v16 =	vld.idx.msk [tilespmem:v16+s5+$0x0], $0xffff  }
0x16d: {  	s30 =	sadd.s32 $0xFFFFFFDD, s29  }
0x16e: {  	s31 =	sadd.s32 $0xFFFFFFDC, s29;
	v19 =	vadd.s32 s30, v9;
	v15 =	vld.idx.msk [tilespmem:v15+s5+$0x0], $0xffff  }
0x16f: {  	v20 =	vadd.s32 s31, v9;
	v17 =	vmul.f32 $3.354626240e-04, v17  }
0x170: {  	s10 =	sadd.s32 $0xFFFFFFDE, s29;
	v18 =	vld.idx.msk [tilespmem:v18+s5+$0x0], $0xffff  }
0x171: {  	v21 =	vadd.s32 s10, v9;
	v17 =	vadd.f32 $0.0e+00, v17;
	v16 =	vmul.f32 $1.110899630e-02, v16  }
0x172: {  	s23 =	sadd.s32 $0xFFFFFFDF, s29  }
0x173: {  	v22 =	vadd.s32 s23, v9;
	v19 =	vld.idx.msk [tilespmem:v19+s5+$0x0], $0xffff;
	v16 =	vadd.f32 v16, v17;
	v15 =	vmul.f32 $1.353352810e-01, v15  }
0x174: {  	s24 =	sadd.s32 $0xFFFFFFE0, s29;
	v17 =	vld.idx.msk [tilespmem:v20+s5+$0x0], $0xffff  }
0x175: {  	v20 =	vadd.s32 s24, v9;
	v15 =	vadd.f32 v15, v16;
	v16 =	vmul.f32 $6.065306660e-01, v18  }
0x176: {  	v18 =	vld.idx.msk [tilespmem:v21+s5+$0x0], $0xffff  }
0x177: {  	v15 =	vadd.f32 v16, v15  }
0x178: {  	v16 =	vld.idx.msk [tilespmem:v22+s5+$0x0], $0xffff  }
0x179: {  	v15 =	vadd.f32 v15, v17;
	v17 =	vmul.f32 $6.065306660e-01, v19  }
0x17a: {  	v19 =	vld.idx.msk [tilespmem:v20+s5+$0x0], $0xffff  }
0x17b: {  	v15 =	vadd.f32 v17, v15;
	v17 =	vmul.f32 $1.353352810e-01, v18;
	_ =	sdelay $0x1  }
0x17c: {  	v16 =	vmul.f32 $1.110899630e-02, v16;
	v15 =	vadd.f32 v17, v15  }
0x17d: {  	s25 =	sadd.s32 $0xFFFFFFE8, s29  }
0x17e: {  	v17 =	vadd.s32 s25, v9;
	v15 =	vadd.f32 v16, v15;
	v16 =	vmul.f32 $3.354626240e-04, v19  }
0x17f: {  	s30 =	sadd.s32 $0xFFFFFFE9, s29  }
0x180: {  	v15 =	vadd.f32 v16, v15;
	v16 =	vadd.s32 s30, v9  }
0x181: {  	s31 =	sadd.s32 $0xFFFFFFEA, s29  }
0x182: {  	[tilespmem:s28+$0xFFFFFFF0] =	vst v15;
	v15 =	vadd.s32 s31, v9  }
0x183: {  	s1 =	sadd.s32 $0xFFFFFFEB, s29;
	v17 =	vld.idx.msk [tilespmem:v17+s5+$0x0], $0xffff  }
0x184: {  	v18 =	vadd.s32 s1, v9  }
0x185: {  	v16 =	vld.idx.msk [tilespmem:v16+s5+$0x0], $0xffff  }
0x186: {  	s10 =	sadd.s32 $0xFFFFFFED, s29  }
0x187: {  	s23 =	sadd.s32 $0xFFFFFFEC, s29;
	v19 =	vadd.s32 s10, v9;
	v15 =	vld.idx.msk [tilespmem:v15+s5+$0x0], $0xffff  }
0x188: {  	v20 =	vadd.s32 s23, v9;
	v17 =	vmul.f32 $3.354626240e-04, v17  }
0x189: {  	s24 =	sadd.s32 $0xFFFFFFEE, s29;
	v18 =	vld.idx.msk [tilespmem:v18+s5+$0x0], $0xffff  }
0x18a: {  	v21 =	vadd.s32 s24, v9;
	v17 =	vadd.f32 $0.0e+00, v17;
	v16 =	vmul.f32 $1.110899630e-02, v16  }
0x18b: {  	s25 =	sadd.s32 $0xFFFFFFEF, s29  }
0x18c: {  	v22 =	vadd.s32 s25, v9;
	v19 =	vld.idx.msk [tilespmem:v19+s5+$0x0], $0xffff;
	v16 =	vadd.f32 v16, v17;
	v15 =	vmul.f32 $1.353352810e-01, v15  }
0x18d: {  	s30 =	sadd.s32 $0xFFFFFFF0, s29;
	v17 =	vld.idx.msk [tilespmem:v20+s5+$0x0], $0xffff  }
0x18e: {  	v20 =	vadd.s32 s30, v9;
	v15 =	vadd.f32 v15, v16;
	v16 =	vmul.f32 $6.065306660e-01, v18  }
0x18f: {  	v18 =	vld.idx.msk [tilespmem:v21+s5+$0x0], $0xffff  }
0x190: {  	v15 =	vadd.f32 v16, v15  }
0x191: {  	v16 =	vld.idx.msk [tilespmem:v22+s5+$0x0], $0xffff  }
0x192: {  	v15 =	vadd.f32 v15, v17;
	v17 =	vmul.f32 $6.065306660e-01, v19  }
0x193: {  	v19 =	vld.idx.msk [tilespmem:v20+s5+$0x0], $0xffff  }
0x194: {  	v15 =	vadd.f32 v17, v15;
	v17 =	vmul.f32 $1.353352810e-01, v18;
	_ =	sdelay $0x1  }
0x195: {  	v16 =	vmul.f32 $1.110899630e-02, v16;
	v15 =	vadd.f32 v17, v15  }
0x196: {  	s31 =	sadd.s32 $0xFFFFFFF8, s29  }
0x197: {  	v17 =	vadd.s32 s31, v9;
	v15 =	vadd.f32 v16, v15;
	v16 =	vmul.f32 $3.354626240e-04, v19  }
0x198: {  	s1 =	sadd.s32 $0xFFFFFFF9, s29  }
0x199: {  	v18 =	vadd.s32 s1, v9;
	v15 =	vadd.f32 v16, v15  }
0x19a: {  	s10 =	sadd.s32 $0xFFFFFFFA, s29  }
0x19b: {  	v16 =	vadd.s32 s10, v9;
	[tilespmem:s28+$0x0] =	vst v15  }
0x19c: {  	s23 =	sadd.s32 $0xFFFFFFFB, s29;
	v15 =	vld.idx.msk [tilespmem:v17+s5+$0x0], $0xffff  }
0x19d: {  	v17 =	vadd.s32 s23, v9  }
0x19e: {  	v18 =	vld.idx.msk [tilespmem:v18+s5+$0x0], $0xffff  }
0x19f: {  	s24 =	sadd.s32 $0xFFFFFFFC, s29  }
0x1a0: {  	s25 =	sadd.s32 $0xFFFFFFFD, s29;
	v19 =	vadd.s32 s24, v9;
	v16 =	vld.idx.msk [tilespmem:v16+s5+$0x0], $0xffff  }
0x1a1: {  	v20 =	vadd.s32 s25, v9;
	v15 =	vmul.f32 $3.354626240e-04, v15  }
0x1a2: {  	s30 =	sadd.s32 $0xFFFFFFFE, s29;
	v17 =	vld.idx.msk [tilespmem:v17+s5+$0x0], $0xffff  }
0x1a3: {  	v21 =	vadd.s32 s30, v9;
	v18 =	vmul.f32 $1.110899630e-02, v18;
	v15 =	vadd.f32 $0.0e+00, v15  }
0x1a4: {  	s31 =	sadd.s32 $0xFFFFFFFF, s29  }
0x1a5: {  	v22 =	vadd.s32 s31, v9;
	v19 =	vld.idx.msk [tilespmem:v19+s5+$0x0], $0xffff;
	v16 =	vmul.f32 $1.353352810e-01, v16;
	v15 =	vadd.f32 v18, v15  }
0x1a6: {  	v18 =	vld.idx.msk [tilespmem:v20+s5+$0x0], $0xffff  }
0x1a7: {  	v20 =	vadd.s32 s29, v9;
	v15 =	vadd.f32 v16, v15;
	v16 =	vmul.f32 $6.065306660e-01, v17  }
0x1a8: {  	v17 =	vld.idx.msk [tilespmem:v21+s5+$0x0], $0xffff  }
0x1a9: {  	v15 =	vadd.f32 v16, v15  }
0x1aa: {  	v16 =	vld.idx.msk [tilespmem:v22+s5+$0x0], $0xffff  }
0x1ab: {  	v18 =	vmul.f32 $6.065306660e-01, v18;
	v15 =	vadd.f32 v15, v19  }
0x1ac: {  	v19 =	vld.idx.msk [tilespmem:v20+s5+$0x0], $0xffff  }
0x1ad: {  	v17 =	vmul.f32 $1.353352810e-01, v17;
	v15 =	vadd.f32 v18, v15;
	_ =	sdelay $0x1  }
0x1ae: {  	v16 =	vmul.f32 $1.110899630e-02, v16;
	v15 =	vadd.f32 v17, v15;
	_ =	sdelay $0x1  }
0x1af: {  	v15 =	vadd.f32 v16, v15;
	v16 =	vmul.f32 $3.354626240e-04, v19;
	_ =	sdelay $0x1  }
0x1b0: {  	v15 =	vadd.f32 v16, v15;
	_ =	sdelay $0x1  }
0x1b1: {  	[tilespmem:s28+$0x10] =	vst v15;
	s28 =	simm.s32 $0x0  }
0x1b2: {  	v20 =	vld [tilespmem:s28+$0x2F90]  }
0x1b3: {  	v22 =	vld [tilespmem:s28+$0x2F80]  }
0x1b4: {  	v21 =	vld [tilespmem:s28+$0x2F10]  }
0x1b5: {  	v24 =	vld [tilespmem:s28+$0x2F00]  }
0x1b6: {  	v23 =	vld [tilespmem:s28+$0x2E90]  }
0x1b7: {  	v16 =	vld [tilespmem:s28+$0x2DB0]  }
0x1b8: {  	v26 =	vld [tilespmem:s28+$0x2E80]  }
0x1b9: {  	v17 =	vld [tilespmem:s28+$0x2DA0]  }
0x1ba: {  	v18 =	vld [tilespmem:s28+$0x2D90]  }
0x1bb: {  	v19 =	vld [tilespmem:s28+$0x2D80]  }
0x1bc: {  	v30 =	vld [tilespmem:s28+$0x2D10]  }
0x1bd: {  	v31 =	vld [tilespmem:s28+$0x2D00]  }
0x1be: {  	v29 =	vld [tilespmem:s28+$0x2C90]  }
0x1bf: {  	v28 =	vld [tilespmem:s28+$0x2C80]  }
0x1c0: {  	v25 =	vld [tilespmem:s28+$0x2C10]  }
0x1c1: {  	s29 =	simm.s32 $0x200;
	v15 =	vimm.f32 $0.0e+00;
	v27 =	vld [tilespmem:s28+$0x2C00]  }
.LBB2_9:
0x1c2: {  	p6 =	sne.s32 s29, $0x3E00;
	v32 =	vld [tilespmem:s28+$0x2B80]  }
0x1c3: {  	v33 =	vmul.f32 $3.354626240e-04, v22;
	v34 =	vmul.f32 $3.354626240e-04, v20;
	v22 =	vld [tilespmem:s28+$0x2B90]  }
0x1c4: {  	v24 =	vmul.f32 $1.110899630e-02, v24;
	v35 =	vmul.f32 $1.110899630e-02, v21;
	v20 =	vld [tilespmem:s28+$0x2BA0]  }
0x1c5: {  	v21 =	vmul.f32 $1.353352810e-01, v26;
	v23 =	vmul.f32 $1.353352810e-01, v23;
	v26 =	vld [tilespmem:s28+$0x2BB0]  }
0x1c6: {  	v31 =	vmul.f32 $6.065306660e-01, v31;
	v30 =	vmul.f32 $6.065306660e-01, v30;
	v36 =	vld [tilespmem:s28+$0x2C20]  }
0x1c7: {  	v29 =	vmul.f32 $1.353352810e-01, v29;
	v32 =	vmul.f32 $3.354626240e-04, v32;
	v37 =	vld [tilespmem:s28+$0x2C30]  }
0x1c8: {  	v28 =	vmul.f32 $1.353352810e-01, v28;
	v22 =	vmul.f32 $3.354626240e-04, v22;
	v38 =	vld [tilespmem:s28+$0x2CA0]  }
0x1c9: {  	v27 =	vmul.f32 $1.110899630e-02, v27;
	v32 =	vadd.f32 $0.0e+00, v32;
	v20 =	vmul.f32 $3.354626240e-04, v20;
	v39 =	vld [tilespmem:s28+$0x2CB0]  }
0x1ca: {  	v25 =	vmul.f32 $1.110899630e-02, v25;
	v22 =	vadd.f32 $0.0e+00, v22;
	v40 =	vld [tilespmem:s28+$0x2D20];
	v26 =	vmul.f32 $3.354626240e-04, v26  }
0x1cb: {  	v27 =	vadd.f32 v27, v32;
	v20 =	vadd.f32 $0.0e+00, v20;
	v32 =	vmul.f32 $1.110899630e-02, v36;
	v36 =	vld [tilespmem:s28+$0x2D30]  }
0x1cc: {  	v41 =	vld [tilespmem:s28+$0x2E00];
	v22 =	vadd.f32 v25, v22;
	v25 =	vadd.f32 $0.0e+00, v26;
	v26 =	vmul.f32 $1.110899630e-02, v37  }
0x1cd: {  	v27 =	vadd.f32 v28, v27;
	v28 =	vld [tilespmem:s28+$0x2E10];
	v20 =	vadd.f32 v32, v20;
	v32 =	vmul.f32 $1.353352810e-01, v38  }
0x1ce: {  	v22 =	vadd.f32 v29, v22;
	v29 =	vld [tilespmem:s28+$0x2E20];
	v25 =	vadd.f32 v26, v25;
	v26 =	vmul.f32 $1.353352810e-01, v39  }
0x1cf: {  	v27 =	vadd.f32 v31, v27;
	v20 =	vadd.f32 v32, v20;
	v31 =	vmul.f32 $6.065306660e-01, v40;
	v32 =	vld [tilespmem:s28+$0x2E30]  }
0x1d0: {  	v22 =	vadd.f32 v30, v22;
	v30 =	vld [tilespmem:s28+$0x2EA0];
	v25 =	vadd.f32 v26, v25;
	v26 =	vmul.f32 $6.065306660e-01, v36  }
0x1d1: {  	v19 =	vadd.f32 v27, v19;
	v27 =	vmul.f32 $6.065306660e-01, v41;
	v20 =	vadd.f32 v31, v20;
	v31 =	vld [tilespmem:s28+$0x2EB0]  }
0x1d2: {  	v18 =	vadd.f32 v22, v18;
	v22 =	vmul.f32 $6.065306660e-01, v28;
	v28 =	vld [tilespmem:s28+$0x2F20];
	v25 =	vadd.f32 v26, v25  }
0x1d3: {  	v19 =	vadd.f32 v27, v19;
	v17 =	vadd.f32 v20, v17;
	v20 =	vmul.f32 $6.065306660e-01, v29;
	v26 =	vld [tilespmem:s28+$0x2F30]  }
0x1d4: {  	v18 =	vadd.f32 v22, v18;
	v27 =	vld [tilespmem:s28+$0x2FA0];
	v16 =	vadd.f32 v25, v16;
	v22 =	vmul.f32 $6.065306660e-01, v32  }
0x1d5: {  	s0 =	sshra.s32 s29, $0x2;
	v19 =	vadd.f32 v21, v19;
	v17 =	vadd.f32 v20, v17;
	v21 =	vmul.f32 $1.353352810e-01, v30;
	v25 =	vld [tilespmem:s28+$0x2FB0]  }
0x1d6: {  	v20 =	vld [tilespmem:s0+$0x2F90];
	v18 =	vadd.f32 v23, v18;
	v16 =	vadd.f32 v22, v16;
	v23 =	vmul.f32 $1.353352810e-01, v31  }
0x1d7: {  	v22 =	vld [tilespmem:s0+$0x2F80];
	v19 =	vadd.f32 v24, v19;
	v17 =	vadd.f32 v21, v17;
	v28 =	vmul.f32 $1.110899630e-02, v28  }
0x1d8: {  	v21 =	vld [tilespmem:s0+$0x2F10];
	v18 =	vadd.f32 v35, v18;
	v16 =	vadd.f32 v23, v16;
	v26 =	vmul.f32 $1.110899630e-02, v26  }
0x1d9: {  	v24 =	vld [tilespmem:s0+$0x2F00];
	v19 =	vadd.f32 v33, v19;
	v17 =	vadd.f32 v28, v17;
	v27 =	vmul.f32 $3.354626240e-04, v27  }
0x1da: {  	v23 =	vld [tilespmem:s0+$0x2E90];
	v18 =	vadd.f32 v34, v18;
	v28 =	vadd.f32 v26, v16;
	v25 =	vmul.f32 $3.354626240e-04, v25  }
0x1db: {  	v16 =	vld [tilespmem:s0+$0x2DB0];
	[tilespmem:s28+$0x3F80] =	vst v19;
	v15 =	vmax.f32 v15, v19;
	v19 =	vadd.f32 v27, v17  }
0x1dc: {  	v26 =	vld [tilespmem:s0+$0x2E80];
	[tilespmem:s28+$0x3F90] =	vst v18;
	v15 =	vmax.f32 v15, v18;
	v25 =	vadd.f32 v25, v28  }
0x1dd: {  	v17 =	vld [tilespmem:s0+$0x2DA0];
	[tilespmem:s28+$0x3FA0] =	vst v19;
	v15 =	vmax.f32 v15, v19  }
0x1de: {  	v18 =	vld [tilespmem:s0+$0x2D90];
	[tilespmem:s28+$0x3FB0] =	vst v25;
	v15 =	vmax.f32 v15, v25;
	s28 =	smov.u32 s0  }
0x1df: {  	v19 =	vld [tilespmem:s28+$0x2D80]  }
0x1e0: {  	v30 =	vld [tilespmem:s28+$0x2D10]  }
.Ltmp6:
0x1e1: {  	v31 =	vld [tilespmem:s28+$0x2D00];
	(pc) =	sbr.rel @p6 .LBB2_9-.Ltmp6, $4  }
0x1e2: {  	v29 =	vld [tilespmem:s28+$0x2C90]  }
0x1e3: {  	v28 =	vld [tilespmem:s28+$0x2C80]  }
0x1e4: {  	v25 =	vld [tilespmem:s28+$0x2C10]  }
0x1e5: {  	s29 =	sadd.s32 $0x200, s29;
	v27 =	vld [tilespmem:s28+$0x2C00]  }
0x1e6: {  	v32 =	vld [tilespmem:s28+$0x2B80]  }
0x1e7: {  	v22 =	vmul.f32 $3.354626240e-04, v22;
	v33 =	vld [tilespmem:s28+$0x2B90];
	v20 =	vmul.f32 $3.354626240e-04, v20  }
0x1e8: {  	v24 =	vmul.f32 $1.110899630e-02, v24;
	v21 =	vmul.f32 $1.110899630e-02, v21;
	v34 =	vld [tilespmem:s28+$0x2BA0]  }
0x1e9: {  	v26 =	vmul.f32 $1.353352810e-01, v26;
	v23 =	vmul.f32 $1.353352810e-01, v23;
	v35 =	vld [tilespmem:s28+$0x2BB0]  }
0x1ea: {  	v31 =	vmul.f32 $6.065306660e-01, v31;
	v30 =	vmul.f32 $6.065306660e-01, v30;
	v36 =	vld [tilespmem:s28+$0x2C20]  }
0x1eb: {  	v37 =	vld [tilespmem:s28+$0x2C30];
	v29 =	vmul.f32 $1.353352810e-01, v29;
	v32 =	vmul.f32 $3.354626240e-04, v32  }
0x1ec: {  	v38 =	vld [tilespmem:s28+$0x2CA0];
	v28 =	vmul.f32 $1.353352810e-01, v28;
	v33 =	vmul.f32 $3.354626240e-04, v33  }
0x1ed: {  	v39 =	vld [tilespmem:s28+$0x2CB0];
	v27 =	vmul.f32 $1.110899630e-02, v27;
	v34 =	vmul.f32 $3.354626240e-04, v34;
	v32 =	vadd.f32 $0.0e+00, v32  }
0x1ee: {  	v40 =	vld [tilespmem:s28+$0x2D20];
	v25 =	vmul.f32 $1.110899630e-02, v25;
	v35 =	vmul.f32 $3.354626240e-04, v35;
	v33 =	vadd.f32 $0.0e+00, v33  }
0x1ef: {  	v59 =	vld [tilespmem:s28+$0x2D30];
	v58 =	vmul.f32 $1.110899630e-02, v36;
	v57 =	vadd.f32 $0.0e+00, v34;
	v27 =	vadd.f32 v27, v32  }
0x1f0: {  	v41 =	vld [tilespmem:s28+$0x2E00];
	v61 =	vmul.f32 $1.110899630e-02, v37;
	v60 =	vadd.f32 $0.0e+00, v35;
	v25 =	vadd.f32 v25, v33  }
0x1f1: {  	v62 =	vld [tilespmem:s28+$0x2E10];
	v63 =	vmul.f32 $1.353352810e-01, v38;
	v32 =	vadd.f32 v58, v57;
	v27 =	vadd.f32 v28, v27  }
0x1f2: {  	v37 =	vld [tilespmem:s28+$0x2E20];
	v38 =	vmul.f32 $1.353352810e-01, v39;
	v33 =	vadd.f32 v61, v60;
	v25 =	vadd.f32 v29, v25  }
0x1f3: {  	v43 =	vld [tilespmem:s28+$0x2E30];
	v42 =	vmul.f32 $6.065306660e-01, v40;
	v39 =	vadd.f32 v63, v32;
	v27 =	vadd.f32 v31, v27  }
0x1f4: {  	v44 =	vld [tilespmem:s28+$0x2EA0];
	v45 =	vmul.f32 $6.065306660e-01, v59;
	v33 =	vadd.f32 v38, v33;
	v25 =	vadd.f32 v30, v25  }
0x1f5: {  	v47 =	vld [tilespmem:s28+$0x2EB0];
	v46 =	vmul.f32 $6.065306660e-01, v41;
	v31 =	vadd.f32 v42, v39;
	v19 =	vadd.f32 v27, v19  }
0x1f6: {  	v49 =	vld [tilespmem:s28+$0x2F20];
	v48 =	vmul.f32 $6.065306660e-01, v62;
	v33 =	vadd.f32 v45, v33;
	v18 =	vadd.f32 v25, v18  }
0x1f7: {  	v51 =	vld [tilespmem:s28+$0x2F30];
	v50 =	vmul.f32 $6.065306660e-01, v37;
	v17 =	vadd.f32 v31, v17;
	v19 =	vadd.f32 v46, v19  }
0x1f8: {  	v52 =	vld [tilespmem:s28+$0x2FA0];
	v53 =	vmul.f32 $6.065306660e-01, v43;
	v16 =	vadd.f32 v33, v16;
	v18 =	vadd.f32 v48, v18  }
0x1f9: {  	v55 =	vld [tilespmem:s28+$0x2FB0];
	v54 =	vmul.f32 $1.353352810e-01, v44;
	v17 =	vadd.f32 v50, v17;
	v19 =	vadd.f32 v26, v19  }
0x1fa: {  	v56 =	vmul.f32 $1.353352810e-01, v47;
	v16 =	vadd.f32 v53, v16;
	v18 =	vadd.f32 v23, v18  }
0x1fb: {  	v57 =	vmul.f32 $1.110899630e-02, v49;
	v17 =	vadd.f32 v54, v17;
	v19 =	vadd.f32 v24, v19  }
0x1fc: {  	v58 =	vmul.f32 $1.110899630e-02, v51;
	v16 =	vadd.f32 v56, v16;
	v18 =	vadd.f32 v21, v18  }
0x1fd: {  	v59 =	vmul.f32 $3.354626240e-04, v52;
	v17 =	vadd.f32 v57, v17;
	v19 =	vadd.f32 v22, v19  }
0x1fe: {  	v60 =	vmul.f32 $3.354626240e-04, v55;
	v16 =	vadd.f32 v58, v16;
	v18 =	vadd.f32 v20, v18  }
0x1ff: {  	v17 =	vadd.f32 v59, v17;
	[tilespmem:s28+$0x3F80] =	vst v19  }
0x200: {  	v16 =	vadd.f32 v60, v16;
	v15 =	vmax.f32 v15, v19;
	[tilespmem:s28+$0x3F90] =	vst v18  }
0x201: {  	v11 =	vmax.f32 v11, v12;
	v61 =	vmax.f32 v13, v14;
	[tilespmem:s28+$0x3FA0] =	vst v17;
	v15 =	vmax.f32 v15, v18  }
0x202: {  	v11 =	vmax.f32 v11, v61;
	[tilespmem:s28+$0x3FB0] =	vst v16;
	v62 =	vmax.f32 v15, v17  }
0x203: {  	[tilespmem:$0x5F80] =	vst v11;
	v63 =	vmax.f32 v62, v16  }
0x204: {  	[tilespmem:$0x5F90] =	vst v63  }
0x205: {  	[spmem:s9] =	stream.linear.scatter [tilespmem:s21], [sflag:$0x2], $0x20, $0x38;
	[tilespmem:$0x6220] =	vst v63  }
0x206: {  	_ =	swait.ge [sflag:s4], $0x20  }
0x207: {  	s0 =	sld [smem:$0x7FD];
	_ =	sdelay $0x2  }
0x208: {  	p0 =	seq.s32 s0, $0x1  }
.Ltmp7:
0x209: {  	_ = 	snop;
	(pc) =	sbr.rel @p0 .LBB2_12-.Ltmp7, $3  }
0x20a: {  	_ =	sdelay $0x1  }
0x20b: {  	[sflag:s4] =	ssyncset.done $0x0  }
0x20c: {  	[sflag:s4] =	ssyncadd.s32 $0xFFFFFFE0  }
0x20d: {  	[hbm4b:s12+s2] =	stream.linear.scatter [tilespmem:s22], [sflag:$0x2], $0x1000, $0x38;
	[tilespmem:$0x6220] =	vst v63  }
.Ltmp8:
0x20e: {  	_ =	swait.ge [sflag:s4], $0x1000;
	(pc) =	sbr.rel .LBB2_24-.Ltmp8, $3  }
0x20f: {  	[sflag:s4] =	ssyncset.done $0x0  }
0x210: {  	[sflag:s4] =	ssyncadd.s32 $0xFFFFF000  }
0x211: {  	[bflag:$0x0] =	sbarrier.arrive $0xFFFF;
	_ =	sdelay $0x1  }
.LBB2_12:
0x212: {  	s0 =	rddreg [dreg:$0x4];
	s1 =	simm.s32 $0x4F80  }
0x213: {  	[tilespmem:s1], [sflag:$0x2] =	stream.linear.gather [hbm4b:s0+s2], $0x1000, $0x38;
	[tilespmem:$0x6220] =	vst v63  }
0x214: {  	_ =	swait.ge [sflag:s4], $0x1000  }
0x215: {  	[sflag:s4] =	ssyncset.done $0x0  }
0x216: {  	[sflag:s4] =	ssyncadd.s32 $0xFFFFF000  }
.LBB2_13:
.Ltmp9:
0x217: {  	(pc) =	sbr.rel @!p3 .LBB2_23-.Ltmp9, $1  }
0x218: {  	_ =	sdelay $0x3  }
0x219: {  	s0 =	simm.s32 $0x0  }
0x21a: {  	[tilespmem:s0], [sflag:$0x1] =	stream.linear.gather [hbm4b:s11+s0], $0x2000, $0x38;
	[tilespmem:$0x6220] =	vst v63  }
0x21b: {  	s1 =	simm.s32 $0x0;
	s0 =	simm.s32 $0x40  }
.LBB2_15:
0x21c: {  	p0 =	sne.s32 s0, $0x2600;
	[tilespmem:s1+$0x2000] =	vst v8;
	s1 =	smov.u32 s0;
	s0 =	sadd.s32 $0x40, s0  }
.Ltmp10:
0x21d: {  	(pc) =	sbr.rel @p0 .LBB2_15-.Ltmp10, $2  }
0x21e: {  	_ =	sdelay $0x2  }
0x21f: {  	s1 =	sshra.s32 s1, $0x2  }
0x220: {  	[tilespmem:s1+$0x2000] =	vst v8;
	p0 =	sgt.s32 s19, $0x0;
	s0 =	smov.u32 s19  }
0x221: {  	_ =	swait.ge [sflag:s20], $0x2000;
	s0 =	simm.s32 @!p0 $0x0  }
0x222: {  	[sflag:s20] =	ssyncset.done $0x0;
	s0 =	smin.u32 s0, $0x3F  }
0x223: {  	[sflag:s20] =	ssyncadd.s32 $0xFFFFE000;
	s0 =	sshll.u32 s0, $0x7  }
0x224: {  	v11 =	vld [tilespmem:s0+$0x0]  }
0x225: {  	s24 =	simm.s32 $0x2  }
0x226: {  	v12 =	vadd.s32 s24, v9  }
0x227: {  	s1 =	simm.f32 $1.000000000e+00;
	p0 =	slt.u32 s19, $0x40  }
0x228: {  	s1 =	simm.s32 @!p0 $0x0  }
0x229: {  	v13 =	vmov s1;
	vm0 =	vgt.f32 v11, $0.0e+00  }
0x22a: {  	v14 =	vnsel vm0, $0x0, v13  }
0x22b: {  	[tilespmem:v12+s5+$0x0] =	vst.idx.msk $0xffff, v14  }
0x22c: {  	v12 =	vld [tilespmem:s0+$0x10]  }
0x22d: {  	s25 =	simm.s32 $0x12  }
0x22e: {  	v14 =	vadd.s32 s25, v9;
	_ =	sdelay $0x2  }
0x22f: {  	vm13 =	vgt.f32 v12, $0.0e+00  }
0x230: {  	v15 =	vnsel vm13, $0x0, v13  }
0x231: {  	[tilespmem:v14+s5+$0x0] =	vst.idx.msk $0xffff, v15  }
0x232: {  	v14 =	vld [tilespmem:s0+$0x20]  }
0x233: {  	s10 =	simm.s32 $0x22  }
0x234: {  	v15 =	vadd.s32 s10, v9;
	_ =	sdelay $0x2  }
0x235: {  	vm14 =	vgt.f32 v14, $0.0e+00  }
0x236: {  	p0 =	slt.s32 s19, s17;
	s1 =	simm.f32 $1.000000000e+00;
	v16 =	vnsel vm14, $0x0, v13  }
0x237: {  	s1 =	simm.s32 @!p0 $0x0;
	p0 =	sge.s32 s19, s3;
	[tilespmem:v15+s5+$0x0] =	vst.idx.msk $0xffff, v16  }
0x238: {  	s1 =	simm.s32 @!p0 $0x0;
	v15 =	vld [tilespmem:s0+$0x30]  }
0x239: {  	s23 =	simm.s32 $0x32;
	s10 =	sadd.f32 $-1.000000000e+00, s1  }
0x23a: {  	v16 =	vadd.s32 s23, v9  }
0x23b: {  	s30 =	sadd.s32 $0x1, s19;
	v17 =	vmul.f32 s1, v11;
	v12 =	vmul.f32 s1, v12;
	s24 =	smul.f32 $1.000000020e+30, s10  }
0x23c: {  	p0 =	sgt.s32 s30, $0x0;
	v11 =	vimm.f32 $-1.000000020e+30;
	s10 =	smov.u32 s30;
	v14 =	vmul.f32 s1, v14  }
0x23d: {  	s10 =	simm.s32 @!p0 $0x0;
	v17 =	vadd.f32 s24, v17;
	v18 =	vadd.f32 s24, v12;
	vm15 =	vgt.f32 v15, $0.0e+00  }
0x23e: {  	s28 =	simm.s32 $0x76;
	s25 =	smin.u32 s10, $0x3F;
	v14 =	vadd.f32 s24, v14;
	v15 =	vmul.f32 s1, v15;
	v13 =	vnsel vm15, $0x0, v13  }
0x23f: {  	s29 =	simm.f32 $1.000000000e+00;
	p0 =	slt.s32 s30, s17;
	s31 =	sshll.u32 s25, $0x7;
	v12 =	vmax.f32 v11, v17;
	[tilespmem:v16+s5+$0x0] =	vst.idx.msk $0xffff, v13  }
0x240: {  	s29 =	simm.s32 @!p0 $0x0;
	s23 =	simm.s32 $0xBA;
	s0 =	sadd.s32 $0x1, s30;
	v14 =	vmax.f32 v11, v14;
	v13 =	vmax.f32 v11, v18;
	v16 =	vadd.f32 s24, v15;
	v15 =	vld [tilespmem:s31+$0x0]  }
.LBB2_17:
0x241: {  	p0 =	slt.s32 s0, s17  }
0x242: {  	p6 =	sge.s32 s30, s3;
	s24 =	sadd.s32 $0xFFFFFFD0, s28;
	s10 =	smov.u32 s23  }
0x243: {  	v11 =	vmax.f32 v11, v16;
	s1 =	sadd.s32 $0x44, s23;
	s25 =	smov.u32 s29;
	s29 =	simm.f32 $1.000000000e+00  }
0x244: {  	s25 =	simm.s32 @!p6 $0x0;
	s29 =	simm.s32 @!p0 $0x0;
	v16 =	vadd.s32 s24, v9;
	p6 =	sne.s32 s23, $0x97E  }
0x245: {  	p0 =	slt.u32 s30, $0x40;
	s24 =	simm.f32 $1.000000000e+00;
	s23 =	sadd.f32 $-1.000000000e+00, s25  }
0x246: {  	s30 =	smov.u32 s0;
	s24 =	simm.s32 @!p0 $0x0  }
0x247: {  	v17 =	vmov s24;
	vm0 =	vgt.f32 v15, $0.0e+00;
	v15 =	vmul.f32 s25, v15;
	s23 =	smul.f32 $1.000000020e+30, s23  }
0x248: {  	v18 =	vnsel vm0, $0x0, v17  }
0x249: {  	[tilespmem:v16+s5+$0x0] =	vst.idx.msk $0xffff, v18;
	v15 =	vadd.f32 s23, v15  }
0x24a: {  	v16 =	vld [tilespmem:s31+$0x10]  }
0x24b: {  	s24 =	sadd.s32 $0xFFFFFFE0, s28;
	v12 =	vmax.f32 v12, v15  }
0x24c: {  	v15 =	vadd.s32 s24, v9;
	_ =	sdelay $0x2  }
0x24d: {  	vm0 =	vgt.f32 v16, $0.0e+00;
	v16 =	vmul.f32 s25, v16  }
0x24e: {  	v18 =	vnsel vm0, $0x0, v17  }
0x24f: {  	[tilespmem:v15+s5+$0x0] =	vst.idx.msk $0xffff, v18;
	v15 =	vadd.f32 s23, v16  }
0x250: {  	v16 =	vld [tilespmem:s31+$0x20]  }
0x251: {  	s24 =	sadd.s32 $0xFFFFFFF0, s28;
	v13 =	vmax.f32 v13, v15  }
0x252: {  	v15 =	vadd.s32 s24, v9;
	_ =	sdelay $0x2  }
0x253: {  	vm0 =	vgt.f32 v16, $0.0e+00;
	v16 =	vmul.f32 s25, v16  }
0x254: {  	v18 =	vnsel vm0, $0x0, v17  }
0x255: {  	[tilespmem:v15+s5+$0x0] =	vst.idx.msk $0xffff, v18;
	v15 =	vadd.f32 s23, v16  }
0x256: {  	v16 =	vld [tilespmem:s31+$0x30]  }
0x257: {  	v14 =	vmax.f32 v14, v15  }
0x258: {  	v15 =	vadd.s32 s28, v9;
	s28 =	smov.u32 s10;
	_ =	sdelay $0x1  }
.Ltmp11:
0x259: {  	p0 =	sgt.s32 s0, $0x0;
	s10 =	smov.u32 s0;
	(pc) =	sbr.rel @p6 .LBB2_17-.Ltmp11, $4  }
0x25a: {  	s10 =	simm.s32 @!p0 $0x0;
	vm0 =	vgt.f32 v16, $0.0e+00;
	v16 =	vmul.f32 s25, v16  }
0x25b: {  	s10 =	smin.u32 s10, $0x3F;
	v17 =	vnsel vm0, $0x0, v17  }
0x25c: {  	s31 =	sshll.u32 s10, $0x7;
	[tilespmem:v15+s5+$0x0] =	vst.idx.msk $0xffff, v17;
	v16 =	vadd.f32 s23, v16  }
0x25d: {  	s0 =	sadd.s32 $0x1, s0;
	s23 =	smov.u32 s1;
	v15 =	vld [tilespmem:s31+$0x0]  }
0x25e: {  	s0 =	sadd.s32 $0xFFFFFFD0, s28  }
0x25f: {  	v17 =	vadd.s32 s0, v9  }
0x260: {  	p0 =	slt.u32 s30, $0x40;
	s0 =	simm.f32 $1.000000000e+00  }
0x261: {  	s0 =	simm.s32 @!p0 $0x0  }
0x262: {  	v18 =	vmov s0;
	vm0 =	vgt.f32 v15, $0.0e+00  }
0x263: {  	v19 =	vnsel vm0, $0x0, v18  }
0x264: {  	[tilespmem:v17+s5+$0x0] =	vst.idx.msk $0xffff, v19  }
0x265: {  	v17 =	vld [tilespmem:s31+$0x10]  }
0x266: {  	s10 =	sadd.s32 $0xFFFFFFE0, s28  }
0x267: {  	v19 =	vadd.s32 s10, v9;
	_ =	sdelay $0x2  }
0x268: {  	vm13 =	vgt.f32 v17, $0.0e+00  }
0x269: {  	v20 =	vnsel vm13, $0x0, v18  }
0x26a: {  	[tilespmem:v19+s5+$0x0] =	vst.idx.msk $0xffff, v20  }
0x26b: {  	v19 =	vld [tilespmem:s31+$0x20]  }
0x26c: {  	s23 =	sadd.s32 $0xFFFFFFF0, s28  }
0x26d: {  	v42 =	vadd.s32 s23, v9;
	_ =	sdelay $0x2  }
0x26e: {  	vm14 =	vgt.f32 v19, $0.0e+00  }
0x26f: {  	v21 =	vnsel vm14, $0x0, v18  }
0x270: {  	[tilespmem:v42+s5+$0x0] =	vst.idx.msk $0xffff, v21  }
0x271: {  	v20 =	vld [tilespmem:s31+$0x30];
	_ =	sdelay $0x1  }
0x272: {  	v43 =	vadd.s32 s28, v9;
	s24 =	simm.s32 $0x0  }
0x273: {  	v22 =	vadd.s32 s24, v9  }
0x274: {  	s25 =	simm.s32 $0x1  }
0x275: {  	v23 =	vadd.s32 s25, v9;
	vm15 =	vgt.f32 v20, $0.0e+00  }
0x276: {  	v18 =	vnsel vm15, $0x0, v18  }
0x277: {  	s1 =	simm.s32 $0x3;
	[tilespmem:v43+s5+$0x0] =	vst.idx.msk $0xffff, v18  }
0x278: {  	v44 =	vadd.s32 s1, v9;
	s31 =	simm.s32 $0x2;
	v21 =	vld.idx.msk [tilespmem:v22+s5+$0x0], $0xffff  }
0x279: {  	v18 =	vadd.s32 s31, v9  }
0x27a: {  	s10 =	simm.s32 $0x4;
	v23 =	vld.idx.msk [tilespmem:v23+s5+$0x0], $0xffff  }
0x27b: {  	v24 =	vadd.s32 s10, v9;
	_ =	sdelay $0x1  }
0x27c: {  	v22 =	vld.idx.msk [tilespmem:v44+s5+$0x0], $0xffff;
	v21 =	vmul.f32 $3.354626240e-04, v21  }
0x27d: {  	v18 =	vld.idx.msk [tilespmem:v18+s5+$0x0], $0xffff  }
0x27e: {  	v23 =	vmul.f32 $1.353352810e-01, v23;
	v21 =	vadd.f32 $0.0e+00, v21  }
0x27f: {  	v24 =	vld.idx.msk [tilespmem:v24+s5+$0x0], $0xffff  }
0x280: {  	v21 =	vadd.f32 v23, v21;
	_ =	sdelay $0x1  }
0x281: {  	v45 =	vmul.f32 $1.353352810e-01, v22;
	v18 =	vadd.f32 v21, v18  }
0x282: {  	s23 =	simm.s32 $0x10  }
0x283: {  	v47 =	vadd.s32 s23, v9;
	v46 =	vmul.f32 $3.354626240e-04, v24;
	v18 =	vadd.f32 v45, v18  }
0x284: {  	s24 =	simm.s32 $0x11  }
0x285: {  	v48 =	vadd.s32 s24, v9;
	v18 =	vadd.f32 v46, v18  }
0x286: {  	s28 =	simm.s32 $0x2BA0  }
0x287: {  	s25 =	simm.s32 $0x12;
	[tilespmem:s28+$0xFFFFFFE0] =	vst v18  }
0x288: {  	v49 =	vadd.s32 s25, v9;
	s31 =	simm.s32 $0x13;
	v18 =	vld.idx.msk [tilespmem:v47+s5+$0x0], $0xffff  }
0x289: {  	v50 =	vadd.s32 s31, v9  }
0x28a: {  	s1 =	simm.s32 $0x14;
	v21 =	vld.idx.msk [tilespmem:v48+s5+$0x0], $0xffff  }
0x28b: {  	v51 =	vadd.s32 s1, v9;
	_ =	sdelay $0x1  }
0x28c: {  	v22 =	vld.idx.msk [tilespmem:v49+s5+$0x0], $0xffff;
	v18 =	vmul.f32 $3.354626240e-04, v18  }
0x28d: {  	v23 =	vld.idx.msk [tilespmem:v50+s5+$0x0], $0xffff  }
0x28e: {  	v21 =	vmul.f32 $1.353352810e-01, v21;
	v18 =	vadd.f32 $0.0e+00, v18  }
0x28f: {  	v24 =	vld.idx.msk [tilespmem:v51+s5+$0x0], $0xffff  }
0x290: {  	v18 =	vadd.f32 v21, v18;
	_ =	sdelay $0x1  }
0x291: {  	v52 =	vmul.f32 $1.353352810e-01, v23;
	v18 =	vadd.f32 v18, v22  }
0x292: {  	s10 =	simm.s32 $0x20  }
0x293: {  	v54 =	vadd.s32 s10, v9;
	v53 =	vmul.f32 $3.354626240e-04, v24;
	v18 =	vadd.f32 v52, v18  }
0x294: {  	s23 =	simm.s32 $0x21  }
0x295: {  	v55 =	vadd.s32 s23, v9;
	v18 =	vadd.f32 v53, v18;
	_ =	sdelay $0x1  }
0x296: {  	s25 =	simm.s32 $0x22;
	[tilespmem:s28+$0xFFFFFFF0] =	vst v18  }
0x297: {  	s24 =	simm.s32 $0x23;
	v56 =	vadd.s32 s25, v9;
	v22 =	vld.idx.msk [tilespmem:v54+s5+$0x0], $0xffff  }
0x298: {  	v18 =	vadd.s32 s24, v9  }
0x299: {  	s31 =	simm.s32 $0x24;
	v21 =	vld.idx.msk [tilespmem:v55+s5+$0x0], $0xffff  }
0x29a: {  	v57 =	vadd.s32 s31, v9;
	_ =	sdelay $0x1  }
0x29b: {  	v23 =	vld.idx.msk [tilespmem:v56+s5+$0x0], $0xffff;
	v22 =	vmul.f32 $3.354626240e-04, v22  }
0x29c: {  	v18 =	vld.idx.msk [tilespmem:v18+s5+$0x0], $0xffff  }
0x29d: {  	v21 =	vmul.f32 $1.353352810e-01, v21;
	v22 =	vadd.f32 $0.0e+00, v22  }
0x29e: {  	v24 =	vld.idx.msk [tilespmem:v57+s5+$0x0], $0xffff  }
0x29f: {  	v21 =	vadd.f32 v21, v22;
	_ =	sdelay $0x1  }
0x2a0: {  	v18 =	vmul.f32 $1.353352810e-01, v18;
	v21 =	vadd.f32 v21, v23  }
0x2a1: {  	s1 =	simm.s32 $0x30  }
0x2a2: {  	v59 =	vadd.s32 s1, v9;
	v58 =	vmul.f32 $3.354626240e-04, v24;
	v18 =	vadd.f32 v18, v21  }
0x2a3: {  	s10 =	simm.s32 $0x31  }
0x2a4: {  	v60 =	vadd.s32 s10, v9;
	v18 =	vadd.f32 v58, v18;
	_ =	sdelay $0x1  }
0x2a5: {  	s24 =	simm.s32 $0x33;
	[tilespmem:s28+$0x0] =	vst v18  }
0x2a6: {  	p0 =	sge.s32 s30, s3;
	s23 =	simm.s32 $0x32;
	v62 =	vadd.s32 s24, v9;
	v61 =	vld.idx.msk [tilespmem:v59+s5+$0x0], $0xffff  }
0x2a7: {  	s29 =	simm.s32 @!p0 $0x0;
	v18 =	vadd.s32 s23, v9  }
0x2a8: {  	s1 =	sadd.f32 $-1.000000000e+00, s29;
	s31 =	simm.s32 $0x34;
	v23 =	vld.idx.msk [tilespmem:v60+s5+$0x0], $0xffff  }
0x2a9: {  	v63 =	vadd.s32 s31, v9  }
0x2aa: {  	v15 =	vmul.f32 s29, v15;
	s25 =	smul.f32 $1.000000020e+30, s1  }
0x2ab: {  	v16 =	vmax.f32 v11, v16;
	v22 =	vld.idx.msk [tilespmem:v62+s5+$0x0], $0xffff;
	v21 =	vmul.f32 $3.354626240e-04, v61  }
0x2ac: {  	v15 =	vadd.f32 s25, v15;
	v17 =	vmul.f32 s29, v17;
	v19 =	vmul.f32 s29, v19;
	v18 =	vld.idx.msk [tilespmem:v18+s5+$0x0], $0xffff  }
0x2ad: {  	v20 =	vmul.f32 s29, v20;
	v23 =	vmul.f32 $1.353352810e-01, v23;
	v21 =	vadd.f32 $0.0e+00, v21  }
0x2ae: {  	v11 =	vmax.f32 v12, v15;
	v17 =	vadd.f32 s25, v17;
	v19 =	vadd.f32 s25, v19;
	v15 =	vld.idx.msk [tilespmem:v63+s5+$0x0], $0xffff  }
0x2af: {  	v20 =	vadd.f32 s25, v20;
	v21 =	vadd.f32 v23, v21  }
0x2b0: {  	v12 =	vmax.f32 v13, v17;
	v13 =	vmax.f32 v14, v19  }
0x2b1: {  	v14 =	vmax.f32 v16, v20;
	v17 =	vmul.f32 $1.353352810e-01, v22;
	v16 =	vadd.f32 v21, v18  }
0x2b2: {  	s30 =	simm.s32 $0xBC;
	s0 =	simm.s32 $0x44;
	s29 =	simm.s32 $0x78  }
.LBB2_19:
0x2b3: {  	p6 =	sne.s32 s30, $0x980;
	v18 =	vadd.s32 s0, v9;
	s0 =	sadd.s32 $0xFFFFFFCD, s29;
	v16 =	vadd.f32 v17, v16;
	v15 =	vmul.f32 $3.354626240e-04, v15  }
0x2b4: {  	v17 =	vadd.s32 s0, v9;
	s0 =	sadd.s32 $0xFFFFFFCE, s29  }
0x2b5: {  	v19 =	vadd.s32 s0, v9;
	s0 =	sadd.s32 $0xFFFFFFCF, s29;
	v15 =	vadd.f32 v15, v16  }
0x2b6: {  	v16 =	vadd.s32 s0, v9;
	s0 =	sadd.s32 $0xFFFFFFD0, s29  }
0x2b7: {  	v20 =	vadd.s32 s0, v9;
	[tilespmem:s28+$0x10] =	vst v15  }
0x2b8: {  	v15 =	vld.idx.msk [tilespmem:v18+s5+$0x0], $0xffff  }
0x2b9: {  	v17 =	vld.idx.msk [tilespmem:v17+s5+$0x0], $0xffff  }
0x2ba: {  	v18 =	vld.idx.msk [tilespmem:v19+s5+$0x0], $0xffff  }
0x2bb: {  	v16 =	vld.idx.msk [tilespmem:v16+s5+$0x0], $0xffff  }
0x2bc: {  	v19 =	vld.idx.msk [tilespmem:v20+s5+$0x0], $0xffff;
	_ =	sdelay $0x1  }
0x2bd: {  	v15 =	vmul.f32 $3.354626240e-04, v15;
	_ =	sdelay $0x1  }
0x2be: {  	v17 =	vmul.f32 $1.353352810e-01, v17;
	v15 =	vadd.f32 $0.0e+00, v15;
	_ =	sdelay $0x1  }
0x2bf: {  	v15 =	vadd.f32 v17, v15;
	_ =	sdelay $0x1  }
0x2c0: {  	v16 =	vmul.f32 $1.353352810e-01, v16;
	v15 =	vadd.f32 v15, v18  }
0x2c1: {  	s0 =	sadd.s32 $0xFFFFFFDC, s29  }
0x2c2: {  	v17 =	vadd.s32 s0, v9;
	v15 =	vadd.f32 v16, v15;
	v16 =	vmul.f32 $3.354626240e-04, v19  }
0x2c3: {  	s0 =	sadd.s32 $0xFFFFFFDD, s29  }
0x2c4: {  	v15 =	vadd.f32 v16, v15;
	v16 =	vadd.s32 s0, v9  }
0x2c5: {  	s28 =	sadd.s32 $0x80, s28  }
0x2c6: {  	s0 =	sadd.s32 $0xFFFFFFDE, s29;
	[tilespmem:s28+$0xFFFFFFE0] =	vst v15  }
0x2c7: {  	v15 =	vld.idx.msk [tilespmem:v17+s5+$0x0], $0xffff;
	v17 =	vadd.s32 s0, v9;
	s0 =	sadd.s32 $0xFFFFFFDF, s29  }
0x2c8: {  	v18 =	vadd.s32 s0, v9  }
0x2c9: {  	s0 =	sadd.s32 $0xFFFFFFE0, s29;
	v16 =	vld.idx.msk [tilespmem:v16+s5+$0x0], $0xffff  }
0x2ca: {  	v19 =	vadd.s32 s0, v9;
	_ =	sdelay $0x1  }
0x2cb: {  	v17 =	vld.idx.msk [tilespmem:v17+s5+$0x0], $0xffff  }
0x2cc: {  	v15 =	vmul.f32 $3.354626240e-04, v15;
	v18 =	vld.idx.msk [tilespmem:v18+s5+$0x0], $0xffff;
	_ =	sdelay $0x1  }
0x2cd: {  	v15 =	vadd.f32 $0.0e+00, v15;
	v16 =	vmul.f32 $1.353352810e-01, v16;
	v19 =	vld.idx.msk [tilespmem:v19+s5+$0x0], $0xffff;
	_ =	sdelay $0x1  }
0x2ce: {  	v15 =	vadd.f32 v16, v15;
	_ =	sdelay $0x1  }
0x2cf: {  	v15 =	vadd.f32 v15, v17;
	v16 =	vmul.f32 $1.353352810e-01, v18  }
0x2d0: {  	s0 =	sadd.s32 $0xFFFFFFEC, s29  }
0x2d1: {  	v17 =	vadd.s32 s0, v9;
	s0 =	sadd.s32 $0xFFFFFFEF, s29;
	v15 =	vadd.f32 v16, v15;
	v16 =	vmul.f32 $3.354626240e-04, v19  }
0x2d2: {  	s1 =	sadd.s32 $0xFFFFFFED, s29;
	v18 =	vadd.s32 s0, v9  }
0x2d3: {  	s0 =	sadd.s32 $0xFFFFFFF0, s29;
	v15 =	vadd.f32 v16, v15;
	v16 =	vadd.s32 s1, v9  }
0x2d4: {  	v19 =	vadd.s32 s0, v9  }
0x2d5: {  	[tilespmem:s28+$0xFFFFFFF0] =	vst v15  }
0x2d6: {  	s0 =	sadd.s32 $0xFFFFFFEE, s29;
	v15 =	vld.idx.msk [tilespmem:v17+s5+$0x0], $0xffff  }
0x2d7: {  	v17 =	vadd.s32 s0, v9;
	v18 =	vld.idx.msk [tilespmem:v18+s5+$0x0], $0xffff  }
0x2d8: {  	v16 =	vld.idx.msk [tilespmem:v16+s5+$0x0], $0xffff  }
0x2d9: {  	v19 =	vld.idx.msk [tilespmem:v19+s5+$0x0], $0xffff;
	_ =	sdelay $0x2  }
0x2da: {  	v15 =	vmul.f32 $3.354626240e-04, v15;
	v17 =	vld.idx.msk [tilespmem:v17+s5+$0x0], $0xffff;
	_ =	sdelay $0x1  }
0x2db: {  	v15 =	vadd.f32 $0.0e+00, v15;
	v16 =	vmul.f32 $1.353352810e-01, v16;
	_ =	sdelay $0x1  }
0x2dc: {  	v15 =	vadd.f32 v16, v15;
	_ =	sdelay $0x1  }
0x2dd: {  	v16 =	vmul.f32 $1.353352810e-01, v18;
	v15 =	vadd.f32 v15, v17  }
0x2de: {  	s0 =	sadd.s32 $0xFFFFFFFC, s29  }
0x2df: {  	v17 =	vadd.s32 s0, v9;
	s0 =	sadd.s32 $0xFFFFFFFD, s29;
	v15 =	vadd.f32 v16, v15;
	v16 =	vmul.f32 $3.354626240e-04, v19  }
0x2e0: {  	v18 =	vadd.s32 s0, v9;
	s0 =	sadd.s32 $0xFFFFFFFE, s29  }
0x2e1: {  	v15 =	vadd.f32 v16, v15;
	v16 =	vadd.s32 s0, v9;
	s0 =	sadd.s32 $0xFFFFFFFF, s29  }
0x2e2: {  	v19 =	vadd.s32 s0, v9  }
0x2e3: {  	[tilespmem:s28+$0x0] =	vst v15;
	v15 =	vadd.s32 s29, v9;
	s29 =	smov.u32 s30  }
0x2e4: {  	v17 =	vld.idx.msk [tilespmem:v17+s5+$0x0], $0xffff  }
0x2e5: {  	v18 =	vld.idx.msk [tilespmem:v18+s5+$0x0], $0xffff  }
0x2e6: {  	v16 =	vld.idx.msk [tilespmem:v16+s5+$0x0], $0xffff  }
0x2e7: {  	v19 =	vld.idx.msk [tilespmem:v19+s5+$0x0], $0xffff  }
0x2e8: {  	v15 =	vld.idx.msk [tilespmem:v15+s5+$0x0], $0xffff;
	_ =	sdelay $0x1  }
0x2e9: {  	v17 =	vmul.f32 $3.354626240e-04, v17;
	_ =	sdelay $0x1  }
0x2ea: {  	v18 =	vmul.f32 $1.353352810e-01, v18;
	v17 =	vadd.f32 $0.0e+00, v17  }
.Ltmp12:
0x2eb: {  	(pc) =	sbr.rel @p6 .LBB2_19-.Ltmp12, $3  }
0x2ec: {  	v17 =	vadd.f32 v18, v17;
	_ =	sdelay $0x1  }
0x2ed: {  	v16 =	vadd.f32 v17, v16;
	v17 =	vmul.f32 $1.353352810e-01, v19  }
0x2ee: {  	s30 =	sadd.s32 $0x44, s30;
	s0 =	sadd.s32 $0xFFFFFFCC, s29  }
0x2ef: {  	v18 =	vadd.s32 s0, v9;
	v16 =	vadd.f32 v17, v16;
	v15 =	vmul.f32 $3.354626240e-04, v15  }
0x2f0: {  	s31 =	sadd.s32 $0xFFFFFFCD, s29  }
0x2f1: {  	v17 =	vadd.s32 s31, v9;
	v15 =	vadd.f32 v15, v16;
	_ =	sdelay $0x1  }
0x2f2: {  	s1 =	sadd.s32 $0xFFFFFFCE, s29;
	[tilespmem:s28+$0x10] =	vst v15  }
0x2f3: {  	s10 =	sadd.s32 $0xFFFFFFCF, s29;
	v15 =	vadd.s32 s1, v9;
	v16 =	vld.idx.msk [tilespmem:v18+s5+$0x0], $0xffff  }
0x2f4: {  	v18 =	vadd.s32 s10, v9  }
0x2f5: {  	s23 =	sadd.s32 $0xFFFFFFD0, s29;
	v17 =	vld.idx.msk [tilespmem:v17+s5+$0x0], $0xffff  }
0x2f6: {  	v19 =	vadd.s32 s23, v9;
	_ =	sdelay $0x1  }
0x2f7: {  	v15 =	vld.idx.msk [tilespmem:v15+s5+$0x0], $0xffff;
	v16 =	vmul.f32 $3.354626240e-04, v16  }
0x2f8: {  	v18 =	vld.idx.msk [tilespmem:v18+s5+$0x0], $0xffff  }
0x2f9: {  	v17 =	vmul.f32 $1.353352810e-01, v17;
	v16 =	vadd.f32 $0.0e+00, v16  }
0x2fa: {  	v19 =	vld.idx.msk [tilespmem:v19+s5+$0x0], $0xffff  }
0x2fb: {  	v16 =	vadd.f32 v17, v16;
	_ =	sdelay $0x1  }
0x2fc: {  	v15 =	vadd.f32 v16, v15;
	v16 =	vmul.f32 $1.353352810e-01, v18  }
0x2fd: {  	s24 =	sadd.s32 $0xFFFFFFDC, s29  }
0x2fe: {  	v17 =	vadd.s32 s24, v9;
	v15 =	vadd.f32 v16, v15;
	v16 =	vmul.f32 $3.354626240e-04, v19  }
0x2ff: {  	s25 =	sadd.s32 $0xFFFFFFDD, s29  }
0x300: {  	v15 =	vadd.f32 v16, v15;
	v16 =	vadd.s32 s25, v9  }
0x301: {  	s0 =	sadd.s32 $0x80, s28  }
0x302: {  	s31 =	sadd.s32 $0xFFFFFFDF, s29;
	[tilespmem:s0+$0xFFFFFFE0] =	vst v15  }
0x303: {  	s1 =	sadd.s32 $0xFFFFFFDE, s29;
	v18 =	vadd.s32 s31, v9;
	v15 =	vld.idx.msk [tilespmem:v17+s5+$0x0], $0xffff  }
0x304: {  	v17 =	vadd.s32 s1, v9  }
0x305: {  	s10 =	sadd.s32 $0xFFFFFFE0, s29;
	v16 =	vld.idx.msk [tilespmem:v16+s5+$0x0], $0xffff  }
0x306: {  	v19 =	vadd.s32 s10, v9;
	_ =	sdelay $0x1  }
0x307: {  	v18 =	vld.idx.msk [tilespmem:v18+s5+$0x0], $0xffff;
	v15 =	vmul.f32 $3.354626240e-04, v15  }
0x308: {  	v17 =	vld.idx.msk [tilespmem:v17+s5+$0x0], $0xffff  }
0x309: {  	v15 =	vadd.f32 $0.0e+00, v15;
	v16 =	vmul.f32 $1.353352810e-01, v16  }
0x30a: {  	v19 =	vld.idx.msk [tilespmem:v19+s5+$0x0], $0xffff  }
0x30b: {  	v15 =	vadd.f32 v16, v15;
	_ =	sdelay $0x1  }
0x30c: {  	v16 =	vmul.f32 $1.353352810e-01, v18;
	v15 =	vadd.f32 v15, v17  }
0x30d: {  	s23 =	sadd.s32 $0xFFFFFFEC, s29  }
0x30e: {  	v17 =	vadd.s32 s23, v9;
	v15 =	vadd.f32 v16, v15;
	v16 =	vmul.f32 $3.354626240e-04, v19  }
0x30f: {  	s24 =	sadd.s32 $0xFFFFFFED, s29  }
0x310: {  	v15 =	vadd.f32 v16, v15;
	v16 =	vadd.s32 s24, v9;
	_ =	sdelay $0x1  }
0x311: {  	s31 =	sadd.s32 $0xFFFFFFEE, s29;
	[tilespmem:s0+$0xFFFFFFF0] =	vst v15  }
0x312: {  	s25 =	sadd.s32 $0xFFFFFFEF, s29;
	v18 =	vadd.s32 s31, v9;
	v17 =	vld.idx.msk [tilespmem:v17+s5+$0x0], $0xffff  }
0x313: {  	v15 =	vadd.s32 s25, v9  }
0x314: {  	s10 =	sadd.s32 $0xFFFFFFF0, s29;
	v16 =	vld.idx.msk [tilespmem:v16+s5+$0x0], $0xffff  }
0x315: {  	v19 =	vadd.s32 s10, v9;
	_ =	sdelay $0x1  }
0x316: {  	v18 =	vld.idx.msk [tilespmem:v18+s5+$0x0], $0xffff;
	v17 =	vmul.f32 $3.354626240e-04, v17  }
0x317: {  	v15 =	vld.idx.msk [tilespmem:v15+s5+$0x0], $0xffff  }
0x318: {  	v17 =	vadd.f32 $0.0e+00, v17;
	v16 =	vmul.f32 $1.353352810e-01, v16  }
0x319: {  	v19 =	vld.idx.msk [tilespmem:v19+s5+$0x0], $0xffff  }
0x31a: {  	v16 =	vadd.f32 v16, v17;
	_ =	sdelay $0x1  }
0x31b: {  	v15 =	vmul.f32 $1.353352810e-01, v15;
	v16 =	vadd.f32 v16, v18  }
0x31c: {  	s23 =	sadd.s32 $0xFFFFFFFC, s29  }
0x31d: {  	v17 =	vadd.s32 s23, v9;
	v15 =	vadd.f32 v15, v16;
	v16 =	vmul.f32 $3.354626240e-04, v19  }
0x31e: {  	s24 =	sadd.s32 $0xFFFFFFFD, s29  }
0x31f: {  	v18 =	vadd.s32 s24, v9;
	v15 =	vadd.f32 v16, v15;
	_ =	sdelay $0x1  }
0x320: {  	s25 =	sadd.s32 $0xFFFFFFFE, s29;
	[tilespmem:s0+$0x0] =	vst v15  }
0x321: {  	s31 =	sadd.s32 $0xFFFFFFFF, s29;
	v15 =	vadd.s32 s25, v9;
	v16 =	vld.idx.msk [tilespmem:v17+s5+$0x0], $0xffff  }
0x322: {  	v17 =	vadd.s32 s31, v9  }
0x323: {  	v18 =	vld.idx.msk [tilespmem:v18+s5+$0x0], $0xffff  }
0x324: {  	v19 =	vadd.s32 s29, v9;
	_ =	sdelay $0x1  }
0x325: {  	v15 =	vld.idx.msk [tilespmem:v15+s5+$0x0], $0xffff;
	v16 =	vmul.f32 $3.354626240e-04, v16  }
0x326: {  	v17 =	vld.idx.msk [tilespmem:v17+s5+$0x0], $0xffff  }
0x327: {  	v18 =	vmul.f32 $1.353352810e-01, v18;
	v16 =	vadd.f32 $0.0e+00, v16  }
0x328: {  	v19 =	vld.idx.msk [tilespmem:v19+s5+$0x0], $0xffff  }
0x329: {  	v16 =	vadd.f32 v18, v16;
	_ =	sdelay $0x1  }
0x32a: {  	v15 =	vadd.f32 v16, v15;
	v16 =	vmul.f32 $1.353352810e-01, v17;
	_ =	sdelay $0x1  }
0x32b: {  	v15 =	vadd.f32 v16, v15;
	v16 =	vmul.f32 $3.354626240e-04, v19;
	_ =	sdelay $0x1  }
0x32c: {  	v15 =	vadd.f32 v16, v15;
	_ =	sdelay $0x1  }
0x32d: {  	s28 =	simm.s32 $0x0;
	[tilespmem:s0+$0x10] =	vst v15  }
0x32e: {  	v15 =	vld [tilespmem:s28+$0x2D90]  }
0x32f: {  	v20 =	vld [tilespmem:s28+$0x2CB0]  }
0x330: {  	v16 =	vld [tilespmem:s28+$0x2D80]  }
0x331: {  	v17 =	vld [tilespmem:s28+$0x2CA0]  }
0x332: {  	v19 =	vld [tilespmem:s28+$0x2C90]  }
0x333: {  	v21 =	vld [tilespmem:s28+$0x2C10]  }
0x334: {  	v22 =	vld [tilespmem:s28+$0x2C00]  }
0x335: {  	v23 =	vld [tilespmem:s28+$0x2B80]  }
0x336: {  	v24 =	vld [tilespmem:s28+$0x2B90]  }
0x337: {  	v25 =	vld [tilespmem:s28+$0x2BA0]  }
0x338: {  	v26 =	vld [tilespmem:s28+$0x2BB0]  }
0x339: {  	v27 =	vld [tilespmem:s28+$0x2C20]  }
0x33a: {  	v29 =	vld [tilespmem:s28+$0x2D00]  }
0x33b: {  	v28 =	vld [tilespmem:s28+$0x2C30];
	v23 =	vmul.f32 $3.354626240e-04, v23;
	v24 =	vmul.f32 $3.354626240e-04, v24  }
0x33c: {  	v63 =	vimm.f32 $0.0e+00;
	v18 =	vld [tilespmem:s28+$0x2C80];
	v22 =	vmul.f32 $1.353352810e-01, v22;
	v25 =	vmul.f32 $3.354626240e-04, v25  }
0x33d: {  	v30 =	vld [tilespmem:s28+$0x2D10];
	v21 =	vmul.f32 $1.353352810e-01, v21;
	v26 =	vmul.f32 $3.354626240e-04, v26;
	v23 =	vadd.f32 $0.0e+00, v23  }
0x33e: {  	v31 =	vld [tilespmem:s28+$0x2D20];
	v27 =	vmul.f32 $1.353352810e-01, v27;
	v33 =	vmul.f32 $3.354626240e-04, v16;
	v24 =	vadd.f32 $0.0e+00, v24  }
0x33f: {  	v32 =	vld [tilespmem:s28+$0x2D30];
	v29 =	vmul.f32 $1.353352810e-01, v29;
	v25 =	vadd.f32 $0.0e+00, v25;
	v22 =	vadd.f32 v22, v23  }
0x340: {  	v28 =	vmul.f32 $1.353352810e-01, v28;
	v26 =	vadd.f32 $0.0e+00, v26;
	v23 =	vld [tilespmem:s28+$0x2DA0];
	v21 =	vadd.f32 v21, v24  }
0x341: {  	s29 =	simm.s32 $0x80;
	v60 =	vmul.f32 $3.354626240e-04, v15;
	v24 =	vld [tilespmem:s28+$0x2DB0];
	v25 =	vadd.f32 v27, v25;
	v22 =	vadd.f32 v22, v18  }
0x342: {  	v16 =	vld [tilespmem:s29+$0x2CB0];
	v27 =	vmul.f32 $1.353352810e-01, v30;
	v26 =	vadd.f32 v28, v26;
	v21 =	vadd.f32 v21, v19  }
0x343: {  	v15 =	vld [tilespmem:s29+$0x2CA0];
	v61 =	vmul.f32 $1.353352810e-01, v31;
	v25 =	vadd.f32 v25, v17;
	v22 =	vadd.f32 v29, v22  }
0x344: {  	v18 =	vld [tilespmem:s29+$0x2D90];
	v26 =	vadd.f32 v26, v20;
	v21 =	vadd.f32 v27, v21;
	v27 =	vmul.f32 $1.353352810e-01, v32  }
0x345: {  	v19 =	vld [tilespmem:s29+$0x2D80];
	v25 =	vadd.f32 v61, v25;
	v23 =	vmul.f32 $3.354626240e-04, v23;
	v22 =	vadd.f32 v33, v22  }
0x346: {  	v17 =	vld [tilespmem:s29+$0x2C90];
	v62 =	vadd.f32 v60, v21;
	v26 =	vadd.f32 v27, v26;
	v27 =	vmul.f32 $3.354626240e-04, v24  }
0x347: {  	v20 =	vld [tilespmem:s29+$0x2C80];
	v23 =	vadd.f32 v23, v25;
	[tilespmem:s28+$0x3F80] =	vst v22;
	v22 =	vmax.f32 v63, v22  }
0x348: {  	v21 =	vld [tilespmem:s29+$0x2C10];
	[tilespmem:s28+$0x3F90] =	vst v62;
	v25 =	vmax.f32 v22, v62;
	v22 =	vadd.f32 v27, v26  }
0x349: {  	s30 =	simm.s32 $0x400;
	v24 =	vld [tilespmem:s29+$0x2C00];
	[tilespmem:s28+$0x3FA0] =	vst v23;
	v23 =	vmax.f32 v25, v23  }
.LBB2_21:
0x34a: {  	p6 =	sne.s32 s30, $0x3E00;
	v25 =	vld [tilespmem:s29+$0x2B80];
	[tilespmem:s28+$0x3FB0] =	vst v22;
	v22 =	vmax.f32 v23, v22;
	s28 =	smov.u32 s29  }
0x34b: {  	v23 =	vld [tilespmem:s28+$0x2B90]  }
0x34c: {  	v26 =	vld [tilespmem:s28+$0x2BA0]  }
0x34d: {  	v27 =	vld [tilespmem:s28+$0x2BB0]  }
0x34e: {  	v28 =	vld [tilespmem:s28+$0x2C20]  }
0x34f: {  	v29 =	vmul.f32 $3.354626240e-04, v18;
	v25 =	vmul.f32 $3.354626240e-04, v25;
	v18 =	vld [tilespmem:s28+$0x2C30]  }
0x350: {  	v31 =	vmul.f32 $3.354626240e-04, v19;
	v30 =	vld [tilespmem:s28+$0x2D00];
	v19 =	vmul.f32 $3.354626240e-04, v23  }
0x351: {  	v24 =	vmul.f32 $1.353352810e-01, v24;
	v23 =	vadd.f32 $0.0e+00, v25;
	v25 =	vld [tilespmem:s28+$0x2D10];
	v26 =	vmul.f32 $3.354626240e-04, v26  }
0x352: {  	v21 =	vmul.f32 $1.353352810e-01, v21;
	v19 =	vadd.f32 $0.0e+00, v19;
	v32 =	vld [tilespmem:s28+$0x2D20];
	v27 =	vmul.f32 $3.354626240e-04, v27  }
0x353: {  	v23 =	vadd.f32 v24, v23;
	v24 =	vadd.f32 $0.0e+00, v26;
	v26 =	vmul.f32 $1.353352810e-01, v28;
	v28 =	vld [tilespmem:s28+$0x2D30]  }
0x354: {  	v19 =	vadd.f32 v21, v19;
	v21 =	vld [tilespmem:s28+$0x2DA0];
	v27 =	vadd.f32 $0.0e+00, v27;
	v33 =	vmul.f32 $1.353352810e-01, v18  }
0x355: {  	s29 =	sshra.s32 s30, $0x2;
	v20 =	vadd.f32 v23, v20;
	v23 =	vmul.f32 $1.353352810e-01, v30;
	v24 =	vadd.f32 v26, v24;
	v26 =	vld [tilespmem:s28+$0x2DB0]  }
0x356: {  	v18 =	vld [tilespmem:s29+$0x2D90];
	v17 =	vadd.f32 v19, v17;
	v25 =	vmul.f32 $1.353352810e-01, v25;
	v27 =	vadd.f32 v33, v27  }
0x357: {  	v30 =	vld [tilespmem:s29+$0x2CB0];
	v20 =	vadd.f32 v23, v20;
	v23 =	vadd.f32 v24, v15;
	v24 =	vmul.f32 $1.353352810e-01, v32  }
0x358: {  	v19 =	vld [tilespmem:s29+$0x2D80];
	v25 =	vadd.f32 v25, v17;
	v16 =	vadd.f32 v27, v16;
	v27 =	vmul.f32 $1.353352810e-01, v28  }
.Ltmp13:
0x359: {  	v15 =	vld [tilespmem:s29+$0x2CA0];
	v28 =	vadd.f32 v31, v20;
	v23 =	vadd.f32 v24, v23;
	v21 =	vmul.f32 $3.354626240e-04, v21;
	(pc) =	sbr.rel @p6 .LBB2_21-.Ltmp13, $4  }
0x35a: {  	v17 =	vld [tilespmem:s29+$0x2C90];
	v24 =	vadd.f32 v29, v25;
	v27 =	vadd.f32 v27, v16;
	v25 =	vmul.f32 $3.354626240e-04, v26  }
0x35b: {  	v20 =	vld [tilespmem:s29+$0x2C80];
	[tilespmem:s28+$0x3F80] =	vst v28;
	v22 =	vmax.f32 v22, v28;
	v23 =	vadd.f32 v21, v23  }
0x35c: {  	v21 =	vld [tilespmem:s29+$0x2C10];
	[tilespmem:s28+$0x3F90] =	vst v24;
	v26 =	vmax.f32 v22, v24;
	v22 =	vadd.f32 v25, v27;
	v16 =	vmov v30  }
0x35d: {  	s30 =	sadd.s32 $0x200, s30;
	v24 =	vld [tilespmem:s29+$0x2C00];
	[tilespmem:s28+$0x3FA0] =	vst v23;
	v23 =	vmax.f32 v26, v23  }
0x35e: {  	v25 =	vld [tilespmem:s29+$0x2B80];
	[tilespmem:s28+$0x3FB0] =	vst v22  }
0x35f: {  	v26 =	vld [tilespmem:s29+$0x2B90]  }
0x360: {  	v27 =	vld [tilespmem:s29+$0x2BA0]  }
0x361: {  	v28 =	vld [tilespmem:s29+$0x2BB0]  }
0x362: {  	v29 =	vld [tilespmem:s29+$0x2C20]  }
0x363: {  	v18 =	vmul.f32 $3.354626240e-04, v18;
	v30 =	vld [tilespmem:s29+$0x2C30];
	v25 =	vmul.f32 $3.354626240e-04, v25  }
0x364: {  	v19 =	vmul.f32 $3.354626240e-04, v19;
	v31 =	vld [tilespmem:s29+$0x2D00];
	v26 =	vmul.f32 $3.354626240e-04, v26  }
0x365: {  	v32 =	vld [tilespmem:s29+$0x2D10];
	v24 =	vmul.f32 $1.353352810e-01, v24;
	v27 =	vmul.f32 $3.354626240e-04, v27;
	v25 =	vadd.f32 $0.0e+00, v25  }
0x366: {  	v52 =	vld [tilespmem:s29+$0x2D20];
	v21 =	vmul.f32 $1.353352810e-01, v21;
	v28 =	vmul.f32 $3.354626240e-04, v28;
	v26 =	vadd.f32 $0.0e+00, v26  }
0x367: {  	v53 =	vld [tilespmem:s29+$0x2D30];
	v29 =	vmul.f32 $1.353352810e-01, v29;
	v27 =	vadd.f32 $0.0e+00, v27;
	v24 =	vadd.f32 v24, v25  }
0x368: {  	v54 =	vld [tilespmem:s29+$0x2DA0];
	v30 =	vmul.f32 $1.353352810e-01, v30;
	v28 =	vadd.f32 $0.0e+00, v28;
	v21 =	vadd.f32 v21, v26  }
0x369: {  	v55 =	vld [tilespmem:s29+$0x2DB0];
	v31 =	vmul.f32 $1.353352810e-01, v31;
	v27 =	vadd.f32 v29, v27;
	v20 =	vadd.f32 v24, v20  }
0x36a: {  	v56 =	vmul.f32 $1.353352810e-01, v32;
	v28 =	vadd.f32 v30, v28;
	v17 =	vadd.f32 v21, v17  }
0x36b: {  	v25 =	vmul.f32 $1.353352810e-01, v52;
	v15 =	vadd.f32 v27, v15;
	v20 =	vadd.f32 v31, v20  }
0x36c: {  	v57 =	vmul.f32 $1.353352810e-01, v53;
	v16 =	vadd.f32 v28, v16;
	v17 =	vadd.f32 v56, v17  }
0x36d: {  	v58 =	vmul.f32 $3.354626240e-04, v54;
	v15 =	vadd.f32 v25, v15;
	v19 =	vadd.f32 v19, v20  }
0x36e: {  	v59 =	vmul.f32 $3.354626240e-04, v55;
	v16 =	vadd.f32 v57, v16;
	v17 =	vadd.f32 v18, v17  }
0x36f: {  	v60 =	vmax.f32 v23, v22;
	v15 =	vadd.f32 v58, v15;
	[tilespmem:s29+$0x3F80] =	vst v19  }
0x370: {  	v16 =	vadd.f32 v59, v16;
	v19 =	vmax.f32 v60, v19;
	[tilespmem:s29+$0x3F90] =	vst v17  }
0x371: {  	v11 =	vmax.f32 v11, v12;
	v61 =	vmax.f32 v13, v14;
	v17 =	vmax.f32 v19, v17;
	[tilespmem:s29+$0x3FA0] =	vst v15  }
0x372: {  	v11 =	vmax.f32 v11, v61;
	[tilespmem:s29+$0x3FB0] =	vst v16;
	v62 =	vmax.f32 v17, v15  }
0x373: {  	[tilespmem:$0x5F80] =	vst v11;
	v63 =	vmax.f32 v62, v16  }
0x374: {  	[tilespmem:$0x5F90] =	vst v63  }
0x375: {  	[spmem:s9] =	stream.linear.scatter [tilespmem:s21], [sflag:$0x2], $0x20, $0x38;
	[tilespmem:$0x6220] =	vst v63  }
0x376: {  	_ =	swait.ge [sflag:s4], $0x20  }
0x377: {  	[sflag:s4] =	ssyncset.done $0x0  }
0x378: {  	[sflag:s4] =	ssyncadd.s32 $0xFFFFFFE0  }
.LBB2_23:
.Ltmp14:
0x379: {  	(pc) =	sbr.rel @!p1 .LBB2_30-.Ltmp14, $2  }
0x37a: {  	_ =	sdelay $0x1  }
0x37b: {  	[bflag:$0x0] =	sbarrier.arrive $0xFFFF;
	_ =	sdelay $0x1  }
.LBB2_24:
0x37c: {  	s0 =	simm.s32 $0x6000  }
0x37d: {  	[tilespmem:s0], [sflag:$0x2] =	stream.linear.gather [spmem:s13], $0x100, $0x38;
	[tilespmem:$0x6220] =	vst v63  }
0x37e: {  	_ =	swait.ge [sflag:s4], $0x100  }
0x37f: {  	[sflag:s4] =	ssyncset.done $0x0  }
0x380: {  	s0 =	simm.s32 @p4 $0x6100;
	[sflag:s4] =	ssyncadd.s32 $0xFFFFFF00  }
0x381: {  	[tilespmem:s0], [sflag:$0x2] =	stream.linear.gather @p4 [spmem:s15], $0x100, $0x38;
	[tilespmem:$0x6220] =	vst v63  }
0x382: {  	s0 =	simm.s32 @p4 $0x2  }
0x383: {  	_ =	swait.ge @p4 [sflag:s0], $0x100  }
0x384: {  	[sflag:s0] =	ssyncset.done @p4 $0x0  }
0x385: {  	[sflag:s0] =	ssyncadd.s32 @p4 $0xFFFFFF00  }
0x386: {  	v11 =	vld [tilespmem:$0x6000]  }
0x387: {  	v12 =	vld [tilespmem:$0x6020]  }
0x388: {  	v13 =	vld [tilespmem:$0x6040]  }
0x389: {  	v14 =	vld [tilespmem:$0x6060]  }
0x38a: {  	v15 =	vld [tilespmem:$0x6080]  }
0x38b: {  	v16 =	vld [tilespmem:$0x6010]  }
0x38c: {  	v17 =	vld [tilespmem:$0x6030]  }
0x38d: {  	v18 =	vld [tilespmem:$0x6050]  }
0x38e: {  	v19 =	vld [tilespmem:$0x6070]  }
0x38f: {  	v20 =	vld [tilespmem:$0x6090]  }
0x390: {  	v61 =	vld [tilespmem:$0x60B0];
	v11 =	vmax.f32 v11, v12;
	v12 =	vmul.f32 v16, v0  }
0x391: {  	v62 =	vld [tilespmem:$0x60D0];
	v11 =	vmax.f32 v11, v13;
	v13 =	vmul.f32 v17, v0  }
0x392: {  	v63 =	vld [tilespmem:$0x60F0];
	v11 =	vmax.f32 v11, v14;
	v12 =	vadd.f32 v12, v1;
	v14 =	vmul.f32 v18, v2  }
0x393: {  	v19 =	vmul.f32 v19, v2;
	v11 =	vmax.f32 v11, v15;
	v15 =	vld [tilespmem:$0x60A0];
	v13 =	vadd.f32 v13, v1  }
0x394: {  	v21 =	vld [tilespmem:$0x60C0];
	v20 =	vmul.f32 v20, v4;
	v12 =	vmax.f32 v12, $-1.000000020e+30;
	v14 =	vadd.f32 v14, v3  }
0x395: {  	v16 =	vmul.f32 v61, v4;
	v19 =	vadd.f32 v19, v3;
	v12 =	vmax.f32 v12, v13;
	v13 =	vld [tilespmem:$0x60E0]  }
0x396: {  	v17 =	vmul.f32 v62, v6;
	v12 =	vmax.f32 v12, v14;
	v14 =	vadd.f32 v20, v5  }
0x397: {  	v16 =	vadd.f32 v16, v5;
	v18 =	vmul.f32 v63, v6;
	v12 =	vmax.f32 v12, v19  }
0x398: {  	v11 =	vmax.f32 v11, v15;
	v12 =	vmax.f32 v12, v14;
	v14 =	vadd.f32 v17, v7  }
0x399: {  	v15 =	vadd.f32 v18, v7;
	v11 =	vmax.f32 v11, v21;
	v12 =	vmax.f32 v12, v16  }
0x39a: {  	v11 =	vmax.f32 v11, v13;
	v12 =	vmax.f32 v12, v14  }
0x39b: {  	(xrf0) =	vmax.scan.msk.f32 $0xffff, v11;
	v11 =	vmax.f32 v12, v15  }
0x39c: {  	(xrf0) =	vmax.scan.msk.f32 $0xffff, v11;
	_ =	sdelay $0x4  }
0x39d: {  	v11, _, _ =	vpop (xrf0)  }
0x39e: {  	(v2sf) =	vpush v11, $0xF;
	v11, _, _ =	vpop (xrf0)  }
0x39f: {  	(v2sf) =	vpush v11, $0xF;
	_ =	sdelay $0xd  }
0x3a0: {  	s30 =	spop (v2sf)  }
0x3a1: {  	s1 =	spop (v2sf)  }
0x3a2: {  	p0 =	seq.f32 s1, $0.0e+00;
	_ =	sdelay $0x1  }
0x3a3: {  	s1 =	simm.s32 @p0 $0x3F800000  }
0x3a4: {  	v11 =	vmov s1  }
0x3a5: {  	(erf) = vrcp.f32 v11;
	_ =	sdelay $0x4  }
0x3a6: {  	p0 =	sgt.f32 s30, $0.0e+00  }
0x3a7: {  	s0 =	simm.f32 $1.000000000e+00  }
0x3a8: {  	s0 =	simm.s32 @!p0 $0x0  }
0x3a9: {  	s31 =	ssub.f32 $1.000000000e+00, s0  }
0x3aa: {  	v11 =	vpop (erf)  }
0x3ab: {  	s28 =	simm.s32 $0x0;
	v12 =	vmov s31;
	v11 =	vmul.f32 s0, v11;
	s0 =	simm.s32 $0x200  }
.LBB2_25:
0x3ac: {  	p6 =	sne.s32 s0, $0x3E00;
	v13 =	vld.idx.msk [tilespmem:v10+s28+$0x0 ss:$0x1], $0xffff  }
0x3ad: {  	v14 =	vld [tilespmem:s28+$0x3F80];
	_ =	sdelay $0x4  }
0x3ae: {  	v13 =	vmul.f32 v13, v12;
	v14 =	vmul.f32 v14, v11;
	_ =	sdelay $0x1  }
0x3af: {  	v13 =	vadd.f32 v13, v14;
	_ =	sdelay $0x1  }
0x3b0: {  	[tilespmem:s28+$0x3F80] =	vst v13  }
0x3b1: {  	v13 =	vld.idx.msk [tilespmem:v10+s28+$0x10 ss:$0x1], $0xffff  }
0x3b2: {  	v14 =	vld [tilespmem:s28+$0x3F90];
	_ =	sdelay $0x4  }
0x3b3: {  	v13 =	vmul.f32 v13, v12;
	v14 =	vmul.f32 v14, v11;
	_ =	sdelay $0x1  }
0x3b4: {  	v13 =	vadd.f32 v13, v14;
	_ =	sdelay $0x1  }
0x3b5: {  	[tilespmem:s28+$0x3F90] =	vst v13  }
0x3b6: {  	v13 =	vld.idx.msk [tilespmem:v10+s28+$0x20 ss:$0x1], $0xffff  }
0x3b7: {  	v14 =	vld [tilespmem:s28+$0x3FA0];
	_ =	sdelay $0x4  }
0x3b8: {  	v13 =	vmul.f32 v13, v12;
	v14 =	vmul.f32 v14, v11;
	_ =	sdelay $0x1  }
0x3b9: {  	v13 =	vadd.f32 v13, v14;
	_ =	sdelay $0x1  }
0x3ba: {  	[tilespmem:s28+$0x3FA0] =	vst v13  }
0x3bb: {  	v13 =	vld.idx.msk [tilespmem:v10+s28+$0x30 ss:$0x1], $0xffff  }
0x3bc: {  	v14 =	vld [tilespmem:s28+$0x3FB0];
	_ =	sdelay $0x4  }
.Ltmp15:
0x3bd: {  	v13 =	vmul.f32 v13, v12;
	v14 =	vmul.f32 v14, v11;
	(pc) =	sbr.rel @p6 .LBB2_25-.Ltmp15, $3  }
0x3be: {  	_ = 	snop  }
0x3bf: {  	v13 =	vadd.f32 v13, v14;
	_ =	sdelay $0x1  }
0x3c0: {  	[tilespmem:s28+$0x3FB0] =	vst v13;
	s28 =	sshra.s32 s0, $0x2;
	s0 =	sadd.s32 $0x200, s0  }
0x3c1: {  	_ =	sdelay $0x3  }
0x3c2: {  	v13 =	vld.idx.msk [tilespmem:v10+s28+$0x0 ss:$0x1], $0xffff  }
0x3c3: {  	v14 =	vld [tilespmem:s28+$0x3F80];
	_ =	sdelay $0x4  }
0x3c4: {  	v14 =	vmul.f32 v14, v11;
	v13 =	vmul.f32 v13, v12;
	_ =	sdelay $0x1  }
0x3c5: {  	v13 =	vadd.f32 v13, v14;
	_ =	sdelay $0x1  }
0x3c6: {  	v60 =	vld [tilespmem:s28+$0x3F90];
	[tilespmem:s28+$0x3F80] =	vst v13  }
0x3c7: {  	v13 =	vld.idx.msk [tilespmem:v10+s28+$0x10 ss:$0x1], $0xffff;
	_ =	sdelay $0x4  }
0x3c8: {  	v14 =	vmul.f32 v60, v11;
	v13 =	vmul.f32 v13, v12;
	_ =	sdelay $0x1  }
0x3c9: {  	v13 =	vadd.f32 v13, v14;
	_ =	sdelay $0x1  }
0x3ca: {  	v61 =	vld [tilespmem:s28+$0x3FA0];
	[tilespmem:s28+$0x3F90] =	vst v13  }
0x3cb: {  	v13 =	vld.idx.msk [tilespmem:v10+s28+$0x20 ss:$0x1], $0xffff;
	_ =	sdelay $0x4  }
0x3cc: {  	v14 =	vmul.f32 v61, v11;
	v13 =	vmul.f32 v13, v12;
	_ =	sdelay $0x1  }
0x3cd: {  	v13 =	vadd.f32 v13, v14;
	_ =	sdelay $0x1  }
0x3ce: {  	v62 =	vld [tilespmem:s28+$0x3FB0];
	[tilespmem:s28+$0x3FA0] =	vst v13  }
0x3cf: {  	v13 =	vld.idx.msk [tilespmem:v10+s28+$0x30 ss:$0x1], $0xffff;
	_ =	sdelay $0x4  }
0x3d0: {  	v11 =	vmul.f32 v62, v11;
	v63 =	vmul.f32 v13, v12;
	_ =	sdelay $0x1  }
0x3d1: {  	v11 =	vadd.f32 v63, v11;
	_ =	sdelay $0x1  }
.Ltmp16:
0x3d2: {  	[tilespmem:s28+$0x3FB0] =	vst v11;
	(pc) =	sbr.rel @!p4 .LBB2_30-.Ltmp16, $4  }
0x3d3: {  	[hbm4b:s14+s2] =	stream.linear.scatter [tilespmem:s22], [sflag:$0x2], $0x1000, $0x38;
	[tilespmem:$0x6220] =	vst v63  }
0x3d4: {  	_ =	swait.ge [sflag:s4], $0x1000  }
0x3d5: {  	[sflag:s4] =	ssyncset.done $0x0  }
0x3d6: {  	[sflag:s4] =	ssyncadd.s32 $0xFFFFF000  }
0x3d7: {  	s0 =	simm.s32 $0x0;
	s1 =	simm.s32 $0x2B80  }
0x3d8: {  	[tilespmem:s1], [sflag:$0x2] =	stream.linear.gather [hbm4b:s12+s0], $0x1000, $0x38;
	[tilespmem:$0x6220] =	vst v63  }
0x3d9: {  	_ =	swait.ge [sflag:s4], $0x1000  }
0x3da: {  	[sflag:s4] =	ssyncset.done $0x0  }
0x3db: {  	[sflag:s4] =	ssyncadd.s32 $0xFFFFF000  }
0x3dc: {  	v11 =	vld [tilespmem:$0x6100]  }
0x3dd: {  	v12 =	vld [tilespmem:$0x6120]  }
0x3de: {  	v13 =	vld [tilespmem:$0x6140]  }
0x3df: {  	v14 =	vld [tilespmem:$0x6160]  }
0x3e0: {  	v15 =	vld [tilespmem:$0x6180]  }
0x3e1: {  	v16 =	vld [tilespmem:$0x6110]  }
0x3e2: {  	v17 =	vld [tilespmem:$0x6130]  }
0x3e3: {  	v18 =	vld [tilespmem:$0x6150]  }
0x3e4: {  	v19 =	vld [tilespmem:$0x6170]  }
0x3e5: {  	v20 =	vld [tilespmem:$0x6190]  }
0x3e6: {  	v11 =	vmax.f32 v11, v12;
	v12 =	vmul.f32 v16, v0;
	v16 =	vld [tilespmem:$0x61B0]  }
0x3e7: {  	v11 =	vmax.f32 v11, v13;
	v13 =	vmul.f32 v17, v0;
	v17 =	vld [tilespmem:$0x61D0]  }
0x3e8: {  	v11 =	vmax.f32 v11, v14;
	v12 =	vadd.f32 v12, v1;
	v14 =	vmul.f32 v18, v2;
	v18 =	vld [tilespmem:$0x61F0]  }
0x3e9: {  	v19 =	vmul.f32 v19, v2;
	v11 =	vmax.f32 v11, v15;
	v15 =	vld [tilespmem:$0x61A0];
	v13 =	vadd.f32 v13, v1  }
0x3ea: {  	v21 =	vld [tilespmem:$0x61C0];
	v20 =	vmul.f32 v20, v4;
	v12 =	vmax.f32 v12, $-1.000000020e+30;
	v14 =	vadd.f32 v14, v3  }
0x3eb: {  	v19 =	vadd.f32 v19, v3;
	v12 =	vmax.f32 v12, v13;
	v13 =	vld [tilespmem:$0x61E0];
	v16 =	vmul.f32 v16, v4  }
0x3ec: {  	v12 =	vmax.f32 v12, v14;
	v14 =	vadd.f32 v20, v5;
	v17 =	vmul.f32 v17, v6  }
0x3ed: {  	v12 =	vmax.f32 v12, v19;
	v16 =	vadd.f32 v16, v5;
	v18 =	vmul.f32 v18, v6  }
0x3ee: {  	v11 =	vmax.f32 v11, v15;
	v12 =	vmax.f32 v12, v14;
	v14 =	vadd.f32 v17, v7  }
0x3ef: {  	v11 =	vmax.f32 v11, v21;
	v12 =	vmax.f32 v12, v16;
	v15 =	vadd.f32 v18, v7  }
0x3f0: {  	v11 =	vmax.f32 v11, v13;
	v12 =	vmax.f32 v12, v14  }
0x3f1: {  	(xrf0) =	vmax.scan.msk.f32 $0xffff, v11;
	v11 =	vmax.f32 v12, v15  }
0x3f2: {  	(xrf0) =	vmax.scan.msk.f32 $0xffff, v11;
	_ =	sdelay $0x4  }
0x3f3: {  	v11, _, _ =	vpop (xrf0)  }
0x3f4: {  	(v2sf) =	vpush v11, $0xF;
	v11, _, _ =	vpop (xrf0)  }
0x3f5: {  	(v2sf) =	vpush v11, $0xF;
	_ =	sdelay $0xd  }
0x3f6: {  	s31 =	spop (v2sf)  }
0x3f7: {  	s0 =	spop (v2sf)  }
0x3f8: {  	p0 =	seq.f32 s0, $0.0e+00;
	_ =	sdelay $0x1  }
0x3f9: {  	s0 =	simm.s32 @p0 $0x3F800000  }
0x3fa: {  	v11 =	vmov s0  }
0x3fb: {  	(erf) = vrcp.f32 v11;
	_ =	sdelay $0x2  }
0x3fc: {  	s0 =	simm.s32 $0x0  }
0x3fd: {  	v15 =	vld [tilespmem:s0+$0x2B80]  }
0x3fe: {  	p0 =	sgt.f32 s31, $0.0e+00;
	v16 =	vld [tilespmem:s0+$0x2B90]  }
0x3ff: {  	s1 =	simm.f32 $1.000000000e+00;
	v14 =	vld [tilespmem:s0+$0x2BA0]  }
0x400: {  	s1 =	simm.s32 @!p0 $0x0;
	v13 =	vld [tilespmem:s0+$0x2BB0]  }
0x401: {  	v19 =	vld [tilespmem:s0+$0x4F80];
	s10 =	ssub.f32 $1.000000000e+00, s1  }
0x402: {  	v18 =	vld [tilespmem:s0+$0x4F90];
	v11 =	vpop (erf)  }
0x403: {  	v17 =	vld [tilespmem:s0+$0x4FA0];
	v12 =	vmov s10;
	v11 =	vmul.f32 s1, v11;
	s1 =	simm.s32 $0x200  }
.LBB2_28:
0x404: {  	p6 =	sne.s32 s1, $0x3E00;
	v20 =	vld [tilespmem:s0+$0x4FB0]  }
0x405: {  	v21 =	vld [tilespmem:s0+$0x3F80]  }
0x406: {  	v15 =	vmul.f32 v15, v11;
	v19 =	vmul.f32 v19, v12;
	v22 =	vld [tilespmem:s0+$0x3F90]  }
0x407: {  	v16 =	vmul.f32 v16, v11;
	v18 =	vmul.f32 v18, v12;
	v23 =	vld [tilespmem:s0+$0x3FA0]  }
0x408: {  	s10 =	sshra.s32 s1, $0x2;
	v14 =	vmul.f32 v14, v11;
	v19 =	vadd.f32 v19, v15;
	v17 =	vmul.f32 v17, v12;
	v24 =	vld [tilespmem:s0+$0x3FB0]  }
0x409: {  	v13 =	vmul.f32 v13, v11;
	v15 =	vld [tilespmem:s10+$0x2B80];
	v18 =	vadd.f32 v18, v16;
	v20 =	vmul.f32 v20, v12  }
0x40a: {  	v16 =	vld [tilespmem:s10+$0x2B90];
	v19 =	vmul.f32 v19, v21;
	v17 =	vadd.f32 v17, v14  }
.Ltmp17:
0x40b: {  	v14 =	vld [tilespmem:s10+$0x2BA0];
	v18 =	vmul.f32 v18, v22;
	v20 =	vadd.f32 v20, v13;
	(pc) =	sbr.rel @p6 .LBB2_28-.Ltmp17, $4  }
0x40c: {  	v13 =	vld [tilespmem:s10+$0x2BB0];
	[tilespmem:s0+$0x4F80] =	vst v19;
	v17 =	vmul.f32 v17, v23  }
0x40d: {  	v19 =	vld [tilespmem:s10+$0x4F80];
	[tilespmem:s0+$0x4F90] =	vst v18;
	v20 =	vmul.f32 v20, v24  }
0x40e: {  	v18 =	vld [tilespmem:s10+$0x4F90];
	[tilespmem:s0+$0x4FA0] =	vst v17  }
0x40f: {  	s1 =	sadd.s32 $0x200, s1;
	v17 =	vld [tilespmem:s10+$0x4FA0];
	[tilespmem:s0+$0x4FB0] =	vst v20;
	s0 =	smov.u32 s10  }
0x410: {  	v20 =	vld [tilespmem:s0+$0x4FB0]  }
0x411: {  	v21 =	vld [tilespmem:s0+$0x3F80]  }
0x412: {  	v15 =	vmul.f32 v15, v11;
	v22 =	vld [tilespmem:s0+$0x3F90];
	v19 =	vmul.f32 v19, v12  }
0x413: {  	v16 =	vmul.f32 v16, v11;
	v23 =	vld [tilespmem:s0+$0x3FA0];
	v18 =	vmul.f32 v18, v12  }
0x414: {  	v14 =	vmul.f32 v14, v11;
	v59 =	vld [tilespmem:s0+$0x3FB0];
	v15 =	vadd.f32 v19, v15;
	v17 =	vmul.f32 v17, v12  }
0x415: {  	v11 =	vmul.f32 v13, v11;
	v16 =	vadd.f32 v18, v16;
	v60 =	vmul.f32 v20, v12  }
0x416: {  	v61 =	vmul.f32 v15, v21;
	v14 =	vadd.f32 v17, v14  }
0x417: {  	v62 =	vmul.f32 v16, v22;
	v11 =	vadd.f32 v60, v11  }
0x418: {  	[tilespmem:s0+$0x4F80] =	vst v61;
	v63 =	vmul.f32 v14, v23  }
0x419: {  	[tilespmem:s0+$0x4F90] =	vst v62;
	v11 =	vmul.f32 v11, v59  }
0x41a: {  	[tilespmem:s0+$0x4FA0] =	vst v63  }
.Ltmp18:
0x41b: {  	s31 =	simm.s32 $0x4F80;
	[tilespmem:s0+$0x4FB0] =	vst v11;
	(pc) =	sbr.rel .LBB2_30-.Ltmp18, $4  }
0x41c: {  	[hbm4b:s12+s2] =	stream.linear.scatter [tilespmem:s31], [sflag:$0x2], $0x1000, $0x38;
	[tilespmem:$0x6220] =	vst v63  }
0x41d: {  	_ =	swait.ge [sflag:s4], $0x1000  }
0x41e: {  	[sflag:s4] =	ssyncset.done $0x0  }
0x41f: {  	[sflag:s4] =	ssyncadd.s32 $0xFFFFF000  }
.LBB2_31:
0x420: {  	_ =	sfence.sel $0x180000  }
0x421: {  	[bflag:$0x0] =	sbarrier.arrive $0xFFFF  }
0x422: {  	_ =	strace $0x90000047  }
0x423: {  	s0 =	stileid.u32;
	[bflag:$0x2] =	sbarrier.arrive $0xFFFF  }
0x424: {  	p0 =	sne.s32 s0, $0x0;
	s0 =	rddreg [dreg:$0x3]  }
0x425: {  	s0 =	sadd.s32 @!p0 $0x100000, s0  }
0x426: {  	[sflag:s0] =	ssyncadd.tile.s32 @!p0 $0x1;
	_ =	shalt  }
.Lfunc_end2:
_tile_overlayer_lowered:
.L_overlay_start_2:
0x427: {  	(tag) =	ssettag $0x2  }
0x428: {  	s0 =	rddreg [dreg:$0x0];
	s2 =	stileid.u32  }
0x429: {  	s1 =	rddreg [dreg:$0x1];
	p0 =	sne.s32 s2, $0x0  }
0x42a: {  	s3 =	rddreg [dreg:$0x2];
	[bflag:$0x3] =	sbarrier.arrive $0xFFFF;
	s2 =	simm.s32 @!p0 $0x1C02  }
0x42b: {  	[timem:s3], [sflag:s2] =	dma.local @!p0 [hbm:s0], s1  }
0x42c: {  	s0 =	simm.s32 @!p0 $0x2  }
0x42d: {  	_ =	swait.ge @!p0 [sflag:s0], s1  }
0x42e: {  	s1 =	ssub.s32 @!p0 $0x0, s1;
	[sflag:s0] =	ssyncset.done @!p0 $0x0  }
0x42f: {  	[sflag:s0] =	ssyncadd.s32 @!p0 s1  }
0x430: {  	[bflag:$0x3] =	sbarrier.arrive $0xFFFF  }
0x431: {  	_ =	shalt  }

</sc_bundles>
